<compile_context>
chip_gen: v7x
topology: tpu7x:2x2x1
jax: 0.10.2.dev20260603
libtpu: 0.0.44.dev20260713+nightly
codegen_flags: <defaults>
</compile_context>

<pallas_src>
import functools
import jax
import jax.numpy as jnp
from jax import lax
from jax.experimental import pallas as pl
from jax.experimental.pallas import tpu as pltpu
from jax.experimental.pallas import tpu_sc as plsc

_G = 4


def _make_sc_kernel(NR, W, H, WC, NBUF):
    info = plsc.get_sparse_core_info()
    NC, NS, L = info.num_cores, info.num_subcores, info.num_lanes
    NW = NC * NS
    rows_per_w = NR // NW
    groups_per_w = rows_per_w // _G
    n_chunks = W // WC
    n_h = H // L
    T = groups_per_w * n_chunks
    assert T % NBUF == 0
    mesh = plsc.VectorSubcoreMesh(core_axis_name="c", subcore_axis_name="s")
    buf_t = pltpu.VMEM((_G, WC, H), jnp.float32)
    scratch = [buf_t] * (2 * NBUF) + [pltpu.SemaphoreType.DMA] * (2 * NBUF)

    @functools.partial(
        pl.kernel,
        mesh=mesh,
        out_type=jax.ShapeDtypeStruct((NR, W, H), jnp.float32),
        scratch_types=scratch,
    )
    def k(x_hbm, o_hbm, *bufsem):
        ibs = bufsem[:NBUF]
        obs = bufsem[NBUF:2 * NBUF]
        sis = bufsem[2 * NBUF:3 * NBUF]
        sos = bufsem[3 * NBUF:]
        wid = lax.axis_index("s") * NC + lax.axis_index("c")
        row0 = wid * rows_per_w

        def task_slc(t):
            g = t // n_chunks
            ci = lax.rem(t, n_chunks)
            return row0 + g * _G, ci * WC

        def start_in(t, ib, sem):
            r, w0 = task_slc(t)
            pltpu.make_async_copy(
                x_hbm.at[pl.ds(r, _G), pl.ds(w0, WC), :], ib, sem).start()

        def wait_in(ib, sem):
            pltpu.make_async_copy(
                x_hbm.at[pl.ds(0, _G), pl.ds(0, WC), :], ib, sem).wait()

        def start_out(t, ob, sem):
            r, w0 = task_slc(t)
            pltpu.make_async_copy(
                ob, o_hbm.at[pl.ds(r, _G), pl.ds(w0, WC), :], sem).start()

        def wait_out(ob, sem):
            pltpu.make_async_copy(
                ob, o_hbm.at[pl.ds(0, _G), pl.ds(0, WC), :], sem).wait()

        def compute(ib, ob):
            def srow(s, c2):
                for kk in range(n_h):
                    off = kk * L
                    v0 = ib[0, s, pl.ds(off, L)]
                    v1 = ib[1, s, pl.ds(off, L)]
                    v2 = ib[2, s, pl.ds(off, L)]
                    v3 = ib[3, s, pl.ds(off, L)]
                    m = jnp.maximum(jnp.maximum(v0, v1), jnp.maximum(v2, v3))
                    z = jnp.zeros((L,), jnp.float32)
                    ob[0, s, pl.ds(off, L)] = jnp.where(v0 == m, v0, z)
                    ob[1, s, pl.ds(off, L)] = jnp.where(v1 == m, v1, z)
                    ob[2, s, pl.ds(off, L)] = jnp.where(v2 == m, v2, z)
                    ob[3, s, pl.ds(off, L)] = jnp.where(v3 == m, v3, z)
                return c2

            lax.fori_loop(0, WC, srow, 0)

        for j in range(NBUF):
            start_in(j, ibs[j], sis[j])

        def rnd(p, carry):
            t = p * NBUF
            for j in range(NBUF):
                tt = t + j
                wait_in(ibs[j], sis[j])

                @pl.when(tt >= NBUF)
                def _():
                    wait_out(obs[j], sos[j])

                compute(ibs[j], obs[j])
                start_out(tt, obs[j], sos[j])

                @pl.when(tt + NBUF < T)
                def _():
                    start_in(tt + NBUF, ibs[j], sis[j])

            return carry

        lax.fori_loop(0, T // NBUF, rnd, 0)
        for j in range(NBUF):
            wait_out(obs[j], sos[j])

    return k


def kernel(x):
    B, C, W, H = x.shape
    NR = B * C
    x3 = x.reshape(NR, W, H)
    out = _make_sc_kernel(NR, W, H, 32, 2)(x3)
    return out.reshape(B, C, W, H)

# --- scband reference (transcript-rebuilt; emitter-appended) ---
"""Pipeline reference for scband-cgm-20779051778567 (READ-ONLY COPY).

The authoritative reference and input builder live on the scoring server;
editing this copy changes nothing except your own understanding.
"""

import jax, jax.numpy as jnp
import numpy as np

GROUP_SIZE = 4


def setup_inputs(seed: int = 0) -> dict:
    key = jax.random.key(seed)
    x = jax.random.normal(key, (4, 384, 224, 224), dtype=jnp.float32)
    return {"x": x}


def reference(x):
    # CGM (channel group max): within each consecutive group of `GROUP_SIZE`
    # channels, keep only the max value(s) and zero out the rest.
    # Torch reference permutes to (W, H, B, C) then views (-1, group_size),
    # which groups consecutive channels; equivalent to reshaping the channel
    # axis into (C // g, g) and taking the max over the group axis.
    B, C, W, H = x.shape
    g = GROUP_SIZE
    xg = x.reshape(B, C // g, g, W, H)
    m = jnp.max(xg, axis=2, keepdims=True)
    hg = jnp.where(xg == m, xg, jnp.zeros_like(xg))
    return hg.reshape(B, C, W, H)

if __name__ == "__main__":
    import jax
    _d = setup_inputs()
    print(jax.jit(kernel)(*tuple(_d.values())))

</pallas_src>

<mosaic_0001>
#map = affine_map<(d0, d1) -> (0, 0, 0)>
module attributes {stable_mosaic.version = 14 : i64} {
  func.func @k(%arg0: i32, %arg1: i32, %arg2: memref<1536x224x224xf32, #tpu.memory_space<hbm>>, %arg3: memref<1536x224x224xf32, #tpu.memory_space<hbm>>, %arg4: memref<4x32x224xf32, #tpu.memory_space<vmem>>, %arg5: memref<4x32x224xf32, #tpu.memory_space<vmem>>, %arg6: memref<4x32x224xf32, #tpu.memory_space<vmem>>, %arg7: memref<4x32x224xf32, #tpu.memory_space<vmem>>, %arg8: memref<!tpu.dma_semaphore, #tpu.memory_space<semaphore_mem>>, %arg9: memref<!tpu.dma_semaphore, #tpu.memory_space<semaphore_mem>>, %arg10: memref<!tpu.dma_semaphore, #tpu.memory_space<semaphore_mem>>, %arg11: memref<!tpu.dma_semaphore, #tpu.memory_space<semaphore_mem>>) attributes {dimension_semantics = [#tpu.dimension_semantics<core_parallel>, #tpu.dimension_semantics<subcore_parallel>], iteration_bounds = array<i64: 2, 16>, scalar_prefetch = 0 : i64, scratch_operands = 8 : i64, tpu.core_type = #tpu.core_type<sc_vector_subcore>, window_params = [{transform_indices = #map}, {transform_indices = #map}]} {
    %mul3A = arith.constant 2 : i32
    %mul3A_0 = arith.muli %arg1, %mul3A : i32
    %add3A = arith.addi %mul3A_0, %arg0 : i32
    %mul3A_1 = arith.constant 48 : i32
    %mul3A_2 = arith.muli %add3A, %mul3A_1 : i32
    %rem3A = arith.constant 0 : i32
    %rem3A_3 = arith.constant 7 : i32
    %rem3A_4 = arith.remsi %rem3A, %rem3A_3 : i32
    %add3A_5 = arith.constant 0 : i32
    %add3A_6 = arith.addi %mul3A_2, %add3A_5 : i32
    %mul3A_7 = arith.constant 32 : i32
    %mul3A_8 = arith.muli %rem3A_4, %mul3A_7 : i32
    %dma_start3A = arith.constant 0 : i32
    %dma_start3A_9 = tpu.memref_slice %arg2[%add3A_6, %mul3A_8, %dma_start3A] : memref<1536x224x224xf32, #tpu.memory_space<hbm>> -> memref<4x32x224xf32, #tpu.memory_space<hbm>>
    %dma_start3A_10 = arith.constant 0 : i32
    %dma_start3A_11 = tpu.memref_slice %arg2[%add3A_6, %mul3A_8, %dma_start3A_10] : memref<1536x224x224xf32, #tpu.memory_space<hbm>> -> memref<4x32x224xf32, #tpu.memory_space<hbm>>
    tpu.enqueue_dma source(%dma_start3A_11 : memref<4x32x224xf32, #tpu.memory_space<hbm>>) target(%arg4 : memref<4x32x224xf32, #tpu.memory_space<vmem>>) target_semaphore(%arg8 : memref<!tpu.dma_semaphore, #tpu.memory_space<semaphore_mem>>)
    %rem3A_12 = arith.constant 1 : i32
    %rem3A_13 = arith.constant 7 : i32
    %rem3A_14 = arith.remsi %rem3A_12, %rem3A_13 : i32
    %add3A_15 = arith.constant 0 : i32
    %add3A_16 = arith.addi %mul3A_2, %add3A_15 : i32
    %mul3A_17 = arith.constant 32 : i32
    %mul3A_18 = arith.muli %rem3A_14, %mul3A_17 : i32
    %dma_start3A_19 = arith.constant 0 : i32
    %dma_start3A_20 = tpu.memref_slice %arg2[%add3A_16, %mul3A_18, %dma_start3A_19] : memref<1536x224x224xf32, #tpu.memory_space<hbm>> -> memref<4x32x224xf32, #tpu.memory_space<hbm>>
    %dma_start3A_21 = arith.constant 0 : i32
    %dma_start3A_22 = tpu.memref_slice %arg2[%add3A_16, %mul3A_18, %dma_start3A_21] : memref<1536x224x224xf32, #tpu.memory_space<hbm>> -> memref<4x32x224xf32, #tpu.memory_space<hbm>>
    tpu.enqueue_dma source(%dma_start3A_22 : memref<4x32x224xf32, #tpu.memory_space<hbm>>) target(%arg5 : memref<4x32x224xf32, #tpu.memory_space<vmem>>) target_semaphore(%arg9 : memref<!tpu.dma_semaphore, #tpu.memory_space<semaphore_mem>>)
    %scan3A = arith.constant 0 : i32
    %scan3A_23 = arith.constant 0 : i32
    %scan3A_24 = arith.constant 42 : i32
    %scan3A_25 = arith.addi %scan3A_23, %scan3A_24 : i32
    %scan3A_26 = arith.constant 1 : i32
    scf.for %scan3A_43 = %scan3A_23 to %scan3A_25 step %scan3A_26  : i32 {
      %mul3A_44 = arith.constant 2 : i32
      %mul3A_45 = arith.muli %scan3A_43, %mul3A_44 : i32
      %add3A_46 = arith.constant 0 : i32
      %add3A_47 = arith.addi %mul3A_45, %add3A_46 : i32
      %dma_wait3A_48 = arith.constant 0 : i32
      %dma_wait3A_49 = arith.constant 0 : i32
      %dma_wait3A_50 = arith.constant 0 : i32
      %dma_wait3A_51 = tpu.memref_slice %arg2[%dma_wait3A_48, %dma_wait3A_49, %dma_wait3A_50] : memref<1536x224x224xf32, #tpu.memory_space<hbm>> -> memref<4x32x224xf32, #tpu.memory_space<hbm>>
      %dma_wait3A_52 = arith.constant 0 : i32
      %dma_wait3A_53 = arith.constant 0 : i32
      %dma_wait3A_54 = arith.constant 0 : i32
      %dma_wait3A_55 = tpu.memref_slice %arg2[%dma_wait3A_52, %dma_wait3A_53, %dma_wait3A_54] : memref<1536x224x224xf32, #tpu.memory_space<hbm>> -> memref<4x32x224xf32, #tpu.memory_space<hbm>>
      tpu.wait_dma2 semaphore(%arg8 : memref<!tpu.dma_semaphore, #tpu.memory_space<semaphore_mem>>) src(%dma_wait3A_55 : memref<4x32x224xf32, #tpu.memory_space<hbm>>) dst(%arg4 : memref<4x32x224xf32, #tpu.memory_space<vmem>>)
      %ge3A = arith.constant 2 : i32
      %ge3A_56 = arith.cmpi sge, %add3A_47, %ge3A : i32
      %convert_element_type3A = arith.extui %ge3A_56 : i1 to i32
      %cond3A = arith.constant 0 : i32
      %cond3A_57 = arith.cmpi ne, %convert_element_type3A, %cond3A : i32
      scf.if %cond3A_57 {
        %dma_wait3A_161 = arith.constant 0 : i32
        %dma_wait3A_162 = arith.constant 0 : i32
        %dma_wait3A_163 = arith.constant 0 : i32
        %dma_wait3A_164 = tpu.memref_slice %arg3[%dma_wait3A_161, %dma_wait3A_162, %dma_wait3A_163] : memref<1536x224x224xf32, #tpu.memory_space<hbm>> -> memref<4x32x224xf32, #tpu.memory_space<hbm>>
        %dma_wait3A_165 = arith.constant 0 : i32
        %dma_wait3A_166 = arith.constant 0 : i32
        %dma_wait3A_167 = arith.constant 0 : i32
        %dma_wait3A_168 = tpu.memref_slice %arg3[%dma_wait3A_165, %dma_wait3A_166, %dma_wait3A_167] : memref<1536x224x224xf32, #tpu.memory_space<hbm>> -> memref<4x32x224xf32, #tpu.memory_space<hbm>>
        tpu.wait_dma2 semaphore(%arg10 : memref<!tpu.dma_semaphore, #tpu.memory_space<semaphore_mem>>) src(%arg6 : memref<4x32x224xf32, #tpu.memory_space<vmem>>) dst(%dma_wait3A_168 : memref<4x32x224xf32, #tpu.memory_space<hbm>>)
      } else {
      }
      %scan3A_58 = arith.constant 0 : i32
      %scan3A_59 = arith.constant 0 : i32
      %scan3A_60 = arith.constant 32 : i32
      %scan3A_61 = arith.addi %scan3A_59, %scan3A_60 : i32
      %scan3A_62 = arith.constant 1 : i32
      scf.for %scan3A_161 = %scan3A_59 to %scan3A_61 step %scan3A_62  : i32 {
        %get3A = arith.constant 0 : i32
        %get3A_162 = arith.index_cast %get3A : i32 to index
        %get3A_163 = arith.index_cast %scan3A_161 : i32 to index
        %get3A_164 = arith.constant 0 : index
        %get3A_165 = tpu.vector_load %arg4[%get3A_162, %get3A_163, %get3A_164] {strides = array<i32>} : memref<4x32x224xf32, #tpu.memory_space<vmem>>, vector<1x1x16xf32>,
        %get3A_166 = vector.shape_cast %get3A_165 : vector<1x1x16xf32> to vector<16xf32>
        %get3A_167 = arith.constant 1 : i32
        %get3A_168 = arith.index_cast %get3A_167 : i32 to index
        %get3A_169 = arith.index_cast %scan3A_161 : i32 to index
        %get3A_170 = arith.constant 0 : index
        %get3A_171 = tpu.vector_load %arg4[%get3A_168, %get3A_169, %get3A_170] {strides = array<i32>} : memref<4x32x224xf32, #tpu.memory_space<vmem>>, vector<1x1x16xf32>,
        %get3A_172 = vector.shape_cast %get3A_171 : vector<1x1x16xf32> to vector<16xf32>
        %get3A_173 = arith.constant 2 : i32
        %get3A_174 = arith.index_cast %get3A_173 : i32 to index
        %get3A_175 = arith.index_cast %scan3A_161 : i32 to index
        %get3A_176 = arith.constant 0 : index
        %get3A_177 = tpu.vector_load %arg4[%get3A_174, %get3A_175, %get3A_176] {strides = array<i32>} : memref<4x32x224xf32, #tpu.memory_space<vmem>>, vector<1x1x16xf32>,
        %get3A_178 = vector.shape_cast %get3A_177 : vector<1x1x16xf32> to vector<16xf32>
        %get3A_179 = arith.constant 3 : i32
        %get3A_180 = arith.index_cast %get3A_179 : i32 to index
        %get3A_181 = arith.index_cast %scan3A_161 : i32 to index
        %get3A_182 = arith.constant 0 : index
        %get3A_183 = tpu.vector_load %arg4[%get3A_180, %get3A_181, %get3A_182] {strides = array<i32>} : memref<4x32x224xf32, #tpu.memory_space<vmem>>, vector<1x1x16xf32>,
        %get3A_184 = vector.shape_cast %get3A_183 : vector<1x1x16xf32> to vector<16xf32>
        %max3A = arith.maximumf %get3A_166, %get3A_172 : vector<16xf32>
        %max3A_185 = arith.maximumf %get3A_178, %get3A_184 : vector<16xf32>
        %max3A_186 = arith.maximumf %max3A, %max3A_185 : vector<16xf32>
        %broadcast_in_dim3A = arith.constant 0.000000e+00 : f32
        %broadcast_in_dim3A_187 = vector.broadcast %broadcast_in_dim3A : f32 to vector<16xf32>
        %eq3A = arith.cmpf oeq, %get3A_166, %max3A_186 : vector<16xf32>
        %select_n3A_188 = arith.select %eq3A, %get3A_166, %broadcast_in_dim3A_187 : vector<16xi1>, vector<16xf32>
        %swap3A = arith.constant 0 : i32
        %swap3A_189 = arith.index_cast %swap3A : i32 to index
        %swap3A_190 = arith.index_cast %scan3A_161 : i32 to index
        %swap3A_191 = arith.constant 0 : index
        %swap3A_192 = tpu.vector_load %arg6[%swap3A_189, %swap3A_190, %swap3A_191] {strides = array<i32>} : memref<4x32x224xf32, #tpu.memory_space<vmem>>, vector<1x1x16xf32>,
        %swap3A_193 = vector.shape_cast %swap3A_192 : vector<1x1x16xf32> to vector<16xf32>
        %swap3A_194 = vector.shape_cast %select_n3A_188 : vector<16xf32> to vector<1x1x16xf32>
        tpu.vector_store %arg6[%swap3A_189, %swap3A_190, %swap3A_191], %swap3A_194 {strides = array<i32>} : memref<4x32x224xf32, #tpu.memory_space<vmem>>, vector<1x1x16xf32>,
        %eq3A_195 = arith.cmpf oeq, %get3A_172, %max3A_186 : vector<16xf32>
        %select_n3A_196 = arith.select %eq3A_195, %get3A_172, %broadcast_in_dim3A_187 : vector<16xi1>, vector<16xf32>
        %swap3A_197 = arith.constant 1 : i32
        %swap3A_198 = arith.index_cast %swap3A_197 : i32 to index
        %swap3A_199 = arith.index_cast %scan3A_161 : i32 to index
        %swap3A_200 = arith.constant 0 : index
        %swap3A_201 = tpu.vector_load %arg6[%swap3A_198, %swap3A_199, %swap3A_200] {strides = array<i32>} : memref<4x32x224xf32, #tpu.memory_space<vmem>>, vector<1x1x16xf32>,
        %swap3A_202 = vector.shape_cast %swap3A_201 : vector<1x1x16xf32> to vector<16xf32>
        %swap3A_203 = vector.shape_cast %select_n3A_196 : vector<16xf32> to vector<1x1x16xf32>
        tpu.vector_store %arg6[%swap3A_198, %swap3A_199, %swap3A_200], %swap3A_203 {strides = array<i32>} : memref<4x32x224xf32, #tpu.memory_space<vmem>>, vector<1x1x16xf32>,
        %eq3A_204 = arith.cmpf oeq, %get3A_178, %max3A_186 : vector<16xf32>
        %select_n3A_205 = arith.select %eq3A_204, %get3A_178, %broadcast_in_dim3A_187 : vector<16xi1>, vector<16xf32>
        %swap3A_206 = arith.constant 2 : i32
        %swap3A_207 = arith.index_cast %swap3A_206 : i32 to index
        %swap3A_208 = arith.index_cast %scan3A_161 : i32 to index
        %swap3A_209 = arith.constant 0 : index
        %swap3A_210 = tpu.vector_load %arg6[%swap3A_207, %swap3A_208, %swap3A_209] {strides = array<i32>} : memref<4x32x224xf32, #tpu.memory_space<vmem>>, vector<1x1x16xf32>,
        %swap3A_211 = vector.shape_cast %swap3A_210 : vector<1x1x16xf32> to vector<16xf32>
        %swap3A_212 = vector.shape_cast %select_n3A_205 : vector<16xf32> to vector<1x1x16xf32>
        tpu.vector_store %arg6[%swap3A_207, %swap3A_208, %swap3A_209], %swap3A_212 {strides = array<i32>} : memref<4x32x224xf32, #tpu.memory_space<vmem>>, vector<1x1x16xf32>,
        %eq3A_213 = arith.cmpf oeq, %get3A_184, %max3A_186 : vector<16xf32>
        %select_n3A_214 = arith.select %eq3A_213, %get3A_184, %broadcast_in_dim3A_187 : vector<16xi1>, vector<16xf32>
        %swap3A_215 = arith.constant 3 : i32
        %swap3A_216 = arith.index_cast %swap3A_215 : i32 to index
        %swap3A_217 = arith.index_cast %scan3A_161 : i32 to index
        %swap3A_218 = arith.constant 0 : index
        %swap3A_219 = tpu.vector_load %arg6[%swap3A_216, %swap3A_217, %swap3A_218] {strides = array<i32>} : memref<4x32x224xf32, #tpu.memory_space<vmem>>, vector<1x1x16xf32>,
        %swap3A_220 = vector.shape_cast %swap3A_219 : vector<1x1x16xf32> to vector<16xf32>
        %swap3A_221 = vector.shape_cast %select_n3A_214 : vector<16xf32> to vector<1x1x16xf32>
        tpu.vector_store %arg6[%swap3A_216, %swap3A_217, %swap3A_218], %swap3A_221 {strides = array<i32>} : memref<4x32x224xf32, #tpu.memory_space<vmem>>, vector<1x1x16xf32>,
        %get3A_222 = arith.constant 0 : i32
        %get3A_223 = arith.index_cast %get3A_222 : i32 to index
        %get3A_224 = arith.index_cast %scan3A_161 : i32 to index
        %get3A_225 = arith.constant 16 : index
        %get3A_226 = tpu.vector_load %arg4[%get3A_223, %get3A_224, %get3A_225] {strides = array<i32>} : memref<4x32x224xf32, #tpu.memory_space<vmem>>, vector<1x1x16xf32>,
        %get3A_227 = vector.shape_cast %get3A_226 : vector<1x1x16xf32> to vector<16xf32>
        %get3A_228 = arith.constant 1 : i32
        %get3A_229 = arith.index_cast %get3A_228 : i32 to index
        %get3A_230 = arith.index_cast %scan3A_161 : i32 to index
        %get3A_231 = arith.constant 16 : index
        %get3A_232 = tpu.vector_load %arg4[%get3A_229, %get3A_230, %get3A_231] {strides = array<i32>} : memref<4x32x224xf32, #tpu.memory_space<vmem>>, vector<1x1x16xf32>,
        %get3A_233 = vector.shape_cast %get3A_232 : vector<1x1x16xf32> to vector<16xf32>
        %get3A_234 = arith.constant 2 : i32
        %get3A_235 = arith.index_cast %get3A_234 : i32 to index
        %get3A_236 = arith.index_cast %scan3A_161 : i32 to index
        %get3A_237 = arith.constant 16 : index
        %get3A_238 = tpu.vector_load %arg4[%get3A_235, %get3A_236, %get3A_237] {strides = array<i32>} : memref<4x32x224xf32, #tpu.memory_space<vmem>>, vector<1x1x16xf32>,
        %get3A_239 = vector.shape_cast %get3A_238 : vector<1x1x16xf32> to vector<16xf32>
        %get3A_240 = arith.constant 3 : i32
        %get3A_241 = arith.index_cast %get3A_240 : i32 to index
        %get3A_242 = arith.index_cast %scan3A_161 : i32 to index
        %get3A_243 = arith.constant 16 : index
        %get3A_244 = tpu.vector_load %arg4[%get3A_241, %get3A_242, %get3A_243] {strides = array<i32>} : memref<4x32x224xf32, #tpu.memory_space<vmem>>, vector<1x1x16xf32>,
        %get3A_245 = vector.shape_cast %get3A_244 : vector<1x1x16xf32> to vector<16xf32>
        %max3A_246 = arith.maximumf %get3A_227, %get3A_233 : vector<16xf32>
        %max3A_247 = arith.maximumf %get3A_239, %get3A_245 : vector<16xf32>
        %max3A_248 = arith.maximumf %max3A_246, %max3A_247 : vector<16xf32>
        %broadcast_in_dim3A_249 = arith.constant 0.000000e+00 : f32
        %broadcast_in_dim3A_250 = vector.broadcast %broadcast_in_dim3A_249 : f32 to vector<16xf32>
        %eq3A_251 = arith.cmpf oeq, %get3A_227, %max3A_248 : vector<16xf32>
        %select_n3A_252 = arith.select %eq3A_251, %get3A_227, %broadcast_in_dim3A_250 : vector<16xi1>, vector<16xf32>
        %swap3A_253 = arith.constant 0 : i32
        %swap3A_254 = arith.index_cast %swap3A_253 : i32 to index
        %swap3A_255 = arith.index_cast %scan3A_161 : i32 to index
        %swap3A_256 = arith.constant 16 : index
        %swap3A_257 = tpu.vector_load %arg6[%swap3A_254, %swap3A_255, %swap3A_256] {strides = array<i32>} : memref<4x32x224xf32, #tpu.memory_space<vmem>>, vector<1x1x16xf32>,
        %swap3A_258 = vector.shape_cast %swap3A_257 : vector<1x1x16xf32> to vector<16xf32>
        %swap3A_259 = vector.shape_cast %select_n3A_252 : vector<16xf32> to vector<1x1x16xf32>
        tpu.vector_store %arg6[%swap3A_254, %swap3A_255, %swap3A_256], %swap3A_259 {strides = array<i32>} : memref<4x32x224xf32, #tpu.memory_space<vmem>>, vector<1x1x16xf32>,
        %eq3A_260 = arith.cmpf oeq, %get3A_233, %max3A_248 : vector<16xf32>
        %select_n3A_261 = arith.select %eq3A_260, %get3A_233, %broadcast_in_dim3A_250 : vector<16xi1>, vector<16xf32>
        %swap3A_262 = arith.constant 1 : i32
        %swap3A_263 = arith.index_cast %swap3A_262 : i32 to index
        %swap3A_264 = arith.index_cast %scan3A_161 : i32 to index
        %swap3A_265 = arith.constant 16 : index
        %swap3A_266 = tpu.vector_load %arg6[%swap3A_263, %swap3A_264, %swap3A_265] {strides = array<i32>} : memref<4x32x224xf32, #tpu.memory_space<vmem>>, vector<1x1x16xf32>,
        %swap3A_267 = vector.shape_cast %swap3A_266 : vector<1x1x16xf32> to vector<16xf32>
        %swap3A_268 = vector.shape_cast %select_n3A_261 : vector<16xf32> to vector<1x1x16xf32>
        tpu.vector_store %arg6[%swap3A_263, %swap3A_264, %swap3A_265], %swap3A_268 {strides = array<i32>} : memref<4x32x224xf32, #tpu.memory_space<vmem>>, vector<1x1x16xf32>,
        %eq3A_269 = arith.cmpf oeq, %get3A_239, %max3A_248 : vector<16xf32>
        %select_n3A_270 = arith.select %eq3A_269, %get3A_239, %broadcast_in_dim3A_250 : vector<16xi1>, vector<16xf32>
        %swap3A_271 = arith.constant 2 : i32
        %swap3A_272 = arith.index_cast %swap3A_271 : i32 to index
        %swap3A_273 = arith.index_cast %scan3A_161 : i32 to index
        %swap3A_274 = arith.constant 16 : index
        %swap3A_275 = tpu.vector_load %arg6[%swap3A_272, %swap3A_273, %swap3A_274] {strides = array<i32>} : memref<4x32x224xf32, #tpu.memory_space<vmem>>, vector<1x1x16xf32>,
        %swap3A_276 = vector.shape_cast %swap3A_275 : vector<1x1x16xf32> to vector<16xf32>
        %swap3A_277 = vector.shape_cast %select_n3A_270 : vector<16xf32> to vector<1x1x16xf32>
        tpu.vector_store %arg6[%swap3A_272, %swap3A_273, %swap3A_274], %swap3A_277 {strides = array<i32>} : memref<4x32x224xf32, #tpu.memory_space<vmem>>, vector<1x1x16xf32>,
        %eq3A_278 = arith.cmpf oeq, %get3A_245, %max3A_248 : vector<16xf32>
        %select_n3A_279 = arith.select %eq3A_278, %get3A_245, %broadcast_in_dim3A_250 : vector<16xi1>, vector<16xf32>
        %swap3A_280 = arith.constant 3 : i32
        %swap3A_281 = arith.index_cast %swap3A_280 : i32 to index
        %swap3A_282 = arith.index_cast %scan3A_161 : i32 to index
        %swap3A_283 = arith.constant 16 : index
        %swap3A_284 = tpu.vector_load %arg6[%swap3A_281, %swap3A_282, %swap3A_283] {strides = array<i32>} : memref<4x32x224xf32, #tpu.memory_space<vmem>>, vector<1x1x16xf32>,
        %swap3A_285 = vector.shape_cast %swap3A_284 : vector<1x1x16xf32> to vector<16xf32>
        %swap3A_286 = vector.shape_cast %select_n3A_279 : vector<16xf32> to vector<1x1x16xf32>
        tpu.vector_store %arg6[%swap3A_281, %swap3A_282, %swap3A_283], %swap3A_286 {strides = array<i32>} : memref<4x32x224xf32, #tpu.memory_space<vmem>>, vector<1x1x16xf32>,
        %get3A_287 = arith.constant 0 : i32
        %get3A_288 = arith.index_cast %get3A_287 : i32 to index
        %get3A_289 = arith.index_cast %scan3A_161 : i32 to index
        %get3A_290 = arith.constant 32 : index
        %get3A_291 = tpu.vector_load %arg4[%get3A_288, %get3A_289, %get3A_290] {strides = array<i32>} : memref<4x32x224xf32, #tpu.memory_space<vmem>>, vector<1x1x16xf32>,
        %get3A_292 = vector.shape_cast %get3A_291 : vector<1x1x16xf32> to vector<16xf32>
        %get3A_293 = arith.constant 1 : i32
        %get3A_294 = arith.index_cast %get3A_293 : i32 to index
        %get3A_295 = arith.index_cast %scan3A_161 : i32 to index
        %get3A_296 = arith.constant 32 : index
        %get3A_297 = tpu.vector_load %arg4[%get3A_294, %get3A_295, %get3A_296] {strides = array<i32>} : memref<4x32x224xf32, #tpu.memory_space<vmem>>, vector<1x1x16xf32>,
        %get3A_298 = vector.shape_cast %get3A_297 : vector<1x1x16xf32> to vector<16xf32>
        %get3A_299 = arith.constant 2 : i32
        %get3A_300 = arith.index_cast %get3A_299 : i32 to index
        %get3A_301 = arith.index_cast %scan3A_161 : i32 to index
        %get3A_302 = arith.constant 32 : index
        %get3A_303 = tpu.vector_load %arg4[%get3A_300, %get3A_301, %get3A_302] {strides = array<i32>} : memref<4x32x224xf32, #tpu.memory_space<vmem>>, vector<1x1x16xf32>,
        %get3A_304 = vector.shape_cast %get3A_303 : vector<1x1x16xf32> to vector<16xf32>
        %get3A_305 = arith.constant 3 : i32
        %get3A_306 = arith.index_cast %get3A_305 : i32 to index
        %get3A_307 = arith.index_cast %scan3A_161 : i32 to index
        %get3A_308 = arith.constant 32 : index
        %get3A_309 = tpu.vector_load %arg4[%get3A_306, %get3A_307, %get3A_308] {strides = array<i32>} : memref<4x32x224xf32, #tpu.memory_space<vmem>>, vector<1x1x16xf32>,
        %get3A_310 = vector.shape_cast %get3A_309 : vector<1x1x16xf32> to vector<16xf32>
        %max3A_311 = arith.maximumf %get3A_292, %get3A_298 : vector<16xf32>
        %max3A_312 = arith.maximumf %get3A_304, %get3A_310 : vector<16xf32>
        %max3A_313 = arith.maximumf %max3A_311, %max3A_312 : vector<16xf32>
        %broadcast_in_dim3A_314 = arith.constant 0.000000e+00 : f32
        %broadcast_in_dim3A_315 = vector.broadcast %broadcast_in_dim3A_314 : f32 to vector<16xf32>
        %eq3A_316 = arith.cmpf oeq, %get3A_292, %max3A_313 : vector<16xf32>
        %select_n3A_317 = arith.select %eq3A_316, %get3A_292, %broadcast_in_dim3A_315 : vector<16xi1>, vector<16xf32>
        %swap3A_318 = arith.constant 0 : i32
        %swap3A_319 = arith.index_cast %swap3A_318 : i32 to index
        %swap3A_320 = arith.index_cast %scan3A_161 : i32 to index
        %swap3A_321 = arith.constant 32 : index
        %swap3A_322 = tpu.vector_load %arg6[%swap3A_319, %swap3A_320, %swap3A_321] {strides = array<i32>} : memref<4x32x224xf32, #tpu.memory_space<vmem>>, vector<1x1x16xf32>,
        %swap3A_323 = vector.shape_cast %swap3A_322 : vector<1x1x16xf32> to vector<16xf32>
        %swap3A_324 = vector.shape_cast %select_n3A_317 : vector<16xf32> to vector<1x1x16xf32>
        tpu.vector_store %arg6[%swap3A_319, %swap3A_320, %swap3A_321], %swap3A_324 {strides = array<i32>} : memref<4x32x224xf32, #tpu.memory_space<vmem>>, vector<1x1x16xf32>,
        %eq3A_325 = arith.cmpf oeq, %get3A_298, %max3A_313 : vector<16xf32>
        %select_n3A_326 = arith.select %eq3A_325, %get3A_298, %broadcast_in_dim3A_315 : vector<16xi1>, vector<16xf32>
        %swap3A_327 = arith.constant 1 : i32
        %swap3A_328 = arith.index_cast %swap3A_327 : i32 to index
        %swap3A_329 = arith.index_cast %scan3A_161 : i32 to index
        %swap3A_330 = arith.constant 32 : index
        %swap3A_331 = tpu.vector_load %arg6[%swap3A_328, %swap3A_329, %swap3A_330] {strides = array<i32>} : memref<4x32x224xf32, #tpu.memory_space<vmem>>, vector<1x1x16xf32>,
        %swap3A_332 = vector.shape_cast %swap3A_331 : vector<1x1x16xf32> to vector<16xf32>
        %swap3A_333 = vector.shape_cast %select_n3A_326 : vector<16xf32> to vector<1x1x16xf32>
        tpu.vector_store %arg6[%swap3A_328, %swap3A_329, %swap3A_330], %swap3A_333 {strides = array<i32>} : memref<4x32x224xf32, #tpu.memory_space<vmem>>, vector<1x1x16xf32>,
        %eq3A_334 = arith.cmpf oeq, %get3A_304, %max3A_313 : vector<16xf32>
        %select_n3A_335 = arith.select %eq3A_334, %get3A_304, %broadcast_in_dim3A_315 : vector<16xi1>, vector<16xf32>
        %swap3A_336 = arith.constant 2 : i32
        %swap3A_337 = arith.index_cast %swap3A_336 : i32 to index
        %swap3A_338 = arith.index_cast %scan3A_161 : i32 to index
        %swap3A_339 = arith.constant 32 : index
        %swap3A_340 = tpu.vector_load %arg6[%swap3A_337, %swap3A_338, %swap3A_339] {strides = array<i32>} : memref<4x32x224xf32, #tpu.memory_space<vmem>>, vector<1x1x16xf32>,
        %swap3A_341 = vector.shape_cast %swap3A_340 : vector<1x1x16xf32> to vector<16xf32>
        %swap3A_342 = vector.shape_cast %select_n3A_335 : vector<16xf32> to vector<1x1x16xf32>
        tpu.vector_store %arg6[%swap3A_337, %swap3A_338, %swap3A_339], %swap3A_342 {strides = array<i32>} : memref<4x32x224xf32, #tpu.memory_space<vmem>>, vector<1x1x16xf32>,
        %eq3A_343 = arith.cmpf oeq, %get3A_310, %max3A_313 : vector<16xf32>
        %select_n3A_344 = arith.select %eq3A_343, %get3A_310, %broadcast_in_dim3A_315 : vector<16xi1>, vector<16xf32>
        %swap3A_345 = arith.constant 3 : i32
        %swap3A_346 = arith.index_cast %swap3A_345 : i32 to index
        %swap3A_347 = arith.index_cast %scan3A_161 : i32 to index
        %swap3A_348 = arith.constant 32 : index
        %swap3A_349 = tpu.vector_load %arg6[%swap3A_346, %swap3A_347, %swap3A_348] {strides = array<i32>} : memref<4x32x224xf32, #tpu.memory_space<vmem>>, vector<1x1x16xf32>,
        %swap3A_350 = vector.shape_cast %swap3A_349 : vector<1x1x16xf32> to vector<16xf32>
        %swap3A_351 = vector.shape_cast %select_n3A_344 : vector<16xf32> to vector<1x1x16xf32>
        tpu.vector_store %arg6[%swap3A_346, %swap3A_347, %swap3A_348], %swap3A_351 {strides = array<i32>} : memref<4x32x224xf32, #tpu.memory_space<vmem>>, vector<1x1x16xf32>,
        %get3A_352 = arith.constant 0 : i32
        %get3A_353 = arith.index_cast %get3A_352 : i32 to index
        %get3A_354 = arith.index_cast %scan3A_161 : i32 to index
        %get3A_355 = arith.constant 48 : index
        %get3A_356 = tpu.vector_load %arg4[%get3A_353, %get3A_354, %get3A_355] {strides = array<i32>} : memref<4x32x224xf32, #tpu.memory_space<vmem>>, vector<1x1x16xf32>,
        %get3A_357 = vector.shape_cast %get3A_356 : vector<1x1x16xf32> to vector<16xf32>
        %get3A_358 = arith.constant 1 : i32
        %get3A_359 = arith.index_cast %get3A_358 : i32 to index
        %get3A_360 = arith.index_cast %scan3A_161 : i32 to index
        %get3A_361 = arith.constant 48 : index
        %get3A_362 = tpu.vector_load %arg4[%get3A_359, %get3A_360, %get3A_361] {strides = array<i32>} : memref<4x32x224xf32, #tpu.memory_space<vmem>>, vector<1x1x16xf32>,
        %get3A_363 = vector.shape_cast %get3A_362 : vector<1x1x16xf32> to vector<16xf32>
        %get3A_364 = arith.constant 2 : i32
        %get3A_365 = arith.index_cast %get3A_364 : i32 to index
        %get3A_366 = arith.index_cast %scan3A_161 : i32 to index
        %get3A_367 = arith.constant 48 : index
        %get3A_368 = tpu.vector_load %arg4[%get3A_365, %get3A_366, %get3A_367] {strides = array<i32>} : memref<4x32x224xf32, #tpu.memory_space<vmem>>, vector<1x1x16xf32>,
        %get3A_369 = vector.shape_cast %get3A_368 : vector<1x1x16xf32> to vector<16xf32>
        %get3A_370 = arith.constant 3 : i32
        %get3A_371 = arith.index_cast %get3A_370 : i32 to index
        %get3A_372 = arith.index_cast %scan3A_161 : i32 to index
        %get3A_373 = arith.constant 48 : index
        %get3A_374 = tpu.vector_load %arg4[%get3A_371, %get3A_372, %get3A_373] {strides = array<i32>} : memref<4x32x224xf32, #tpu.memory_space<vmem>>, vector<1x1x16xf32>,
        %get3A_375 = vector.shape_cast %get3A_374 : vector<1x1x16xf32> to vector<16xf32>
        %max3A_376 = arith.maximumf %get3A_357, %get3A_363 : vector<16xf32>
        %max3A_377 = arith.maximumf %get3A_369, %get3A_375 : vector<16xf32>
        %max3A_378 = arith.maximumf %max3A_376, %max3A_377 : vector<16xf32>
        %broadcast_in_dim3A_379 = arith.constant 0.000000e+00 : f32
        %broadcast_in_dim3A_380 = vector.broadcast %broadcast_in_dim3A_379 : f32 to vector<16xf32>
        %eq3A_381 = arith.cmpf oeq, %get3A_357, %max3A_378 : vector<16xf32>
        %select_n3A_382 = arith.select %eq3A_381, %get3A_357, %broadcast_in_dim3A_380 : vector<16xi1>, vector<16xf32>
        %swap3A_383 = arith.constant 0 : i32
        %swap3A_384 = arith.index_cast %swap3A_383 : i32 to index
        %swap3A_385 = arith.index_cast %scan3A_161 : i32 to index
        %swap3A_386 = arith.constant 48 : index
        %swap3A_387 = tpu.vector_load %arg6[%swap3A_384, %swap3A_385, %swap3A_386] {strides = array<i32>} : memref<4x32x224xf32, #tpu.memory_space<vmem>>, vector<1x1x16xf32>,
        %swap3A_388 = vector.shape_cast %swap3A_387 : vector<1x1x16xf32> to vector<16xf32>
        %swap3A_389 = vector.shape_cast %select_n3A_382 : vector<16xf32> to vector<1x1x16xf32>
        tpu.vector_store %arg6[%swap3A_384, %swap3A_385, %swap3A_386], %swap3A_389 {strides = array<i32>} : memref<4x32x224xf32, #tpu.memory_space<vmem>>, vector<1x1x16xf32>,
        %eq3A_390 = arith.cmpf oeq, %get3A_363, %max3A_378 : vector<16xf32>
        %select_n3A_391 = arith.select %eq3A_390, %get3A_363, %broadcast_in_dim3A_380 : vector<16xi1>, vector<16xf32>
        %swap3A_392 = arith.constant 1 : i32
        %swap3A_393 = arith.index_cast %swap3A_392 : i32 to index
        %swap3A_394 = arith.index_cast %scan3A_161 : i32 to index
        %swap3A_395 = arith.constant 48 : index
        %swap3A_396 = tpu.vector_load %arg6[%swap3A_393, %swap3A_394, %swap3A_395] {strides = array<i32>} : memref<4x32x224xf32, #tpu.memory_space<vmem>>, vector<1x1x16xf32>,
        %swap3A_397 = vector.shape_cast %swap3A_396 : vector<1x1x16xf32> to vector<16xf32>
        %swap3A_398 = vector.shape_cast %select_n3A_391 : vector<16xf32> to vector<1x1x16xf32>
        tpu.vector_store %arg6[%swap3A_393, %swap3A_394, %swap3A_395], %swap3A_398 {strides = array<i32>} : memref<4x32x224xf32, #tpu.memory_space<vmem>>, vector<1x1x16xf32>,
        %eq3A_399 = arith.cmpf oeq, %get3A_369, %max3A_378 : vector<16xf32>
        %select_n3A_400 = arith.select %eq3A_399, %get3A_369, %broadcast_in_dim3A_380 : vector<16xi1>, vector<16xf32>
        %swap3A_401 = arith.constant 2 : i32
        %swap3A_402 = arith.index_cast %swap3A_401 : i32 to index
        %swap3A_403 = arith.index_cast %scan3A_161 : i32 to index
        %swap3A_404 = arith.constant 48 : index
        %swap3A_405 = tpu.vector_load %arg6[%swap3A_402, %swap3A_403, %swap3A_404] {strides = array<i32>} : memref<4x32x224xf32, #tpu.memory_space<vmem>>, vector<1x1x16xf32>,
        %swap3A_406 = vector.shape_cast %swap3A_405 : vector<1x1x16xf32> to vector<16xf32>
        %swap3A_407 = vector.shape_cast %select_n3A_400 : vector<16xf32> to vector<1x1x16xf32>
        tpu.vector_store %arg6[%swap3A_402, %swap3A_403, %swap3A_404], %swap3A_407 {strides = array<i32>} : memref<4x32x224xf32, #tpu.memory_space<vmem>>, vector<1x1x16xf32>,
        %eq3A_408 = arith.cmpf oeq, %get3A_375, %max3A_378 : vector<16xf32>
        %select_n3A_409 = arith.select %eq3A_408, %get3A_375, %broadcast_in_dim3A_380 : vector<16xi1>, vector<16xf32>
        %swap3A_410 = arith.constant 3 : i32
        %swap3A_411 = arith.index_cast %swap3A_410 : i32 to index
        %swap3A_412 = arith.index_cast %scan3A_161 : i32 to index
        %swap3A_413 = arith.constant 48 : index
        %swap3A_414 = tpu.vector_load %arg6[%swap3A_411, %swap3A_412, %swap3A_413] {strides = array<i32>} : memref<4x32x224xf32, #tpu.memory_space<vmem>>, vector<1x1x16xf32>,
        %swap3A_415 = vector.shape_cast %swap3A_414 : vector<1x1x16xf32> to vector<16xf32>
        %swap3A_416 = vector.shape_cast %select_n3A_409 : vector<16xf32> to vector<1x1x16xf32>
        tpu.vector_store %arg6[%swap3A_411, %swap3A_412, %swap3A_413], %swap3A_416 {strides = array<i32>} : memref<4x32x224xf32, #tpu.memory_space<vmem>>, vector<1x1x16xf32>,
        %get3A_417 = arith.constant 0 : i32
        %get3A_418 = arith.index_cast %get3A_417 : i32 to index
        %get3A_419 = arith.index_cast %scan3A_161 : i32 to index
        %get3A_420 = arith.constant 64 : index
        %get3A_421 = tpu.vector_load %arg4[%get3A_418, %get3A_419, %get3A_420] {strides = array<i32>} : memref<4x32x224xf32, #tpu.memory_space<vmem>>, vector<1x1x16xf32>,
        %get3A_422 = vector.shape_cast %get3A_421 : vector<1x1x16xf32> to vector<16xf32>
        %get3A_423 = arith.constant 1 : i32
        %get3A_424 = arith.index_cast %get3A_423 : i32 to index
        %get3A_425 = arith.index_cast %scan3A_161 : i32 to index
        %get3A_426 = arith.constant 64 : index
        %get3A_427 = tpu.vector_load %arg4[%get3A_424, %get3A_425, %get3A_426] {strides = array<i32>} : memref<4x32x224xf32, #tpu.memory_space<vmem>>, vector<1x1x16xf32>,
        %get3A_428 = vector.shape_cast %get3A_427 : vector<1x1x16xf32> to vector<16xf32>
        %get3A_429 = arith.constant 2 : i32
        %get3A_430 = arith.index_cast %get3A_429 : i32 to index
        %get3A_431 = arith.index_cast %scan3A_161 : i32 to index
        %get3A_432 = arith.constant 64 : index
        %get3A_433 = tpu.vector_load %arg4[%get3A_430, %get3A_431, %get3A_432] {strides = array<i32>} : memref<4x32x224xf32, #tpu.memory_space<vmem>>, vector<1x1x16xf32>,
        %get3A_434 = vector.shape_cast %get3A_433 : vector<1x1x16xf32> to vector<16xf32>
        %get3A_435 = arith.constant 3 : i32
        %get3A_436 = arith.index_cast %get3A_435 : i32 to index
        %get3A_437 = arith.index_cast %scan3A_161 : i32 to index
        %get3A_438 = arith.constant 64 : index
        %get3A_439 = tpu.vector_load %arg4[%get3A_436, %get3A_437, %get3A_438] {strides = array<i32>} : memref<4x32x224xf32, #tpu.memory_space<vmem>>, vector<1x1x16xf32>,
        %get3A_440 = vector.shape_cast %get3A_439 : vector<1x1x16xf32> to vector<16xf32>
        %max3A_441 = arith.maximumf %get3A_422, %get3A_428 : vector<16xf32>
        %max3A_442 = arith.maximumf %get3A_434, %get3A_440 : vector<16xf32>
        %max3A_443 = arith.maximumf %max3A_441, %max3A_442 : vector<16xf32>
        %broadcast_in_dim3A_444 = arith.constant 0.000000e+00 : f32
        %broadcast_in_dim3A_445 = vector.broadcast %broadcast_in_dim3A_444 : f32 to vector<16xf32>
        %eq3A_446 = arith.cmpf oeq, %get3A_422, %max3A_443 : vector<16xf32>
        %select_n3A_447 = arith.select %eq3A_446, %get3A_422, %broadcast_in_dim3A_445 : vector<16xi1>, vector<16xf32>
        %swap3A_448 = arith.constant 0 : i32
        %swap3A_449 = arith.index_cast %swap3A_448 : i32 to index
        %swap3A_450 = arith.index_cast %scan3A_161 : i32 to index
        %swap3A_451 = arith.constant 64 : index
        %swap3A_452 = tpu.vector_load %arg6[%swap3A_449, %swap3A_450, %swap3A_451] {strides = array<i32>} : memref<4x32x224xf32, #tpu.memory_space<vmem>>, vector<1x1x16xf32>,
        %swap3A_453 = vector.shape_cast %swap3A_452 : vector<1x1x16xf32> to vector<16xf32>
        %swap3A_454 = vector.shape_cast %select_n3A_447 : vector<16xf32> to vector<1x1x16xf32>
        tpu.vector_store %arg6[%swap3A_449, %swap3A_450, %swap3A_451], %swap3A_454 {strides = array<i32>} : memref<4x32x224xf32, #tpu.memory_space<vmem>>, vector<1x1x16xf32>,
        %eq3A_455 = arith.cmpf oeq, %get3A_428, %max3A_443 : vector<16xf32>
        %select_n3A_456 = arith.select %eq3A_455, %get3A_428, %broadcast_in_dim3A_445 : vector<16xi1>, vector<16xf32>
        %swap3A_457 = arith.constant 1 : i32
        %swap3A_458 = arith.index_cast %swap3A_457 : i32 to index
        %swap3A_459 = arith.index_cast %scan3A_161 : i32 to index
        %swap3A_460 = arith.constant 64 : index
        %swap3A_461 = tpu.vector_load %arg6[%swap3A_458, %swap3A_459, %swap3A_460] {strides = array<i32>} : memref<4x32x224xf32, #tpu.memory_space<vmem>>, vector<1x1x16xf32>,
        %swap3A_462 = vector.shape_cast %swap3A_461 : vector<1x1x16xf32> to vector<16xf32>
        %swap3A_463 = vector.shape_cast %select_n3A_456 : vector<16xf32> to vector<1x1x16xf32>
        tpu.vector_store %arg6[%swap3A_458, %swap3A_459, %swap3A_460], %swap3A_463 {strides = array<i32>} : memref<4x32x224xf32, #tpu.memory_space<vmem>>, vector<1x1x16xf32>,
        %eq3A_464 = arith.cmpf oeq, %get3A_434, %max3A_443 : vector<16xf32>
        %select_n3A_465 = arith.select %eq3A_464, %get3A_434, %broadcast_in_dim3A_445 : vector<16xi1>, vector<16xf32>
        %swap3A_466 = arith.constant 2 : i32
        %swap3A_467 = arith.index_cast %swap3A_466 : i32 to index
        %swap3A_468 = arith.index_cast %scan3A_161 : i32 to index
        %swap3A_469 = arith.constant 64 : index
        %swap3A_470 = tpu.vector_load %arg6[%swap3A_467, %swap3A_468, %swap3A_469] {strides = array<i32>} : memref<4x32x224xf32, #tpu.memory_space<vmem>>, vector<1x1x16xf32>,
        %swap3A_471 = vector.shape_cast %swap3A_470 : vector<1x1x16xf32> to vector<16xf32>
        %swap3A_472 = vector.shape_cast %select_n3A_465 : vector<16xf32> to vector<1x1x16xf32>
        tpu.vector_store %arg6[%swap3A_467, %swap3A_468, %swap3A_469], %swap3A_472 {strides = array<i32>} : memref<4x32x224xf32, #tpu.memory_space<vmem>>, vector<1x1x16xf32>,
        %eq3A_473 = arith.cmpf oeq, %get3A_440, %max3A_443 : vector<16xf32>
        %select_n3A_474 = arith.select %eq3A_473, %get3A_440, %broadcast_in_dim3A_445 : vector<16xi1>, vector<16xf32>
        %swap3A_475 = arith.constant 3 : i32
        %swap3A_476 = arith.index_cast %swap3A_475 : i32 to index
        %swap3A_477 = arith.index_cast %scan3A_161 : i32 to index
        %swap3A_478 = arith.constant 64 : index
        %swap3A_479 = tpu.vector_load %arg6[%swap3A_476, %swap3A_477, %swap3A_478] {strides = array<i32>} : memref<4x32x224xf32, #tpu.memory_space<vmem>>, vector<1x1x16xf32>,
        %swap3A_480 = vector.shape_cast %swap3A_479 : vector<1x1x16xf32> to vector<16xf32>
        %swap3A_481 = vector.shape_cast %select_n3A_474 : vector<16xf32> to vector<1x1x16xf32>
        tpu.vector_store %arg6[%swap3A_476, %swap3A_477, %swap3A_478], %swap3A_481 {strides = array<i32>} : memref<4x32x224xf32, #tpu.memory_space<vmem>>, vector<1x1x16xf32>,
        %get3A_482 = arith.constant 0 : i32
        %get3A_483 = arith.index_cast %get3A_482 : i32 to index
        %get3A_484 = arith.index_cast %scan3A_161 : i32 to index
        %get3A_485 = arith.constant 80 : index
        %get3A_486 = tpu.vector_load %arg4[%get3A_483, %get3A_484, %get3A_485] {strides = array<i32>} : memref<4x32x224xf32, #tpu.memory_space<vmem>>, vector<1x1x16xf32>,
        %get3A_487 = vector.shape_cast %get3A_486 : vector<1x1x16xf32> to vector<16xf32>
        %get3A_488 = arith.constant 1 : i32
        %get3A_489 = arith.index_cast %get3A_488 : i32 to index
        %get3A_490 = arith.index_cast %scan3A_161 : i32 to index
        %get3A_491 = arith.constant 80 : index
        %get3A_492 = tpu.vector_load %arg4[%get3A_489, %get3A_490, %get3A_491] {strides = array<i32>} : memref<4x32x224xf32, #tpu.memory_space<vmem>>, vector<1x1x16xf32>,
        %get3A_493 = vector.shape_cast %get3A_492 : vector<1x1x16xf32> to vector<16xf32>
        %get3A_494 = arith.constant 2 : i32
        %get3A_495 = arith.index_cast %get3A_494 : i32 to index
        %get3A_496 = arith.index_cast %scan3A_161 : i32 to index
        %get3A_497 = arith.constant 80 : index
        %get3A_498 = tpu.vector_load %arg4[%get3A_495, %get3A_496, %get3A_497] {strides = array<i32>} : memref<4x32x224xf32, #tpu.memory_space<vmem>>, vector<1x1x16xf32>,
        %get3A_499 = vector.shape_cast %get3A_498 : vector<1x1x16xf32> to vector<16xf32>
        %get3A_500 = arith.constant 3 : i32
        %get3A_501 = arith.index_cast %get3A_500 : i32 to index
        %get3A_502 = arith.index_cast %scan3A_161 : i32 to index
        %get3A_503 = arith.constant 80 : index
        %get3A_504 = tpu.vector_load %arg4[%get3A_501, %get3A_502, %get3A_503] {strides = array<i32>} : memref<4x32x224xf32, #tpu.memory_space<vmem>>, vector<1x1x16xf32>,
        %get3A_505 = vector.shape_cast %get3A_504 : vector<1x1x16xf32> to vector<16xf32>
        %max3A_506 = arith.maximumf %get3A_487, %get3A_493 : vector<16xf32>
        %max3A_507 = arith.maximumf %get3A_499, %get3A_505 : vector<16xf32>
        %max3A_508 = arith.maximumf %max3A_506, %max3A_507 : vector<16xf32>
        %broadcast_in_dim3A_509 = arith.constant 0.000000e+00 : f32
        %broadcast_in_dim3A_510 = vector.broadcast %broadcast_in_dim3A_509 : f32 to vector<16xf32>
        %eq3A_511 = arith.cmpf oeq, %get3A_487, %max3A_508 : vector<16xf32>
        %select_n3A_512 = arith.select %eq3A_511, %get3A_487, %broadcast_in_dim3A_510 : vector<16xi1>, vector<16xf32>
        %swap3A_513 = arith.constant 0 : i32
        %swap3A_514 = arith.index_cast %swap3A_513 : i32 to index
        %swap3A_515 = arith.index_cast %scan3A_161 : i32 to index
        %swap3A_516 = arith.constant 80 : index
        %swap3A_517 = tpu.vector_load %arg6[%swap3A_514, %swap3A_515, %swap3A_516] {strides = array<i32>} : memref<4x32x224xf32, #tpu.memory_space<vmem>>, vector<1x1x16xf32>,
        %swap3A_518 = vector.shape_cast %swap3A_517 : vector<1x1x16xf32> to vector<16xf32>
        %swap3A_519 = vector.shape_cast %select_n3A_512 : vector<16xf32> to vector<1x1x16xf32>
        tpu.vector_store %arg6[%swap3A_514, %swap3A_515, %swap3A_516], %swap3A_519 {strides = array<i32>} : memref<4x32x224xf32, #tpu.memory_space<vmem>>, vector<1x1x16xf32>,
        %eq3A_520 = arith.cmpf oeq, %get3A_493, %max3A_508 : vector<16xf32>
        %select_n3A_521 = arith.select %eq3A_520, %get3A_493, %broadcast_in_dim3A_510 : vector<16xi1>, vector<16xf32>
        %swap3A_522 = arith.constant 1 : i32
        %swap3A_523 = arith.index_cast %swap3A_522 : i32 to index
        %swap3A_524 = arith.index_cast %scan3A_161 : i32 to index
        %swap3A_525 = arith.constant 80 : index
        %swap3A_526 = tpu.vector_load %arg6[%swap3A_523, %swap3A_524, %swap3A_525] {strides = array<i32>} : memref<4x32x224xf32, #tpu.memory_space<vmem>>, vector<1x1x16xf32>,
        %swap3A_527 = vector.shape_cast %swap3A_526 : vector<1x1x16xf32> to vector<16xf32>
        %swap3A_528 = vector.shape_cast %select_n3A_521 : vector<16xf32> to vector<1x1x16xf32>
        tpu.vector_store %arg6[%swap3A_523, %swap3A_524, %swap3A_525], %swap3A_528 {strides = array<i32>} : memref<4x32x224xf32, #tpu.memory_space<vmem>>, vector<1x1x16xf32>,
        %eq3A_529 = arith.cmpf oeq, %get3A_499, %max3A_508 : vector<16xf32>
        %select_n3A_530 = arith.select %eq3A_529, %get3A_499, %broadcast_in_dim3A_510 : vector<16xi1>, vector<16xf32>
        %swap3A_531 = arith.constant 2 : i32
        %swap3A_532 = arith.index_cast %swap3A_531 : i32 to index
        %swap3A_533 = arith.index_cast %scan3A_161 : i32 to index
        %swap3A_534 = arith.constant 80 : index
        %swap3A_535 = tpu.vector_load %arg6[%swap3A_532, %swap3A_533, %swap3A_534] {strides = array<i32>} : memref<4x32x224xf32, #tpu.memory_space<vmem>>, vector<1x1x16xf32>,
        %swap3A_536 = vector.shape_cast %swap3A_535 : vector<1x1x16xf32> to vector<16xf32>
        %swap3A_537 = vector.shape_cast %select_n3A_530 : vector<16xf32> to vector<1x1x16xf32>
        tpu.vector_store %arg6[%swap3A_532, %swap3A_533, %swap3A_534], %swap3A_537 {strides = array<i32>} : memref<4x32x224xf32, #tpu.memory_space<vmem>>, vector<1x1x16xf32>,
        %eq3A_538 = arith.cmpf oeq, %get3A_505, %max3A_508 : vector<16xf32>
        %select_n3A_539 = arith.select %eq3A_538, %get3A_505, %broadcast_in_dim3A_510 : vector<16xi1>, vector<16xf32>
        %swap3A_540 = arith.constant 3 : i32
        %swap3A_541 = arith.index_cast %swap3A_540 : i32 to index
        %swap3A_542 = arith.index_cast %scan3A_161 : i32 to index
        %swap3A_543 = arith.constant 80 : index
        %swap3A_544 = tpu.vector_load %arg6[%swap3A_541, %swap3A_542, %swap3A_543] {strides = array<i32>} : memref<4x32x224xf32, #tpu.memory_space<vmem>>, vector<1x1x16xf32>,
        %swap3A_545 = vector.shape_cast %swap3A_544 : vector<1x1x16xf32> to vector<16xf32>
        %swap3A_546 = vector.shape_cast %select_n3A_539 : vector<16xf32> to vector<1x1x16xf32>
        tpu.vector_store %arg6[%swap3A_541, %swap3A_542, %swap3A_543], %swap3A_546 {strides = array<i32>} : memref<4x32x224xf32, #tpu.memory_space<vmem>>, vector<1x1x16xf32>,
        %get3A_547 = arith.constant 0 : i32
        %get3A_548 = arith.index_cast %get3A_547 : i32 to index
        %get3A_549 = arith.index_cast %scan3A_161 : i32 to index
        %get3A_550 = arith.constant 96 : index
        %get3A_551 = tpu.vector_load %arg4[%get3A_548, %get3A_549, %get3A_550] {strides = array<i32>} : memref<4x32x224xf32, #tpu.memory_space<vmem>>, vector<1x1x16xf32>,
        %get3A_552 = vector.shape_cast %get3A_551 : vector<1x1x16xf32> to vector<16xf32>
        %get3A_553 = arith.constant 1 : i32
        %get3A_554 = arith.index_cast %get3A_553 : i32 to index
        %get3A_555 = arith.index_cast %scan3A_161 : i32 to index
        %get3A_556 = arith.constant 96 : index
        %get3A_557 = tpu.vector_load %arg4[%get3A_554, %get3A_555, %get3A_556] {strides = array<i32>} : memref<4x32x224xf32, #tpu.memory_space<vmem>>, vector<1x1x16xf32>,
        %get3A_558 = vector.shape_cast %get3A_557 : vector<1x1x16xf32> to vector<16xf32>
        %get3A_559 = arith.constant 2 : i32
        %get3A_560 = arith.index_cast %get3A_559 : i32 to index
        %get3A_561 = arith.index_cast %scan3A_161 : i32 to index
        %get3A_562 = arith.constant 96 : index
        %get3A_563 = tpu.vector_load %arg4[%get3A_560, %get3A_561, %get3A_562] {strides = array<i32>} : memref<4x32x224xf32, #tpu.memory_space<vmem>>, vector<1x1x16xf32>,
        %get3A_564 = vector.shape_cast %get3A_563 : vector<1x1x16xf32> to vector<16xf32>
        %get3A_565 = arith.constant 3 : i32
        %get3A_566 = arith.index_cast %get3A_565 : i32 to index
        %get3A_567 = arith.index_cast %scan3A_161 : i32 to index
        %get3A_568 = arith.constant 96 : index
        %get3A_569 = tpu.vector_load %arg4[%get3A_566, %get3A_567, %get3A_568] {strides = array<i32>} : memref<4x32x224xf32, #tpu.memory_space<vmem>>, vector<1x1x16xf32>,
        %get3A_570 = vector.shape_cast %get3A_569 : vector<1x1x16xf32> to vector<16xf32>
        %max3A_571 = arith.maximumf %get3A_552, %get3A_558 : vector<16xf32>
        %max3A_572 = arith.maximumf %get3A_564, %get3A_570 : vector<16xf32>
        %max3A_573 = arith.maximumf %max3A_571, %max3A_572 : vector<16xf32>
        %broadcast_in_dim3A_574 = arith.constant 0.000000e+00 : f32
        %broadcast_in_dim3A_575 = vector.broadcast %broadcast_in_dim3A_574 : f32 to vector<16xf32>
        %eq3A_576 = arith.cmpf oeq, %get3A_552, %max3A_573 : vector<16xf32>
        %select_n3A_577 = arith.select %eq3A_576, %get3A_552, %broadcast_in_dim3A_575 : vector<16xi1>, vector<16xf32>
        %swap3A_578 = arith.constant 0 : i32
        %swap3A_579 = arith.index_cast %swap3A_578 : i32 to index
        %swap3A_580 = arith.index_cast %scan3A_161 : i32 to index
        %swap3A_581 = arith.constant 96 : index
        %swap3A_582 = tpu.vector_load %arg6[%swap3A_579, %swap3A_580, %swap3A_581] {strides = array<i32>} : memref<4x32x224xf32, #tpu.memory_space<vmem>>, vector<1x1x16xf32>,
        %swap3A_583 = vector.shape_cast %swap3A_582 : vector<1x1x16xf32> to vector<16xf32>
        %swap3A_584 = vector.shape_cast %select_n3A_577 : vector<16xf32> to vector<1x1x16xf32>
        tpu.vector_store %arg6[%swap3A_579, %swap3A_580, %swap3A_581], %swap3A_584 {strides = array<i32>} : memref<4x32x224xf32, #tpu.memory_space<vmem>>, vector<1x1x16xf32>,
        %eq3A_585 = arith.cmpf oeq, %get3A_558, %max3A_573 : vector<16xf32>
        %select_n3A_586 = arith.select %eq3A_585, %get3A_558, %broadcast_in_dim3A_575 : vector<16xi1>, vector<16xf32>
        %swap3A_587 = arith.constant 1 : i32
        %swap3A_588 = arith.index_cast %swap3A_587 : i32 to index
        %swap3A_589 = arith.index_cast %scan3A_161 : i32 to index
        %swap3A_590 = arith.constant 96 : index
        %swap3A_591 = tpu.vector_load %arg6[%swap3A_588, %swap3A_589, %swap3A_590] {strides = array<i32>} : memref<4x32x224xf32, #tpu.memory_space<vmem>>, vector<1x1x16xf32>,
        %swap3A_592 = vector.shape_cast %swap3A_591 : vector<1x1x16xf32> to vector<16xf32>
        %swap3A_593 = vector.shape_cast %select_n3A_586 : vector<16xf32> to vector<1x1x16xf32>
        tpu.vector_store %arg6[%swap3A_588, %swap3A_589, %swap3A_590], %swap3A_593 {strides = array<i32>} : memref<4x32x224xf32, #tpu.memory_space<vmem>>, vector<1x1x16xf32>,
        %eq3A_594 = arith.cmpf oeq, %get3A_564, %max3A_573 : vector<16xf32>
        %select_n3A_595 = arith.select %eq3A_594, %get3A_564, %broadcast_in_dim3A_575 : vector<16xi1>, vector<16xf32>
        %swap3A_596 = arith.constant 2 : i32
        %swap3A_597 = arith.index_cast %swap3A_596 : i32 to index
        %swap3A_598 = arith.index_cast %scan3A_161 : i32 to index
        %swap3A_599 = arith.constant 96 : index
        %swap3A_600 = tpu.vector_load %arg6[%swap3A_597, %swap3A_598, %swap3A_599] {strides = array<i32>} : memref<4x32x224xf32, #tpu.memory_space<vmem>>, vector<1x1x16xf32>,
        %swap3A_601 = vector.shape_cast %swap3A_600 : vector<1x1x16xf32> to vector<16xf32>
        %swap3A_602 = vector.shape_cast %select_n3A_595 : vector<16xf32> to vector<1x1x16xf32>
        tpu.vector_store %arg6[%swap3A_597, %swap3A_598, %swap3A_599], %swap3A_602 {strides = array<i32>} : memref<4x32x224xf32, #tpu.memory_space<vmem>>, vector<1x1x16xf32>,
        %eq3A_603 = arith.cmpf oeq, %get3A_570, %max3A_573 : vector<16xf32>
        %select_n3A_604 = arith.select %eq3A_603, %get3A_570, %broadcast_in_dim3A_575 : vector<16xi1>, vector<16xf32>
        %swap3A_605 = arith.constant 3 : i32
        %swap3A_606 = arith.index_cast %swap3A_605 : i32 to index
        %swap3A_607 = arith.index_cast %scan3A_161 : i32 to index
        %swap3A_608 = arith.constant 96 : index
        %swap3A_609 = tpu.vector_load %arg6[%swap3A_606, %swap3A_607, %swap3A_608] {strides = array<i32>} : memref<4x32x224xf32, #tpu.memory_space<vmem>>, vector<1x1x16xf32>,
        %swap3A_610 = vector.shape_cast %swap3A_609 : vector<1x1x16xf32> to vector<16xf32>
        %swap3A_611 = vector.shape_cast %select_n3A_604 : vector<16xf32> to vector<1x1x16xf32>
        tpu.vector_store %arg6[%swap3A_606, %swap3A_607, %swap3A_608], %swap3A_611 {strides = array<i32>} : memref<4x32x224xf32, #tpu.memory_space<vmem>>, vector<1x1x16xf32>,
        %get3A_612 = arith.constant 0 : i32
        %get3A_613 = arith.index_cast %get3A_612 : i32 to index
        %get3A_614 = arith.index_cast %scan3A_161 : i32 to index
        %get3A_615 = arith.constant 112 : index
        %get3A_616 = tpu.vector_load %arg4[%get3A_613, %get3A_614, %get3A_615] {strides = array<i32>} : memref<4x32x224xf32, #tpu.memory_space<vmem>>, vector<1x1x16xf32>,
        %get3A_617 = vector.shape_cast %get3A_616 : vector<1x1x16xf32> to vector<16xf32>
        %get3A_618 = arith.constant 1 : i32
        %get3A_619 = arith.index_cast %get3A_618 : i32 to index
        %get3A_620 = arith.index_cast %scan3A_161 : i32 to index
        %get3A_621 = arith.constant 112 : index
        %get3A_622 = tpu.vector_load %arg4[%get3A_619, %get3A_620, %get3A_621] {strides = array<i32>} : memref<4x32x224xf32, #tpu.memory_space<vmem>>, vector<1x1x16xf32>,
        %get3A_623 = vector.shape_cast %get3A_622 : vector<1x1x16xf32> to vector<16xf32>
        %get3A_624 = arith.constant 2 : i32
        %get3A_625 = arith.index_cast %get3A_624 : i32 to index
        %get3A_626 = arith.index_cast %scan3A_161 : i32 to index
        %get3A_627 = arith.constant 112 : index
        %get3A_628 = tpu.vector_load %arg4[%get3A_625, %get3A_626, %get3A_627] {strides = array<i32>} : memref<4x32x224xf32, #tpu.memory_space<vmem>>, vector<1x1x16xf32>,
        %get3A_629 = vector.shape_cast %get3A_628 : vector<1x1x16xf32> to vector<16xf32>
        %get3A_630 = arith.constant 3 : i32
        %get3A_631 = arith.index_cast %get3A_630 : i32 to index
        %get3A_632 = arith.index_cast %scan3A_161 : i32 to index
        %get3A_633 = arith.constant 112 : index
        %get3A_634 = tpu.vector_load %arg4[%get3A_631, %get3A_632, %get3A_633] {strides = array<i32>} : memref<4x32x224xf32, #tpu.memory_space<vmem>>, vector<1x1x16xf32>,
        %get3A_635 = vector.shape_cast %get3A_634 : vector<1x1x16xf32> to vector<16xf32>
        %max3A_636 = arith.maximumf %get3A_617, %get3A_623 : vector<16xf32>
        %max3A_637 = arith.maximumf %get3A_629, %get3A_635 : vector<16xf32>
        %max3A_638 = arith.maximumf %max3A_636, %max3A_637 : vector<16xf32>
        %broadcast_in_dim3A_639 = arith.constant 0.000000e+00 : f32
        %broadcast_in_dim3A_640 = vector.broadcast %broadcast_in_dim3A_639 : f32 to vector<16xf32>
        %eq3A_641 = arith.cmpf oeq, %get3A_617, %max3A_638 : vector<16xf32>
        %select_n3A_642 = arith.select %eq3A_641, %get3A_617, %broadcast_in_dim3A_640 : vector<16xi1>, vector<16xf32>
        %swap3A_643 = arith.constant 0 : i32
        %swap3A_644 = arith.index_cast %swap3A_643 : i32 to index
        %swap3A_645 = arith.index_cast %scan3A_161 : i32 to index
        %swap3A_646 = arith.constant 112 : index
        %swap3A_647 = tpu.vector_load %arg6[%swap3A_644, %swap3A_645, %swap3A_646] {strides = array<i32>} : memref<4x32x224xf32, #tpu.memory_space<vmem>>, vector<1x1x16xf32>,
        %swap3A_648 = vector.shape_cast %swap3A_647 : vector<1x1x16xf32> to vector<16xf32>
        %swap3A_649 = vector.shape_cast %select_n3A_642 : vector<16xf32> to vector<1x1x16xf32>
        tpu.vector_store %arg6[%swap3A_644, %swap3A_645, %swap3A_646], %swap3A_649 {strides = array<i32>} : memref<4x32x224xf32, #tpu.memory_space<vmem>>, vector<1x1x16xf32>,
        %eq3A_650 = arith.cmpf oeq, %get3A_623, %max3A_638 : vector<16xf32>
        %select_n3A_651 = arith.select %eq3A_650, %get3A_623, %broadcast_in_dim3A_640 : vector<16xi1>, vector<16xf32>
        %swap3A_652 = arith.constant 1 : i32
        %swap3A_653 = arith.index_cast %swap3A_652 : i32 to index
        %swap3A_654 = arith.index_cast %scan3A_161 : i32 to index
        %swap3A_655 = arith.constant 112 : index
        %swap3A_656 = tpu.vector_load %arg6[%swap3A_653, %swap3A_654, %swap3A_655] {strides = array<i32>} : memref<4x32x224xf32, #tpu.memory_space<vmem>>, vector<1x1x16xf32>,
        %swap3A_657 = vector.shape_cast %swap3A_656 : vector<1x1x16xf32> to vector<16xf32>
        %swap3A_658 = vector.shape_cast %select_n3A_651 : vector<16xf32> to vector<1x1x16xf32>
        tpu.vector_store %arg6[%swap3A_653, %swap3A_654, %swap3A_655], %swap3A_658 {strides = array<i32>} : memref<4x32x224xf32, #tpu.memory_space<vmem>>, vector<1x1x16xf32>,
        %eq3A_659 = arith.cmpf oeq, %get3A_629, %max3A_638 : vector<16xf32>
        %select_n3A_660 = arith.select %eq3A_659, %get3A_629, %broadcast_in_dim3A_640 : vector<16xi1>, vector<16xf32>
        %swap3A_661 = arith.constant 2 : i32
        %swap3A_662 = arith.index_cast %swap3A_661 : i32 to index
        %swap3A_663 = arith.index_cast %scan3A_161 : i32 to index
        %swap3A_664 = arith.constant 112 : index
        %swap3A_665 = tpu.vector_load %arg6[%swap3A_662, %swap3A_663, %swap3A_664] {strides = array<i32>} : memref<4x32x224xf32, #tpu.memory_space<vmem>>, vector<1x1x16xf32>,
        %swap3A_666 = vector.shape_cast %swap3A_665 : vector<1x1x16xf32> to vector<16xf32>
        %swap3A_667 = vector.shape_cast %select_n3A_660 : vector<16xf32> to vector<1x1x16xf32>
        tpu.vector_store %arg6[%swap3A_662, %swap3A_663, %swap3A_664], %swap3A_667 {strides = array<i32>} : memref<4x32x224xf32, #tpu.memory_space<vmem>>, vector<1x1x16xf32>,
        %eq3A_668 = arith.cmpf oeq, %get3A_635, %max3A_638 : vector<16xf32>
        %select_n3A_669 = arith.select %eq3A_668, %get3A_635, %broadcast_in_dim3A_640 : vector<16xi1>, vector<16xf32>
        %swap3A_670 = arith.constant 3 : i32
        %swap3A_671 = arith.index_cast %swap3A_670 : i32 to index
        %swap3A_672 = arith.index_cast %scan3A_161 : i32 to index
        %swap3A_673 = arith.constant 112 : index
        %swap3A_674 = tpu.vector_load %arg6[%swap3A_671, %swap3A_672, %swap3A_673] {strides = array<i32>} : memref<4x32x224xf32, #tpu.memory_space<vmem>>, vector<1x1x16xf32>,
        %swap3A_675 = vector.shape_cast %swap3A_674 : vector<1x1x16xf32> to vector<16xf32>
        %swap3A_676 = vector.shape_cast %select_n3A_669 : vector<16xf32> to vector<1x1x16xf32>
        tpu.vector_store %arg6[%swap3A_671, %swap3A_672, %swap3A_673], %swap3A_676 {strides = array<i32>} : memref<4x32x224xf32, #tpu.memory_space<vmem>>, vector<1x1x16xf32>,
        %get3A_677 = arith.constant 0 : i32
        %get3A_678 = arith.index_cast %get3A_677 : i32 to index
        %get3A_679 = arith.index_cast %scan3A_161 : i32 to index
        %get3A_680 = arith.constant 128 : index
        %get3A_681 = tpu.vector_load %arg4[%get3A_678, %get3A_679, %get3A_680] {strides = array<i32>} : memref<4x32x224xf32, #tpu.memory_space<vmem>>, vector<1x1x16xf32>,
        %get3A_682 = vector.shape_cast %get3A_681 : vector<1x1x16xf32> to vector<16xf32>
        %get3A_683 = arith.constant 1 : i32
        %get3A_684 = arith.index_cast %get3A_683 : i32 to index
        %get3A_685 = arith.index_cast %scan3A_161 : i32 to index
        %get3A_686 = arith.constant 128 : index
        %get3A_687 = tpu.vector_load %arg4[%get3A_684, %get3A_685, %get3A_686] {strides = array<i32>} : memref<4x32x224xf32, #tpu.memory_space<vmem>>, vector<1x1x16xf32>,
        %get3A_688 = vector.shape_cast %get3A_687 : vector<1x1x16xf32> to vector<16xf32>
        %get3A_689 = arith.constant 2 : i32
        %get3A_690 = arith.index_cast %get3A_689 : i32 to index
        %get3A_691 = arith.index_cast %scan3A_161 : i32 to index
        %get3A_692 = arith.constant 128 : index
        %get3A_693 = tpu.vector_load %arg4[%get3A_690, %get3A_691, %get3A_692] {strides = array<i32>} : memref<4x32x224xf32, #tpu.memory_space<vmem>>, vector<1x1x16xf32>,
        %get3A_694 = vector.shape_cast %get3A_693 : vector<1x1x16xf32> to vector<16xf32>
        %get3A_695 = arith.constant 3 : i32
        %get3A_696 = arith.index_cast %get3A_695 : i32 to index
        %get3A_697 = arith.index_cast %scan3A_161 : i32 to index
        %get3A_698 = arith.constant 128 : index
        %get3A_699 = tpu.vector_load %arg4[%get3A_696, %get3A_697, %get3A_698] {strides = array<i32>} : memref<4x32x224xf32, #tpu.memory_space<vmem>>, vector<1x1x16xf32>,
        %get3A_700 = vector.shape_cast %get3A_699 : vector<1x1x16xf32> to vector<16xf32>
        %max3A_701 = arith.maximumf %get3A_682, %get3A_688 : vector<16xf32>
        %max3A_702 = arith.maximumf %get3A_694, %get3A_700 : vector<16xf32>
        %max3A_703 = arith.maximumf %max3A_701, %max3A_702 : vector<16xf32>
        %broadcast_in_dim3A_704 = arith.constant 0.000000e+00 : f32
        %broadcast_in_dim3A_705 = vector.broadcast %broadcast_in_dim3A_704 : f32 to vector<16xf32>
        %eq3A_706 = arith.cmpf oeq, %get3A_682, %max3A_703 : vector<16xf32>
        %select_n3A_707 = arith.select %eq3A_706, %get3A_682, %broadcast_in_dim3A_705 : vector<16xi1>, vector<16xf32>
        %swap3A_708 = arith.constant 0 : i32
        %swap3A_709 = arith.index_cast %swap3A_708 : i32 to index
        %swap3A_710 = arith.index_cast %scan3A_161 : i32 to index
        %swap3A_711 = arith.constant 128 : index
        %swap3A_712 = tpu.vector_load %arg6[%swap3A_709, %swap3A_710, %swap3A_711] {strides = array<i32>} : memref<4x32x224xf32, #tpu.memory_space<vmem>>, vector<1x1x16xf32>,
        %swap3A_713 = vector.shape_cast %swap3A_712 : vector<1x1x16xf32> to vector<16xf32>
        %swap3A_714 = vector.shape_cast %select_n3A_707 : vector<16xf32> to vector<1x1x16xf32>
        tpu.vector_store %arg6[%swap3A_709, %swap3A_710, %swap3A_711], %swap3A_714 {strides = array<i32>} : memref<4x32x224xf32, #tpu.memory_space<vmem>>, vector<1x1x16xf32>,
        %eq3A_715 = arith.cmpf oeq, %get3A_688, %max3A_703 : vector<16xf32>
        %select_n3A_716 = arith.select %eq3A_715, %get3A_688, %broadcast_in_dim3A_705 : vector<16xi1>, vector<16xf32>
        %swap3A_717 = arith.constant 1 : i32
        %swap3A_718 = arith.index_cast %swap3A_717 : i32 to index
        %swap3A_719 = arith.index_cast %scan3A_161 : i32 to index
        %swap3A_720 = arith.constant 128 : index
        %swap3A_721 = tpu.vector_load %arg6[%swap3A_718, %swap3A_719, %swap3A_720] {strides = array<i32>} : memref<4x32x224xf32, #tpu.memory_space<vmem>>, vector<1x1x16xf32>,
        %swap3A_722 = vector.shape_cast %swap3A_721 : vector<1x1x16xf32> to vector<16xf32>
        %swap3A_723 = vector.shape_cast %select_n3A_716 : vector<16xf32> to vector<1x1x16xf32>
        tpu.vector_store %arg6[%swap3A_718, %swap3A_719, %swap3A_720], %swap3A_723 {strides = array<i32>} : memref<4x32x224xf32, #tpu.memory_space<vmem>>, vector<1x1x16xf32>,
        %eq3A_724 = arith.cmpf oeq, %get3A_694, %max3A_703 : vector<16xf32>
        %select_n3A_725 = arith.select %eq3A_724, %get3A_694, %broadcast_in_dim3A_705 : vector<16xi1>, vector<16xf32>
        %swap3A_726 = arith.constant 2 : i32
        %swap3A_727 = arith.index_cast %swap3A_726 : i32 to index
        %swap3A_728 = arith.index_cast %scan3A_161 : i32 to index
        %swap3A_729 = arith.constant 128 : index
        %swap3A_730 = tpu.vector_load %arg6[%swap3A_727, %swap3A_728, %swap3A_729] {strides = array<i32>} : memref<4x32x224xf32, #tpu.memory_space<vmem>>, vector<1x1x16xf32>,
        %swap3A_731 = vector.shape_cast %swap3A_730 : vector<1x1x16xf32> to vector<16xf32>
        %swap3A_732 = vector.shape_cast %select_n3A_725 : vector<16xf32> to vector<1x1x16xf32>
        tpu.vector_store %arg6[%swap3A_727, %swap3A_728, %swap3A_729], %swap3A_732 {strides = array<i32>} : memref<4x32x224xf32, #tpu.memory_space<vmem>>, vector<1x1x16xf32>,
        %eq3A_733 = arith.cmpf oeq, %get3A_700, %max3A_703 : vector<16xf32>
        %select_n3A_734 = arith.select %eq3A_733, %get3A_700, %broadcast_in_dim3A_705 : vector<16xi1>, vector<16xf32>
        %swap3A_735 = arith.constant 3 : i32
        %swap3A_736 = arith.index_cast %swap3A_735 : i32 to index
        %swap3A_737 = arith.index_cast %scan3A_161 : i32 to index
        %swap3A_738 = arith.constant 128 : index
        %swap3A_739 = tpu.vector_load %arg6[%swap3A_736, %swap3A_737, %swap3A_738] {strides = array<i32>} : memref<4x32x224xf32, #tpu.memory_space<vmem>>, vector<1x1x16xf32>,
        %swap3A_740 = vector.shape_cast %swap3A_739 : vector<1x1x16xf32> to vector<16xf32>
        %swap3A_741 = vector.shape_cast %select_n3A_734 : vector<16xf32> to vector<1x1x16xf32>
        tpu.vector_store %arg6[%swap3A_736, %swap3A_737, %swap3A_738], %swap3A_741 {strides = array<i32>} : memref<4x32x224xf32, #tpu.memory_space<vmem>>, vector<1x1x16xf32>,
        %get3A_742 = arith.constant 0 : i32
        %get3A_743 = arith.index_cast %get3A_742 : i32 to index
        %get3A_744 = arith.index_cast %scan3A_161 : i32 to index
        %get3A_745 = arith.constant 144 : index
        %get3A_746 = tpu.vector_load %arg4[%get3A_743, %get3A_744, %get3A_745] {strides = array<i32>} : memref<4x32x224xf32, #tpu.memory_space<vmem>>, vector<1x1x16xf32>,
        %get3A_747 = vector.shape_cast %get3A_746 : vector<1x1x16xf32> to vector<16xf32>
        %get3A_748 = arith.constant 1 : i32
        %get3A_749 = arith.index_cast %get3A_748 : i32 to index
        %get3A_750 = arith.index_cast %scan3A_161 : i32 to index
        %get3A_751 = arith.constant 144 : index
        %get3A_752 = tpu.vector_load %arg4[%get3A_749, %get3A_750, %get3A_751] {strides = array<i32>} : memref<4x32x224xf32, #tpu.memory_space<vmem>>, vector<1x1x16xf32>,
        %get3A_753 = vector.shape_cast %get3A_752 : vector<1x1x16xf32> to vector<16xf32>
        %get3A_754 = arith.constant 2 : i32
        %get3A_755 = arith.index_cast %get3A_754 : i32 to index
        %get3A_756 = arith.index_cast %scan3A_161 : i32 to index
        %get3A_757 = arith.constant 144 : index
        %get3A_758 = tpu.vector_load %arg4[%get3A_755, %get3A_756, %get3A_757] {strides = array<i32>} : memref<4x32x224xf32, #tpu.memory_space<vmem>>, vector<1x1x16xf32>,
        %get3A_759 = vector.shape_cast %get3A_758 : vector<1x1x16xf32> to vector<16xf32>
        %get3A_760 = arith.constant 3 : i32
        %get3A_761 = arith.index_cast %get3A_760 : i32 to index
        %get3A_762 = arith.index_cast %scan3A_161 : i32 to index
        %get3A_763 = arith.constant 144 : index
        %get3A_764 = tpu.vector_load %arg4[%get3A_761, %get3A_762, %get3A_763] {strides = array<i32>} : memref<4x32x224xf32, #tpu.memory_space<vmem>>, vector<1x1x16xf32>,
        %get3A_765 = vector.shape_cast %get3A_764 : vector<1x1x16xf32> to vector<16xf32>
        %max3A_766 = arith.maximumf %get3A_747, %get3A_753 : vector<16xf32>
        %max3A_767 = arith.maximumf %get3A_759, %get3A_765 : vector<16xf32>
        %max3A_768 = arith.maximumf %max3A_766, %max3A_767 : vector<16xf32>
        %broadcast_in_dim3A_769 = arith.constant 0.000000e+00 : f32
        %broadcast_in_dim3A_770 = vector.broadcast %broadcast_in_dim3A_769 : f32 to vector<16xf32>
        %eq3A_771 = arith.cmpf oeq, %get3A_747, %max3A_768 : vector<16xf32>
        %select_n3A_772 = arith.select %eq3A_771, %get3A_747, %broadcast_in_dim3A_770 : vector<16xi1>, vector<16xf32>
        %swap3A_773 = arith.constant 0 : i32
        %swap3A_774 = arith.index_cast %swap3A_773 : i32 to index
        %swap3A_775 = arith.index_cast %scan3A_161 : i32 to index
        %swap3A_776 = arith.constant 144 : index
        %swap3A_777 = tpu.vector_load %arg6[%swap3A_774, %swap3A_775, %swap3A_776] {strides = array<i32>} : memref<4x32x224xf32, #tpu.memory_space<vmem>>, vector<1x1x16xf32>,
        %swap3A_778 = vector.shape_cast %swap3A_777 : vector<1x1x16xf32> to vector<16xf32>
        %swap3A_779 = vector.shape_cast %select_n3A_772 : vector<16xf32> to vector<1x1x16xf32>
        tpu.vector_store %arg6[%swap3A_774, %swap3A_775, %swap3A_776], %swap3A_779 {strides = array<i32>} : memref<4x32x224xf32, #tpu.memory_space<vmem>>, vector<1x1x16xf32>,
        %eq3A_780 = arith.cmpf oeq, %get3A_753, %max3A_768 : vector<16xf32>
        %select_n3A_781 = arith.select %eq3A_780, %get3A_753, %broadcast_in_dim3A_770 : vector<16xi1>, vector<16xf32>
        %swap3A_782 = arith.constant 1 : i32
        %swap3A_783 = arith.index_cast %swap3A_782 : i32 to index
        %swap3A_784 = arith.index_cast %scan3A_161 : i32 to index
        %swap3A_785 = arith.constant 144 : index
        %swap3A_786 = tpu.vector_load %arg6[%swap3A_783, %swap3A_784, %swap3A_785] {strides = array<i32>} : memref<4x32x224xf32, #tpu.memory_space<vmem>>, vector<1x1x16xf32>,
        %swap3A_787 = vector.shape_cast %swap3A_786 : vector<1x1x16xf32> to vector<16xf32>
        %swap3A_788 = vector.shape_cast %select_n3A_781 : vector<16xf32> to vector<1x1x16xf32>
        tpu.vector_store %arg6[%swap3A_783, %swap3A_784, %swap3A_785], %swap3A_788 {strides = array<i32>} : memref<4x32x224xf32, #tpu.memory_space<vmem>>, vector<1x1x16xf32>,
        %eq3A_789 = arith.cmpf oeq, %get3A_759, %max3A_768 : vector<16xf32>
        %select_n3A_790 = arith.select %eq3A_789, %get3A_759, %broadcast_in_dim3A_770 : vector<16xi1>, vector<16xf32>
        %swap3A_791 = arith.constant 2 : i32
        %swap3A_792 = arith.index_cast %swap3A_791 : i32 to index
        %swap3A_793 = arith.index_cast %scan3A_161 : i32 to index
        %swap3A_794 = arith.constant 144 : index
        %swap3A_795 = tpu.vector_load %arg6[%swap3A_792, %swap3A_793, %swap3A_794] {strides = array<i32>} : memref<4x32x224xf32, #tpu.memory_space<vmem>>, vector<1x1x16xf32>,
        %swap3A_796 = vector.shape_cast %swap3A_795 : vector<1x1x16xf32> to vector<16xf32>
        %swap3A_797 = vector.shape_cast %select_n3A_790 : vector<16xf32> to vector<1x1x16xf32>
        tpu.vector_store %arg6[%swap3A_792, %swap3A_793, %swap3A_794], %swap3A_797 {strides = array<i32>} : memref<4x32x224xf32, #tpu.memory_space<vmem>>, vector<1x1x16xf32>,
        %eq3A_798 = arith.cmpf oeq, %get3A_765, %max3A_768 : vector<16xf32>
        %select_n3A_799 = arith.select %eq3A_798, %get3A_765, %broadcast_in_dim3A_770 : vector<16xi1>, vector<16xf32>
        %swap3A_800 = arith.constant 3 : i32
        %swap3A_801 = arith.index_cast %swap3A_800 : i32 to index
        %swap3A_802 = arith.index_cast %scan3A_161 : i32 to index
        %swap3A_803 = arith.constant 144 : index
        %swap3A_804 = tpu.vector_load %arg6[%swap3A_801, %swap3A_802, %swap3A_803] {strides = array<i32>} : memref<4x32x224xf32, #tpu.memory_space<vmem>>, vector<1x1x16xf32>,
        %swap3A_805 = vector.shape_cast %swap3A_804 : vector<1x1x16xf32> to vector<16xf32>
        %swap3A_806 = vector.shape_cast %select_n3A_799 : vector<16xf32> to vector<1x1x16xf32>
        tpu.vector_store %arg6[%swap3A_801, %swap3A_802, %swap3A_803], %swap3A_806 {strides = array<i32>} : memref<4x32x224xf32, #tpu.memory_space<vmem>>, vector<1x1x16xf32>,
        %get3A_807 = arith.constant 0 : i32
        %get3A_808 = arith.index_cast %get3A_807 : i32 to index
        %get3A_809 = arith.index_cast %scan3A_161 : i32 to index
        %get3A_810 = arith.constant 160 : index
        %get3A_811 = tpu.vector_load %arg4[%get3A_808, %get3A_809, %get3A_810] {strides = array<i32>} : memref<4x32x224xf32, #tpu.memory_space<vmem>>, vector<1x1x16xf32>,
        %get3A_812 = vector.shape_cast %get3A_811 : vector<1x1x16xf32> to vector<16xf32>
        %get3A_813 = arith.constant 1 : i32
        %get3A_814 = arith.index_cast %get3A_813 : i32 to index
        %get3A_815 = arith.index_cast %scan3A_161 : i32 to index
        %get3A_816 = arith.constant 160 : index
        %get3A_817 = tpu.vector_load %arg4[%get3A_814, %get3A_815, %get3A_816] {strides = array<i32>} : memref<4x32x224xf32, #tpu.memory_space<vmem>>, vector<1x1x16xf32>,
        %get3A_818 = vector.shape_cast %get3A_817 : vector<1x1x16xf32> to vector<16xf32>
        %get3A_819 = arith.constant 2 : i32
        %get3A_820 = arith.index_cast %get3A_819 : i32 to index
        %get3A_821 = arith.index_cast %scan3A_161 : i32 to index
        %get3A_822 = arith.constant 160 : index
        %get3A_823 = tpu.vector_load %arg4[%get3A_820, %get3A_821, %get3A_822] {strides = array<i32>} : memref<4x32x224xf32, #tpu.memory_space<vmem>>, vector<1x1x16xf32>,
        %get3A_824 = vector.shape_cast %get3A_823 : vector<1x1x16xf32> to vector<16xf32>
        %get3A_825 = arith.constant 3 : i32
        %get3A_826 = arith.index_cast %get3A_825 : i32 to index
        %get3A_827 = arith.index_cast %scan3A_161 : i32 to index
        %get3A_828 = arith.constant 160 : index
        %get3A_829 = tpu.vector_load %arg4[%get3A_826, %get3A_827, %get3A_828] {strides = array<i32>} : memref<4x32x224xf32, #tpu.memory_space<vmem>>, vector<1x1x16xf32>,
        %get3A_830 = vector.shape_cast %get3A_829 : vector<1x1x16xf32> to vector<16xf32>
        %max3A_831 = arith.maximumf %get3A_812, %get3A_818 : vector<16xf32>
        %max3A_832 = arith.maximumf %get3A_824, %get3A_830 : vector<16xf32>
        %max3A_833 = arith.maximumf %max3A_831, %max3A_832 : vector<16xf32>
        %broadcast_in_dim3A_834 = arith.constant 0.000000e+00 : f32
        %broadcast_in_dim3A_835 = vector.broadcast %broadcast_in_dim3A_834 : f32 to vector<16xf32>
        %eq3A_836 = arith.cmpf oeq, %get3A_812, %max3A_833 : vector<16xf32>
        %select_n3A_837 = arith.select %eq3A_836, %get3A_812, %broadcast_in_dim3A_835 : vector<16xi1>, vector<16xf32>
        %swap3A_838 = arith.constant 0 : i32
        %swap3A_839 = arith.index_cast %swap3A_838 : i32 to index
        %swap3A_840 = arith.index_cast %scan3A_161 : i32 to index
        %swap3A_841 = arith.constant 160 : index
        %swap3A_842 = tpu.vector_load %arg6[%swap3A_839, %swap3A_840, %swap3A_841] {strides = array<i32>} : memref<4x32x224xf32, #tpu.memory_space<vmem>>, vector<1x1x16xf32>,
        %swap3A_843 = vector.shape_cast %swap3A_842 : vector<1x1x16xf32> to vector<16xf32>
        %swap3A_844 = vector.shape_cast %select_n3A_837 : vector<16xf32> to vector<1x1x16xf32>
        tpu.vector_store %arg6[%swap3A_839, %swap3A_840, %swap3A_841], %swap3A_844 {strides = array<i32>} : memref<4x32x224xf32, #tpu.memory_space<vmem>>, vector<1x1x16xf32>,
        %eq3A_845 = arith.cmpf oeq, %get3A_818, %max3A_833 : vector<16xf32>
        %select_n3A_846 = arith.select %eq3A_845, %get3A_818, %broadcast_in_dim3A_835 : vector<16xi1>, vector<16xf32>
        %swap3A_847 = arith.constant 1 : i32
        %swap3A_848 = arith.index_cast %swap3A_847 : i32 to index
        %swap3A_849 = arith.index_cast %scan3A_161 : i32 to index
        %swap3A_850 = arith.constant 160 : index
        %swap3A_851 = tpu.vector_load %arg6[%swap3A_848, %swap3A_849, %swap3A_850] {strides = array<i32>} : memref<4x32x224xf32, #tpu.memory_space<vmem>>, vector<1x1x16xf32>,
        %swap3A_852 = vector.shape_cast %swap3A_851 : vector<1x1x16xf32> to vector<16xf32>
        %swap3A_853 = vector.shape_cast %select_n3A_846 : vector<16xf32> to vector<1x1x16xf32>
        tpu.vector_store %arg6[%swap3A_848, %swap3A_849, %swap3A_850], %swap3A_853 {strides = array<i32>} : memref<4x32x224xf32, #tpu.memory_space<vmem>>, vector<1x1x16xf32>,
        %eq3A_854 = arith.cmpf oeq, %get3A_824, %max3A_833 : vector<16xf32>
        %select_n3A_855 = arith.select %eq3A_854, %get3A_824, %broadcast_in_dim3A_835 : vector<16xi1>, vector<16xf32>
        %swap3A_856 = arith.constant 2 : i32
        %swap3A_857 = arith.index_cast %swap3A_856 : i32 to index
        %swap3A_858 = arith.index_cast %scan3A_161 : i32 to index
        %swap3A_859 = arith.constant 160 : index
        %swap3A_860 = tpu.vector_load %arg6[%swap3A_857, %swap3A_858, %swap3A_859] {strides = array<i32>} : memref<4x32x224xf32, #tpu.memory_space<vmem>>, vector<1x1x16xf32>,
        %swap3A_861 = vector.shape_cast %swap3A_860 : vector<1x1x16xf32> to vector<16xf32>
        %swap3A_862 = vector.shape_cast %select_n3A_855 : vector<16xf32> to vector<1x1x16xf32>
        tpu.vector_store %arg6[%swap3A_857, %swap3A_858, %swap3A_859], %swap3A_862 {strides = array<i32>} : memref<4x32x224xf32, #tpu.memory_space<vmem>>, vector<1x1x16xf32>,
        %eq3A_863 = arith.cmpf oeq, %get3A_830, %max3A_833 : vector<16xf32>
        %select_n3A_864 = arith.select %eq3A_863, %get3A_830, %broadcast_in_dim3A_835 : vector<16xi1>, vector<16xf32>
        %swap3A_865 = arith.constant 3 : i32
        %swap3A_866 = arith.index_cast %swap3A_865 : i32 to index
        %swap3A_867 = arith.index_cast %scan3A_161 : i32 to index
        %swap3A_868 = arith.constant 160 : index
        %swap3A_869 = tpu.vector_load %arg6[%swap3A_866, %swap3A_867, %swap3A_868] {strides = array<i32>} : memref<4x32x224xf32, #tpu.memory_space<vmem>>, vector<1x1x16xf32>,
        %swap3A_870 = vector.shape_cast %swap3A_869 : vector<1x1x16xf32> to vector<16xf32>
        %swap3A_871 = vector.shape_cast %select_n3A_864 : vector<16xf32> to vector<1x1x16xf32>
        tpu.vector_store %arg6[%swap3A_866, %swap3A_867, %swap3A_868], %swap3A_871 {strides = array<i32>} : memref<4x32x224xf32, #tpu.memory_space<vmem>>, vector<1x1x16xf32>,
        %get3A_872 = arith.constant 0 : i32
        %get3A_873 = arith.index_cast %get3A_872 : i32 to index
        %get3A_874 = arith.index_cast %scan3A_161 : i32 to index
        %get3A_875 = arith.constant 176 : index
        %get3A_876 = tpu.vector_load %arg4[%get3A_873, %get3A_874, %get3A_875] {strides = array<i32>} : memref<4x32x224xf32, #tpu.memory_space<vmem>>, vector<1x1x16xf32>,
        %get3A_877 = vector.shape_cast %get3A_876 : vector<1x1x16xf32> to vector<16xf32>
        %get3A_878 = arith.constant 1 : i32
        %get3A_879 = arith.index_cast %get3A_878 : i32 to index
        %get3A_880 = arith.index_cast %scan3A_161 : i32 to index
        %get3A_881 = arith.constant 176 : index
        %get3A_882 = tpu.vector_load %arg4[%get3A_879, %get3A_880, %get3A_881] {strides = array<i32>} : memref<4x32x224xf32, #tpu.memory_space<vmem>>, vector<1x1x16xf32>,
        %get3A_883 = vector.shape_cast %get3A_882 : vector<1x1x16xf32> to vector<16xf32>
        %get3A_884 = arith.constant 2 : i32
        %get3A_885 = arith.index_cast %get3A_884 : i32 to index
        %get3A_886 = arith.index_cast %scan3A_161 : i32 to index
        %get3A_887 = arith.constant 176 : index
        %get3A_888 = tpu.vector_load %arg4[%get3A_885, %get3A_886, %get3A_887] {strides = array<i32>} : memref<4x32x224xf32, #tpu.memory_space<vmem>>, vector<1x1x16xf32>,
        %get3A_889 = vector.shape_cast %get3A_888 : vector<1x1x16xf32> to vector<16xf32>
        %get3A_890 = arith.constant 3 : i32
        %get3A_891 = arith.index_cast %get3A_890 : i32 to index
        %get3A_892 = arith.index_cast %scan3A_161 : i32 to index
        %get3A_893 = arith.constant 176 : index
        %get3A_894 = tpu.vector_load %arg4[%get3A_891, %get3A_892, %get3A_893] {strides = array<i32>} : memref<4x32x224xf32, #tpu.memory_space<vmem>>, vector<1x1x16xf32>,
        %get3A_895 = vector.shape_cast %get3A_894 : vector<1x1x16xf32> to vector<16xf32>
        %max3A_896 = arith.maximumf %get3A_877, %get3A_883 : vector<16xf32>
        %max3A_897 = arith.maximumf %get3A_889, %get3A_895 : vector<16xf32>
        %max3A_898 = arith.maximumf %max3A_896, %max3A_897 : vector<16xf32>
        %broadcast_in_dim3A_899 = arith.constant 0.000000e+00 : f32
        %broadcast_in_dim3A_900 = vector.broadcast %broadcast_in_dim3A_899 : f32 to vector<16xf32>
        %eq3A_901 = arith.cmpf oeq, %get3A_877, %max3A_898 : vector<16xf32>
        %select_n3A_902 = arith.select %eq3A_901, %get3A_877, %broadcast_in_dim3A_900 : vector<16xi1>, vector<16xf32>
        %swap3A_903 = arith.constant 0 : i32
        %swap3A_904 = arith.index_cast %swap3A_903 : i32 to index
        %swap3A_905 = arith.index_cast %scan3A_161 : i32 to index
        %swap3A_906 = arith.constant 176 : index
        %swap3A_907 = tpu.vector_load %arg6[%swap3A_904, %swap3A_905, %swap3A_906] {strides = array<i32>} : memref<4x32x224xf32, #tpu.memory_space<vmem>>, vector<1x1x16xf32>,
        %swap3A_908 = vector.shape_cast %swap3A_907 : vector<1x1x16xf32> to vector<16xf32>
        %swap3A_909 = vector.shape_cast %select_n3A_902 : vector<16xf32> to vector<1x1x16xf32>
        tpu.vector_store %arg6[%swap3A_904, %swap3A_905, %swap3A_906], %swap3A_909 {strides = array<i32>} : memref<4x32x224xf32, #tpu.memory_space<vmem>>, vector<1x1x16xf32>,
        %eq3A_910 = arith.cmpf oeq, %get3A_883, %max3A_898 : vector<16xf32>
        %select_n3A_911 = arith.select %eq3A_910, %get3A_883, %broadcast_in_dim3A_900 : vector<16xi1>, vector<16xf32>
        %swap3A_912 = arith.constant 1 : i32
        %swap3A_913 = arith.index_cast %swap3A_912 : i32 to index
        %swap3A_914 = arith.index_cast %scan3A_161 : i32 to index
        %swap3A_915 = arith.constant 176 : index
        %swap3A_916 = tpu.vector_load %arg6[%swap3A_913, %swap3A_914, %swap3A_915] {strides = array<i32>} : memref<4x32x224xf32, #tpu.memory_space<vmem>>, vector<1x1x16xf32>,
        %swap3A_917 = vector.shape_cast %swap3A_916 : vector<1x1x16xf32> to vector<16xf32>
        %swap3A_918 = vector.shape_cast %select_n3A_911 : vector<16xf32> to vector<1x1x16xf32>
        tpu.vector_store %arg6[%swap3A_913, %swap3A_914, %swap3A_915], %swap3A_918 {strides = array<i32>} : memref<4x32x224xf32, #tpu.memory_space<vmem>>, vector<1x1x16xf32>,
        %eq3A_919 = arith.cmpf oeq, %get3A_889, %max3A_898 : vector<16xf32>
        %select_n3A_920 = arith.select %eq3A_919, %get3A_889, %broadcast_in_dim3A_900 : vector<16xi1>, vector<16xf32>
        %swap3A_921 = arith.constant 2 : i32
        %swap3A_922 = arith.index_cast %swap3A_921 : i32 to index
        %swap3A_923 = arith.index_cast %scan3A_161 : i32 to index
        %swap3A_924 = arith.constant 176 : index
        %swap3A_925 = tpu.vector_load %arg6[%swap3A_922, %swap3A_923, %swap3A_924] {strides = array<i32>} : memref<4x32x224xf32, #tpu.memory_space<vmem>>, vector<1x1x16xf32>,
        %swap3A_926 = vector.shape_cast %swap3A_925 : vector<1x1x16xf32> to vector<16xf32>
        %swap3A_927 = vector.shape_cast %select_n3A_920 : vector<16xf32> to vector<1x1x16xf32>
        tpu.vector_store %arg6[%swap3A_922, %swap3A_923, %swap3A_924], %swap3A_927 {strides = array<i32>} : memref<4x32x224xf32, #tpu.memory_space<vmem>>, vector<1x1x16xf32>,
        %eq3A_928 = arith.cmpf oeq, %get3A_895, %max3A_898 : vector<16xf32>
        %select_n3A_929 = arith.select %eq3A_928, %get3A_895, %broadcast_in_dim3A_900 : vector<16xi1>, vector<16xf32>
        %swap3A_930 = arith.constant 3 : i32
        %swap3A_931 = arith.index_cast %swap3A_930 : i32 to index
        %swap3A_932 = arith.index_cast %scan3A_161 : i32 to index
        %swap3A_933 = arith.constant 176 : index
        %swap3A_934 = tpu.vector_load %arg6[%swap3A_931, %swap3A_932, %swap3A_933] {strides = array<i32>} : memref<4x32x224xf32, #tpu.memory_space<vmem>>, vector<1x1x16xf32>,
        %swap3A_935 = vector.shape_cast %swap3A_934 : vector<1x1x16xf32> to vector<16xf32>
        %swap3A_936 = vector.shape_cast %select_n3A_929 : vector<16xf32> to vector<1x1x16xf32>
        tpu.vector_store %arg6[%swap3A_931, %swap3A_932, %swap3A_933], %swap3A_936 {strides = array<i32>} : memref<4x32x224xf32, #tpu.memory_space<vmem>>, vector<1x1x16xf32>,
        %get3A_937 = arith.constant 0 : i32
        %get3A_938 = arith.index_cast %get3A_937 : i32 to index
        %get3A_939 = arith.index_cast %scan3A_161 : i32 to index
        %get3A_940 = arith.constant 192 : index
        %get3A_941 = tpu.vector_load %arg4[%get3A_938, %get3A_939, %get3A_940] {strides = array<i32>} : memref<4x32x224xf32, #tpu.memory_space<vmem>>, vector<1x1x16xf32>,
        %get3A_942 = vector.shape_cast %get3A_941 : vector<1x1x16xf32> to vector<16xf32>
        %get3A_943 = arith.constant 1 : i32
        %get3A_944 = arith.index_cast %get3A_943 : i32 to index
        %get3A_945 = arith.index_cast %scan3A_161 : i32 to index
        %get3A_946 = arith.constant 192 : index
        %get3A_947 = tpu.vector_load %arg4[%get3A_944, %get3A_945, %get3A_946] {strides = array<i32>} : memref<4x32x224xf32, #tpu.memory_space<vmem>>, vector<1x1x16xf32>,
        %get3A_948 = vector.shape_cast %get3A_947 : vector<1x1x16xf32> to vector<16xf32>
        %get3A_949 = arith.constant 2 : i32
        %get3A_950 = arith.index_cast %get3A_949 : i32 to index
        %get3A_951 = arith.index_cast %scan3A_161 : i32 to index
        %get3A_952 = arith.constant 192 : index
        %get3A_953 = tpu.vector_load %arg4[%get3A_950, %get3A_951, %get3A_952] {strides = array<i32>} : memref<4x32x224xf32, #tpu.memory_space<vmem>>, vector<1x1x16xf32>,
        %get3A_954 = vector.shape_cast %get3A_953 : vector<1x1x16xf32> to vector<16xf32>
        %get3A_955 = arith.constant 3 : i32
        %get3A_956 = arith.index_cast %get3A_955 : i32 to index
        %get3A_957 = arith.index_cast %scan3A_161 : i32 to index
        %get3A_958 = arith.constant 192 : index
        %get3A_959 = tpu.vector_load %arg4[%get3A_956, %get3A_957, %get3A_958] {strides = array<i32>} : memref<4x32x224xf32, #tpu.memory_space<vmem>>, vector<1x1x16xf32>,
        %get3A_960 = vector.shape_cast %get3A_959 : vector<1x1x16xf32> to vector<16xf32>
        %max3A_961 = arith.maximumf %get3A_942, %get3A_948 : vector<16xf32>
        %max3A_962 = arith.maximumf %get3A_954, %get3A_960 : vector<16xf32>
        %max3A_963 = arith.maximumf %max3A_961, %max3A_962 : vector<16xf32>
        %broadcast_in_dim3A_964 = arith.constant 0.000000e+00 : f32
        %broadcast_in_dim3A_965 = vector.broadcast %broadcast_in_dim3A_964 : f32 to vector<16xf32>
        %eq3A_966 = arith.cmpf oeq, %get3A_942, %max3A_963 : vector<16xf32>
        %select_n3A_967 = arith.select %eq3A_966, %get3A_942, %broadcast_in_dim3A_965 : vector<16xi1>, vector<16xf32>
        %swap3A_968 = arith.constant 0 : i32
        %swap3A_969 = arith.index_cast %swap3A_968 : i32 to index
        %swap3A_970 = arith.index_cast %scan3A_161 : i32 to index
        %swap3A_971 = arith.constant 192 : index
        %swap3A_972 = tpu.vector_load %arg6[%swap3A_969, %swap3A_970, %swap3A_971] {strides = array<i32>} : memref<4x32x224xf32, #tpu.memory_space<vmem>>, vector<1x1x16xf32>,
        %swap3A_973 = vector.shape_cast %swap3A_972 : vector<1x1x16xf32> to vector<16xf32>
        %swap3A_974 = vector.shape_cast %select_n3A_967 : vector<16xf32> to vector<1x1x16xf32>
        tpu.vector_store %arg6[%swap3A_969, %swap3A_970, %swap3A_971], %swap3A_974 {strides = array<i32>} : memref<4x32x224xf32, #tpu.memory_space<vmem>>, vector<1x1x16xf32>,
        %eq3A_975 = arith.cmpf oeq, %get3A_948, %max3A_963 : vector<16xf32>
        %select_n3A_976 = arith.select %eq3A_975, %get3A_948, %broadcast_in_dim3A_965 : vector<16xi1>, vector<16xf32>
        %swap3A_977 = arith.constant 1 : i32
        %swap3A_978 = arith.index_cast %swap3A_977 : i32 to index
        %swap3A_979 = arith.index_cast %scan3A_161 : i32 to index
        %swap3A_980 = arith.constant 192 : index
        %swap3A_981 = tpu.vector_load %arg6[%swap3A_978, %swap3A_979, %swap3A_980] {strides = array<i32>} : memref<4x32x224xf32, #tpu.memory_space<vmem>>, vector<1x1x16xf32>,
        %swap3A_982 = vector.shape_cast %swap3A_981 : vector<1x1x16xf32> to vector<16xf32>
        %swap3A_983 = vector.shape_cast %select_n3A_976 : vector<16xf32> to vector<1x1x16xf32>
        tpu.vector_store %arg6[%swap3A_978, %swap3A_979, %swap3A_980], %swap3A_983 {strides = array<i32>} : memref<4x32x224xf32, #tpu.memory_space<vmem>>, vector<1x1x16xf32>,
        %eq3A_984 = arith.cmpf oeq, %get3A_954, %max3A_963 : vector<16xf32>
        %select_n3A_985 = arith.select %eq3A_984, %get3A_954, %broadcast_in_dim3A_965 : vector<16xi1>, vector<16xf32>
        %swap3A_986 = arith.constant 2 : i32
        %swap3A_987 = arith.index_cast %swap3A_986 : i32 to index
        %swap3A_988 = arith.index_cast %scan3A_161 : i32 to index
        %swap3A_989 = arith.constant 192 : index
        %swap3A_990 = tpu.vector_load %arg6[%swap3A_987, %swap3A_988, %swap3A_989] {strides = array<i32>} : memref<4x32x224xf32, #tpu.memory_space<vmem>>, vector<1x1x16xf32>,
        %swap3A_991 = vector.shape_cast %swap3A_990 : vector<1x1x16xf32> to vector<16xf32>
        %swap3A_992 = vector.shape_cast %select_n3A_985 : vector<16xf32> to vector<1x1x16xf32>
        tpu.vector_store %arg6[%swap3A_987, %swap3A_988, %swap3A_989], %swap3A_992 {strides = array<i32>} : memref<4x32x224xf32, #tpu.memory_space<vmem>>, vector<1x1x16xf32>,
        %eq3A_993 = arith.cmpf oeq, %get3A_960, %max3A_963 : vector<16xf32>
        %select_n3A_994 = arith.select %eq3A_993, %get3A_960, %broadcast_in_dim3A_965 : vector<16xi1>, vector<16xf32>
        %swap3A_995 = arith.constant 3 : i32
        %swap3A_996 = arith.index_cast %swap3A_995 : i32 to index
        %swap3A_997 = arith.index_cast %scan3A_161 : i32 to index
        %swap3A_998 = arith.constant 192 : index
        %swap3A_999 = tpu.vector_load %arg6[%swap3A_996, %swap3A_997, %swap3A_998] {strides = array<i32>} : memref<4x32x224xf32, #tpu.memory_space<vmem>>, vector<1x1x16xf32>,
        %swap3A_1000 = vector.shape_cast %swap3A_999 : vector<1x1x16xf32> to vector<16xf32>
        %swap3A_1001 = vector.shape_cast %select_n3A_994 : vector<16xf32> to vector<1x1x16xf32>
        tpu.vector_store %arg6[%swap3A_996, %swap3A_997, %swap3A_998], %swap3A_1001 {strides = array<i32>} : memref<4x32x224xf32, #tpu.memory_space<vmem>>, vector<1x1x16xf32>,
        %get3A_1002 = arith.constant 0 : i32
        %get3A_1003 = arith.index_cast %get3A_1002 : i32 to index
        %get3A_1004 = arith.index_cast %scan3A_161 : i32 to index
        %get3A_1005 = arith.constant 208 : index
        %get3A_1006 = tpu.vector_load %arg4[%get3A_1003, %get3A_1004, %get3A_1005] {strides = array<i32>} : memref<4x32x224xf32, #tpu.memory_space<vmem>>, vector<1x1x16xf32>,
        %get3A_1007 = vector.shape_cast %get3A_1006 : vector<1x1x16xf32> to vector<16xf32>
        %get3A_1008 = arith.constant 1 : i32
        %get3A_1009 = arith.index_cast %get3A_1008 : i32 to index
        %get3A_1010 = arith.index_cast %scan3A_161 : i32 to index
        %get3A_1011 = arith.constant 208 : index
        %get3A_1012 = tpu.vector_load %arg4[%get3A_1009, %get3A_1010, %get3A_1011] {strides = array<i32>} : memref<4x32x224xf32, #tpu.memory_space<vmem>>, vector<1x1x16xf32>,
        %get3A_1013 = vector.shape_cast %get3A_1012 : vector<1x1x16xf32> to vector<16xf32>
        %get3A_1014 = arith.constant 2 : i32
        %get3A_1015 = arith.index_cast %get3A_1014 : i32 to index
        %get3A_1016 = arith.index_cast %scan3A_161 : i32 to index
        %get3A_1017 = arith.constant 208 : index
        %get3A_1018 = tpu.vector_load %arg4[%get3A_1015, %get3A_1016, %get3A_1017] {strides = array<i32>} : memref<4x32x224xf32, #tpu.memory_space<vmem>>, vector<1x1x16xf32>,
        %get3A_1019 = vector.shape_cast %get3A_1018 : vector<1x1x16xf32> to vector<16xf32>
        %get3A_1020 = arith.constant 3 : i32
        %get3A_1021 = arith.index_cast %get3A_1020 : i32 to index
        %get3A_1022 = arith.index_cast %scan3A_161 : i32 to index
        %get3A_1023 = arith.constant 208 : index
        %get3A_1024 = tpu.vector_load %arg4[%get3A_1021, %get3A_1022, %get3A_1023] {strides = array<i32>} : memref<4x32x224xf32, #tpu.memory_space<vmem>>, vector<1x1x16xf32>,
        %get3A_1025 = vector.shape_cast %get3A_1024 : vector<1x1x16xf32> to vector<16xf32>
        %max3A_1026 = arith.maximumf %get3A_1007, %get3A_1013 : vector<16xf32>
        %max3A_1027 = arith.maximumf %get3A_1019, %get3A_1025 : vector<16xf32>
        %max3A_1028 = arith.maximumf %max3A_1026, %max3A_1027 : vector<16xf32>
        %broadcast_in_dim3A_1029 = arith.constant 0.000000e+00 : f32
        %broadcast_in_dim3A_1030 = vector.broadcast %broadcast_in_dim3A_1029 : f32 to vector<16xf32>
        %eq3A_1031 = arith.cmpf oeq, %get3A_1007, %max3A_1028 : vector<16xf32>
        %select_n3A_1032 = arith.select %eq3A_1031, %get3A_1007, %broadcast_in_dim3A_1030 : vector<16xi1>, vector<16xf32>
        %swap3A_1033 = arith.constant 0 : i32
        %swap3A_1034 = arith.index_cast %swap3A_1033 : i32 to index
        %swap3A_1035 = arith.index_cast %scan3A_161 : i32 to index
        %swap3A_1036 = arith.constant 208 : index
        %swap3A_1037 = tpu.vector_load %arg6[%swap3A_1034, %swap3A_1035, %swap3A_1036] {strides = array<i32>} : memref<4x32x224xf32, #tpu.memory_space<vmem>>, vector<1x1x16xf32>,
        %swap3A_1038 = vector.shape_cast %swap3A_1037 : vector<1x1x16xf32> to vector<16xf32>
        %swap3A_1039 = vector.shape_cast %select_n3A_1032 : vector<16xf32> to vector<1x1x16xf32>
        tpu.vector_store %arg6[%swap3A_1034, %swap3A_1035, %swap3A_1036], %swap3A_1039 {strides = array<i32>} : memref<4x32x224xf32, #tpu.memory_space<vmem>>, vector<1x1x16xf32>,
        %eq3A_1040 = arith.cmpf oeq, %get3A_1013, %max3A_1028 : vector<16xf32>
        %select_n3A_1041 = arith.select %eq3A_1040, %get3A_1013, %broadcast_in_dim3A_1030 : vector<16xi1>, vector<16xf32>
        %swap3A_1042 = arith.constant 1 : i32
        %swap3A_1043 = arith.index_cast %swap3A_1042 : i32 to index
        %swap3A_1044 = arith.index_cast %scan3A_161 : i32 to index
        %swap3A_1045 = arith.constant 208 : index
        %swap3A_1046 = tpu.vector_load %arg6[%swap3A_1043, %swap3A_1044, %swap3A_1045] {strides = array<i32>} : memref<4x32x224xf32, #tpu.memory_space<vmem>>, vector<1x1x16xf32>,
        %swap3A_1047 = vector.shape_cast %swap3A_1046 : vector<1x1x16xf32> to vector<16xf32>
        %swap3A_1048 = vector.shape_cast %select_n3A_1041 : vector<16xf32> to vector<1x1x16xf32>
        tpu.vector_store %arg6[%swap3A_1043, %swap3A_1044, %swap3A_1045], %swap3A_1048 {strides = array<i32>} : memref<4x32x224xf32, #tpu.memory_space<vmem>>, vector<1x1x16xf32>,
        %eq3A_1049 = arith.cmpf oeq, %get3A_1019, %max3A_1028 : vector<16xf32>
        %select_n3A_1050 = arith.select %eq3A_1049, %get3A_1019, %broadcast_in_dim3A_1030 : vector<16xi1>, vector<16xf32>
        %swap3A_1051 = arith.constant 2 : i32
        %swap3A_1052 = arith.index_cast %swap3A_1051 : i32 to index
        %swap3A_1053 = arith.index_cast %scan3A_161 : i32 to index
        %swap3A_1054 = arith.constant 208 : index
        %swap3A_1055 = tpu.vector_load %arg6[%swap3A_1052, %swap3A_1053, %swap3A_1054] {strides = array<i32>} : memref<4x32x224xf32, #tpu.memory_space<vmem>>, vector<1x1x16xf32>,
        %swap3A_1056 = vector.shape_cast %swap3A_1055 : vector<1x1x16xf32> to vector<16xf32>
        %swap3A_1057 = vector.shape_cast %select_n3A_1050 : vector<16xf32> to vector<1x1x16xf32>
        tpu.vector_store %arg6[%swap3A_1052, %swap3A_1053, %swap3A_1054], %swap3A_1057 {strides = array<i32>} : memref<4x32x224xf32, #tpu.memory_space<vmem>>, vector<1x1x16xf32>,
        %eq3A_1058 = arith.cmpf oeq, %get3A_1025, %max3A_1028 : vector<16xf32>
        %select_n3A_1059 = arith.select %eq3A_1058, %get3A_1025, %broadcast_in_dim3A_1030 : vector<16xi1>, vector<16xf32>
        %swap3A_1060 = arith.constant 3 : i32
        %swap3A_1061 = arith.index_cast %swap3A_1060 : i32 to index
        %swap3A_1062 = arith.index_cast %scan3A_161 : i32 to index
        %swap3A_1063 = arith.constant 208 : index
        %swap3A_1064 = tpu.vector_load %arg6[%swap3A_1061, %swap3A_1062, %swap3A_1063] {strides = array<i32>} : memref<4x32x224xf32, #tpu.memory_space<vmem>>, vector<1x1x16xf32>,
        %swap3A_1065 = vector.shape_cast %swap3A_1064 : vector<1x1x16xf32> to vector<16xf32>
        %swap3A_1066 = vector.shape_cast %select_n3A_1059 : vector<16xf32> to vector<1x1x16xf32>
        tpu.vector_store %arg6[%swap3A_1061, %swap3A_1062, %swap3A_1063], %swap3A_1066 {strides = array<i32>} : memref<4x32x224xf32, #tpu.memory_space<vmem>>, vector<1x1x16xf32>,
      }
      %scan3A_63 = arith.constant 32 : i32
      %jit3A = arith.constant 7 : i32
      %div3A = arith.divsi %add3A_47, %jit3A : i32
      %sign3A = arith.constant 0 : i32
      %sign3A_64 = arith.cmpi sgt, %add3A_47, %sign3A : i32
      %sign3A_65 = arith.extui %sign3A_64 : i1 to i32
      %sign3A_66 = arith.constant 0 : i32
      %sign3A_67 = arith.cmpi slt, %add3A_47, %sign3A_66 : i32
      %sign3A_68 = arith.extui %sign3A_67 : i1 to i32
      %sign3A_69 = arith.subi %sign3A_65, %sign3A_68 : i32
      %sign3A_70 = arith.constant 0 : i32
      %sign3A_71 = arith.cmpi sgt, %jit3A, %sign3A_70 : i32
      %sign3A_72 = arith.extui %sign3A_71 : i1 to i32
      %sign3A_73 = arith.constant 0 : i32
      %sign3A_74 = arith.cmpi slt, %jit3A, %sign3A_73 : i32
      %sign3A_75 = arith.extui %sign3A_74 : i1 to i32
      %sign3A_76 = arith.subi %sign3A_72, %sign3A_75 : i32
      %ne3A = arith.cmpi ne, %sign3A_69, %sign3A_76 : i32
      %rem3A_77 = arith.remsi %add3A_47, %jit3A : i32
      %ne3A_78 = arith.constant 0 : i32
      %ne3A_79 = arith.cmpi ne, %rem3A_77, %ne3A_78 : i32
      %and3A = arith.andi %ne3A, %ne3A_79 : i1
      %sub3A = arith.constant 1 : i32
      %sub3A_80 = arith.subi %div3A, %sub3A : i32
      %select_n3A = arith.select %and3A, %sub3A_80, %div3A : i32
      %rem3A_81 = arith.constant 7 : i32
      %rem3A_82 = arith.remsi %add3A_47, %rem3A_81 : i32
      %mul3A_83 = arith.constant 4 : i32
      %mul3A_84 = arith.muli %select_n3A, %mul3A_83 : i32
      %add3A_85 = arith.addi %mul3A_2, %mul3A_84 : i32
      %mul3A_86 = arith.constant 32 : i32
      %mul3A_87 = arith.muli %rem3A_82, %mul3A_86 : i32
      %dma_start3A_88 = arith.constant 0 : i32
      %dma_start3A_89 = tpu.memref_slice %arg3[%add3A_85, %mul3A_87, %dma_start3A_88] : memref<1536x224x224xf32, #tpu.memory_space<hbm>> -> memref<4x32x224xf32, #tpu.memory_space<hbm>>
      %dma_start3A_90 = arith.constant 0 : i32
      %dma_start3A_91 = tpu.memref_slice %arg3[%add3A_85, %mul3A_87, %dma_start3A_90] : memref<1536x224x224xf32, #tpu.memory_space<hbm>> -> memref<4x32x224xf32, #tpu.memory_space<hbm>>
      tpu.enqueue_dma source(%arg6 : memref<4x32x224xf32, #tpu.memory_space<vmem>>) target(%dma_start3A_91 : memref<4x32x224xf32, #tpu.memory_space<hbm>>) target_semaphore(%arg10 : memref<!tpu.dma_semaphore, #tpu.memory_space<semaphore_mem>>)
      %add3A_92 = arith.constant 2 : i32
      %add3A_93 = arith.addi %add3A_47, %add3A_92 : i32
      %lt3A = arith.constant 84 : i32
      %lt3A_94 = arith.cmpi slt, %add3A_93, %lt3A : i32
      %convert_element_type3A_95 = arith.extui %lt3A_94 : i1 to i32
      %cond3A_96 = arith.constant 0 : i32
      %cond3A_97 = arith.cmpi ne, %convert_element_type3A_95, %cond3A_96 : i32
      scf.if %cond3A_97 {
        %add3A_161 = arith.constant 2 : i32
        %add3A_162 = arith.addi %add3A_47, %add3A_161 : i32
        %jit3A_163 = arith.constant 7 : i32
        %div3A_164 = arith.divsi %add3A_162, %jit3A_163 : i32
        %sign3A_165 = arith.constant 0 : i32
        %sign3A_166 = arith.cmpi sgt, %add3A_162, %sign3A_165 : i32
        %sign3A_167 = arith.extui %sign3A_166 : i1 to i32
        %sign3A_168 = arith.constant 0 : i32
        %sign3A_169 = arith.cmpi slt, %add3A_162, %sign3A_168 : i32
        %sign3A_170 = arith.extui %sign3A_169 : i1 to i32
        %sign3A_171 = arith.subi %sign3A_167, %sign3A_170 : i32
        %sign3A_172 = arith.constant 0 : i32
        %sign3A_173 = arith.cmpi sgt, %jit3A_163, %sign3A_172 : i32
        %sign3A_174 = arith.extui %sign3A_173 : i1 to i32
        %sign3A_175 = arith.constant 0 : i32
        %sign3A_176 = arith.cmpi slt, %jit3A_163, %sign3A_175 : i32
        %sign3A_177 = arith.extui %sign3A_176 : i1 to i32
        %sign3A_178 = arith.subi %sign3A_174, %sign3A_177 : i32
        %ne3A_179 = arith.cmpi ne, %sign3A_171, %sign3A_178 : i32
        %rem3A_180 = arith.remsi %add3A_162, %jit3A_163 : i32
        %ne3A_181 = arith.constant 0 : i32
        %ne3A_182 = arith.cmpi ne, %rem3A_180, %ne3A_181 : i32
        %and3A_183 = arith.andi %ne3A_179, %ne3A_182 : i1
        %sub3A_184 = arith.constant 1 : i32
        %sub3A_185 = arith.subi %div3A_164, %sub3A_184 : i32
        %select_n3A_186 = arith.select %and3A_183, %sub3A_185, %div3A_164 : i32
        %rem3A_187 = arith.constant 7 : i32
        %rem3A_188 = arith.remsi %add3A_162, %rem3A_187 : i32
        %mul3A_189 = arith.constant 4 : i32
        %mul3A_190 = arith.muli %select_n3A_186, %mul3A_189 : i32
        %add3A_191 = arith.addi %mul3A_2, %mul3A_190 : i32
        %mul3A_192 = arith.constant 32 : i32
        %mul3A_193 = arith.muli %rem3A_188, %mul3A_192 : i32
        %dma_start3A_194 = arith.constant 0 : i32
        %dma_start3A_195 = tpu.memref_slice %arg2[%add3A_191, %mul3A_193, %dma_start3A_194] : memref<1536x224x224xf32, #tpu.memory_space<hbm>> -> memref<4x32x224xf32, #tpu.memory_space<hbm>>
        %dma_start3A_196 = arith.constant 0 : i32
        %dma_start3A_197 = tpu.memref_slice %arg2[%add3A_191, %mul3A_193, %dma_start3A_196] : memref<1536x224x224xf32, #tpu.memory_space<hbm>> -> memref<4x32x224xf32, #tpu.memory_space<hbm>>
        tpu.enqueue_dma source(%dma_start3A_197 : memref<4x32x224xf32, #tpu.memory_space<hbm>>) target(%arg4 : memref<4x32x224xf32, #tpu.memory_space<vmem>>) target_semaphore(%arg8 : memref<!tpu.dma_semaphore, #tpu.memory_space<semaphore_mem>>)
      } else {
      }
      %add3A_98 = arith.constant 1 : i32
      %add3A_99 = arith.addi %mul3A_45, %add3A_98 : i32
      %dma_wait3A_100 = arith.constant 0 : i32
      %dma_wait3A_101 = arith.constant 0 : i32
      %dma_wait3A_102 = arith.constant 0 : i32
      %dma_wait3A_103 = tpu.memref_slice %arg2[%dma_wait3A_100, %dma_wait3A_101, %dma_wait3A_102] : memref<1536x224x224xf32, #tpu.memory_space<hbm>> -> memref<4x32x224xf32, #tpu.memory_space<hbm>>
      %dma_wait3A_104 = arith.constant 0 : i32
      %dma_wait3A_105 = arith.constant 0 : i32
      %dma_wait3A_106 = arith.constant 0 : i32
      %dma_wait3A_107 = tpu.memref_slice %arg2[%dma_wait3A_104, %dma_wait3A_105, %dma_wait3A_106] : memref<1536x224x224xf32, #tpu.memory_space<hbm>> -> memref<4x32x224xf32, #tpu.memory_space<hbm>>
      tpu.wait_dma2 semaphore(%arg9 : memref<!tpu.dma_semaphore, #tpu.memory_space<semaphore_mem>>) src(%dma_wait3A_107 : memref<4x32x224xf32, #tpu.memory_space<hbm>>) dst(%arg5 : memref<4x32x224xf32, #tpu.memory_space<vmem>>)
      %ge3A_108 = arith.constant 2 : i32
      %ge3A_109 = arith.cmpi sge, %add3A_99, %ge3A_108 : i32
      %convert_element_type3A_110 = arith.extui %ge3A_109 : i1 to i32
      %cond3A_111 = arith.constant 0 : i32
      %cond3A_112 = arith.cmpi ne, %convert_element_type3A_110, %cond3A_111 : i32
      scf.if %cond3A_112 {
        %dma_wait3A_161 = arith.constant 0 : i32
        %dma_wait3A_162 = arith.constant 0 : i32
        %dma_wait3A_163 = arith.constant 0 : i32
        %dma_wait3A_164 = tpu.memref_slice %arg3[%dma_wait3A_161, %dma_wait3A_162, %dma_wait3A_163] : memref<1536x224x224xf32, #tpu.memory_space<hbm>> -> memref<4x32x224xf32, #tpu.memory_space<hbm>>
        %dma_wait3A_165 = arith.constant 0 : i32
        %dma_wait3A_166 = arith.constant 0 : i32
        %dma_wait3A_167 = arith.constant 0 : i32
        %dma_wait3A_168 = tpu.memref_slice %arg3[%dma_wait3A_165, %dma_wait3A_166, %dma_wait3A_167] : memref<1536x224x224xf32, #tpu.memory_space<hbm>> -> memref<4x32x224xf32, #tpu.memory_space<hbm>>
        tpu.wait_dma2 semaphore(%arg11 : memref<!tpu.dma_semaphore, #tpu.memory_space<semaphore_mem>>) src(%arg7 : memref<4x32x224xf32, #tpu.memory_space<vmem>>) dst(%dma_wait3A_168 : memref<4x32x224xf32, #tpu.memory_space<hbm>>)
      } else {
      }
      %scan3A_113 = arith.constant 0 : i32
      %scan3A_114 = arith.constant 0 : i32
      %scan3A_115 = arith.constant 32 : i32
      %scan3A_116 = arith.addi %scan3A_114, %scan3A_115 : i32
      %scan3A_117 = arith.constant 1 : i32
      scf.for %scan3A_161 = %scan3A_114 to %scan3A_116 step %scan3A_117  : i32 {
        %get3A = arith.constant 0 : i32
        %get3A_162 = arith.index_cast %get3A : i32 to index
        %get3A_163 = arith.index_cast %scan3A_161 : i32 to index
        %get3A_164 = arith.constant 0 : index
        %get3A_165 = tpu.vector_load %arg5[%get3A_162, %get3A_163, %get3A_164] {strides = array<i32>} : memref<4x32x224xf32, #tpu.memory_space<vmem>>, vector<1x1x16xf32>,
        %get3A_166 = vector.shape_cast %get3A_165 : vector<1x1x16xf32> to vector<16xf32>
        %get3A_167 = arith.constant 1 : i32
        %get3A_168 = arith.index_cast %get3A_167 : i32 to index
        %get3A_169 = arith.index_cast %scan3A_161 : i32 to index
        %get3A_170 = arith.constant 0 : index
        %get3A_171 = tpu.vector_load %arg5[%get3A_168, %get3A_169, %get3A_170] {strides = array<i32>} : memref<4x32x224xf32, #tpu.memory_space<vmem>>, vector<1x1x16xf32>,
        %get3A_172 = vector.shape_cast %get3A_171 : vector<1x1x16xf32> to vector<16xf32>
        %get3A_173 = arith.constant 2 : i32
        %get3A_174 = arith.index_cast %get3A_173 : i32 to index
        %get3A_175 = arith.index_cast %scan3A_161 : i32 to index
        %get3A_176 = arith.constant 0 : index
        %get3A_177 = tpu.vector_load %arg5[%get3A_174, %get3A_175, %get3A_176] {strides = array<i32>} : memref<4x32x224xf32, #tpu.memory_space<vmem>>, vector<1x1x16xf32>,
        %get3A_178 = vector.shape_cast %get3A_177 : vector<1x1x16xf32> to vector<16xf32>
        %get3A_179 = arith.constant 3 : i32
        %get3A_180 = arith.index_cast %get3A_179 : i32 to index
        %get3A_181 = arith.index_cast %scan3A_161 : i32 to index
        %get3A_182 = arith.constant 0 : index
        %get3A_183 = tpu.vector_load %arg5[%get3A_180, %get3A_181, %get3A_182] {strides = array<i32>} : memref<4x32x224xf32, #tpu.memory_space<vmem>>, vector<1x1x16xf32>,
        %get3A_184 = vector.shape_cast %get3A_183 : vector<1x1x16xf32> to vector<16xf32>
        %max3A = arith.maximumf %get3A_166, %get3A_172 : vector<16xf32>
        %max3A_185 = arith.maximumf %get3A_178, %get3A_184 : vector<16xf32>
        %max3A_186 = arith.maximumf %max3A, %max3A_185 : vector<16xf32>
        %broadcast_in_dim3A = arith.constant 0.000000e+00 : f32
        %broadcast_in_dim3A_187 = vector.broadcast %broadcast_in_dim3A : f32 to vector<16xf32>
        %eq3A = arith.cmpf oeq, %get3A_166, %max3A_186 : vector<16xf32>
        %select_n3A_188 = arith.select %eq3A, %get3A_166, %broadcast_in_dim3A_187 : vector<16xi1>, vector<16xf32>
        %swap3A = arith.constant 0 : i32
        %swap3A_189 = arith.index_cast %swap3A : i32 to index
        %swap3A_190 = arith.index_cast %scan3A_161 : i32 to index
        %swap3A_191 = arith.constant 0 : index
        %swap3A_192 = tpu.vector_load %arg7[%swap3A_189, %swap3A_190, %swap3A_191] {strides = array<i32>} : memref<4x32x224xf32, #tpu.memory_space<vmem>>, vector<1x1x16xf32>,
        %swap3A_193 = vector.shape_cast %swap3A_192 : vector<1x1x16xf32> to vector<16xf32>
        %swap3A_194 = vector.shape_cast %select_n3A_188 : vector<16xf32> to vector<1x1x16xf32>
        tpu.vector_store %arg7[%swap3A_189, %swap3A_190, %swap3A_191], %swap3A_194 {strides = array<i32>} : memref<4x32x224xf32, #tpu.memory_space<vmem>>, vector<1x1x16xf32>,
        %eq3A_195 = arith.cmpf oeq, %get3A_172, %max3A_186 : vector<16xf32>
        %select_n3A_196 = arith.select %eq3A_195, %get3A_172, %broadcast_in_dim3A_187 : vector<16xi1>, vector<16xf32>
        %swap3A_197 = arith.constant 1 : i32
        %swap3A_198 = arith.index_cast %swap3A_197 : i32 to index
        %swap3A_199 = arith.index_cast %scan3A_161 : i32 to index
        %swap3A_200 = arith.constant 0 : index
        %swap3A_201 = tpu.vector_load %arg7[%swap3A_198, %swap3A_199, %swap3A_200] {strides = array<i32>} : memref<4x32x224xf32, #tpu.memory_space<vmem>>, vector<1x1x16xf32>,
        %swap3A_202 = vector.shape_cast %swap3A_201 : vector<1x1x16xf32> to vector<16xf32>
        %swap3A_203 = vector.shape_cast %select_n3A_196 : vector<16xf32> to vector<1x1x16xf32>
        tpu.vector_store %arg7[%swap3A_198, %swap3A_199, %swap3A_200], %swap3A_203 {strides = array<i32>} : memref<4x32x224xf32, #tpu.memory_space<vmem>>, vector<1x1x16xf32>,
        %eq3A_204 = arith.cmpf oeq, %get3A_178, %max3A_186 : vector<16xf32>
        %select_n3A_205 = arith.select %eq3A_204, %get3A_178, %broadcast_in_dim3A_187 : vector<16xi1>, vector<16xf32>
        %swap3A_206 = arith.constant 2 : i32
        %swap3A_207 = arith.index_cast %swap3A_206 : i32 to index
        %swap3A_208 = arith.index_cast %scan3A_161 : i32 to index
        %swap3A_209 = arith.constant 0 : index
        %swap3A_210 = tpu.vector_load %arg7[%swap3A_207, %swap3A_208, %swap3A_209] {strides = array<i32>} : memref<4x32x224xf32, #tpu.memory_space<vmem>>, vector<1x1x16xf32>,
        %swap3A_211 = vector.shape_cast %swap3A_210 : vector<1x1x16xf32> to vector<16xf32>
        %swap3A_212 = vector.shape_cast %select_n3A_205 : vector<16xf32> to vector<1x1x16xf32>
        tpu.vector_store %arg7[%swap3A_207, %swap3A_208, %swap3A_209], %swap3A_212 {strides = array<i32>} : memref<4x32x224xf32, #tpu.memory_space<vmem>>, vector<1x1x16xf32>,
        %eq3A_213 = arith.cmpf oeq, %get3A_184, %max3A_186 : vector<16xf32>
        %select_n3A_214 = arith.select %eq3A_213, %get3A_184, %broadcast_in_dim3A_187 : vector<16xi1>, vector<16xf32>
        %swap3A_215 = arith.constant 3 : i32
        %swap3A_216 = arith.index_cast %swap3A_215 : i32 to index
        %swap3A_217 = arith.index_cast %scan3A_161 : i32 to index
        %swap3A_218 = arith.constant 0 : index
        %swap3A_219 = tpu.vector_load %arg7[%swap3A_216, %swap3A_217, %swap3A_218] {strides = array<i32>} : memref<4x32x224xf32, #tpu.memory_space<vmem>>, vector<1x1x16xf32>,
        %swap3A_220 = vector.shape_cast %swap3A_219 : vector<1x1x16xf32> to vector<16xf32>
        %swap3A_221 = vector.shape_cast %select_n3A_214 : vector<16xf32> to vector<1x1x16xf32>
        tpu.vector_store %arg7[%swap3A_216, %swap3A_217, %swap3A_218], %swap3A_221 {strides = array<i32>} : memref<4x32x224xf32, #tpu.memory_space<vmem>>, vector<1x1x16xf32>,
        %get3A_222 = arith.constant 0 : i32
        %get3A_223 = arith.index_cast %get3A_222 : i32 to index
        %get3A_224 = arith.index_cast %scan3A_161 : i32 to index
        %get3A_225 = arith.constant 16 : index
        %get3A_226 = tpu.vector_load %arg5[%get3A_223, %get3A_224, %get3A_225] {strides = array<i32>} : memref<4x32x224xf32, #tpu.memory_space<vmem>>, vector<1x1x16xf32>,
        %get3A_227 = vector.shape_cast %get3A_226 : vector<1x1x16xf32> to vector<16xf32>
        %get3A_228 = arith.constant 1 : i32
        %get3A_229 = arith.index_cast %get3A_228 : i32 to index
        %get3A_230 = arith.index_cast %scan3A_161 : i32 to index
        %get3A_231 = arith.constant 16 : index
        %get3A_232 = tpu.vector_load %arg5[%get3A_229, %get3A_230, %get3A_231] {strides = array<i32>} : memref<4x32x224xf32, #tpu.memory_space<vmem>>, vector<1x1x16xf32>,
        %get3A_233 = vector.shape_cast %get3A_232 : vector<1x1x16xf32> to vector<16xf32>
        %get3A_234 = arith.constant 2 : i32
        %get3A_235 = arith.index_cast %get3A_234 : i32 to index
        %get3A_236 = arith.index_cast %scan3A_161 : i32 to index
        %get3A_237 = arith.constant 16 : index
        %get3A_238 = tpu.vector_load %arg5[%get3A_235, %get3A_236, %get3A_237] {strides = array<i32>} : memref<4x32x224xf32, #tpu.memory_space<vmem>>, vector<1x1x16xf32>,
        %get3A_239 = vector.shape_cast %get3A_238 : vector<1x1x16xf32> to vector<16xf32>
        %get3A_240 = arith.constant 3 : i32
        %get3A_241 = arith.index_cast %get3A_240 : i32 to index
        %get3A_242 = arith.index_cast %scan3A_161 : i32 to index
        %get3A_243 = arith.constant 16 : index
        %get3A_244 = tpu.vector_load %arg5[%get3A_241, %get3A_242, %get3A_243] {strides = array<i32>} : memref<4x32x224xf32, #tpu.memory_space<vmem>>, vector<1x1x16xf32>,
        %get3A_245 = vector.shape_cast %get3A_244 : vector<1x1x16xf32> to vector<16xf32>
        %max3A_246 = arith.maximumf %get3A_227, %get3A_233 : vector<16xf32>
        %max3A_247 = arith.maximumf %get3A_239, %get3A_245 : vector<16xf32>
        %max3A_248 = arith.maximumf %max3A_246, %max3A_247 : vector<16xf32>
        %broadcast_in_dim3A_249 = arith.constant 0.000000e+00 : f32
        %broadcast_in_dim3A_250 = vector.broadcast %broadcast_in_dim3A_249 : f32 to vector<16xf32>
        %eq3A_251 = arith.cmpf oeq, %get3A_227, %max3A_248 : vector<16xf32>
        %select_n3A_252 = arith.select %eq3A_251, %get3A_227, %broadcast_in_dim3A_250 : vector<16xi1>, vector<16xf32>
        %swap3A_253 = arith.constant 0 : i32
        %swap3A_254 = arith.index_cast %swap3A_253 : i32 to index
        %swap3A_255 = arith.index_cast %scan3A_161 : i32 to index
        %swap3A_256 = arith.constant 16 : index
        %swap3A_257 = tpu.vector_load %arg7[%swap3A_254, %swap3A_255, %swap3A_256] {strides = array<i32>} : memref<4x32x224xf32, #tpu.memory_space<vmem>>, vector<1x1x16xf32>,
        %swap3A_258 = vector.shape_cast %swap3A_257 : vector<1x1x16xf32> to vector<16xf32>
        %swap3A_259 = vector.shape_cast %select_n3A_252 : vector<16xf32> to vector<1x1x16xf32>
        tpu.vector_store %arg7[%swap3A_254, %swap3A_255, %swap3A_256], %swap3A_259 {strides = array<i32>} : memref<4x32x224xf32, #tpu.memory_space<vmem>>, vector<1x1x16xf32>,
        %eq3A_260 = arith.cmpf oeq, %get3A_233, %max3A_248 : vector<16xf32>
        %select_n3A_261 = arith.select %eq3A_260, %get3A_233, %broadcast_in_dim3A_250 : vector<16xi1>, vector<16xf32>
        %swap3A_262 = arith.constant 1 : i32
        %swap3A_263 = arith.index_cast %swap3A_262 : i32 to index
        %swap3A_264 = arith.index_cast %scan3A_161 : i32 to index
        %swap3A_265 = arith.constant 16 : index
        %swap3A_266 = tpu.vector_load %arg7[%swap3A_263, %swap3A_264, %swap3A_265] {strides = array<i32>} : memref<4x32x224xf32, #tpu.memory_space<vmem>>, vector<1x1x16xf32>,
        %swap3A_267 = vector.shape_cast %swap3A_266 : vector<1x1x16xf32> to vector<16xf32>
        %swap3A_268 = vector.shape_cast %select_n3A_261 : vector<16xf32> to vector<1x1x16xf32>
        tpu.vector_store %arg7[%swap3A_263, %swap3A_264, %swap3A_265], %swap3A_268 {strides = array<i32>} : memref<4x32x224xf32, #tpu.memory_space<vmem>>, vector<1x1x16xf32>,
        %eq3A_269 = arith.cmpf oeq, %get3A_239, %max3A_248 : vector<16xf32>
        %select_n3A_270 = arith.select %eq3A_269, %get3A_239, %broadcast_in_dim3A_250 : vector<16xi1>, vector<16xf32>
        %swap3A_271 = arith.constant 2 : i32
        %swap3A_272 = arith.index_cast %swap3A_271 : i32 to index
        %swap3A_273 = arith.index_cast %scan3A_161 : i32 to index
        %swap3A_274 = arith.constant 16 : index
        %swap3A_275 = tpu.vector_load %arg7[%swap3A_272, %swap3A_273, %swap3A_274] {strides = array<i32>} : memref<4x32x224xf32, #tpu.memory_space<vmem>>, vector<1x1x16xf32>,
        %swap3A_276 = vector.shape_cast %swap3A_275 : vector<1x1x16xf32> to vector<16xf32>
        %swap3A_277 = vector.shape_cast %select_n3A_270 : vector<16xf32> to vector<1x1x16xf32>
        tpu.vector_store %arg7[%swap3A_272, %swap3A_273, %swap3A_274], %swap3A_277 {strides = array<i32>} : memref<4x32x224xf32, #tpu.memory_space<vmem>>, vector<1x1x16xf32>,
        %eq3A_278 = arith.cmpf oeq, %get3A_245, %max3A_248 : vector<16xf32>
        %select_n3A_279 = arith.select %eq3A_278, %get3A_245, %broadcast_in_dim3A_250 : vector<16xi1>, vector<16xf32>
        %swap3A_280 = arith.constant 3 : i32
        %swap3A_281 = arith.index_cast %swap3A_280 : i32 to index
        %swap3A_282 = arith.index_cast %scan3A_161 : i32 to index
        %swap3A_283 = arith.constant 16 : index
        %swap3A_284 = tpu.vector_load %arg7[%swap3A_281, %swap3A_282, %swap3A_283] {strides = array<i32>} : memref<4x32x224xf32, #tpu.memory_space<vmem>>, vector<1x1x16xf32>,
        %swap3A_285 = vector.shape_cast %swap3A_284 : vector<1x1x16xf32> to vector<16xf32>
        %swap3A_286 = vector.shape_cast %select_n3A_279 : vector<16xf32> to vector<1x1x16xf32>
        tpu.vector_store %arg7[%swap3A_281, %swap3A_282, %swap3A_283], %swap3A_286 {strides = array<i32>} : memref<4x32x224xf32, #tpu.memory_space<vmem>>, vector<1x1x16xf32>,
        %get3A_287 = arith.constant 0 : i32
        %get3A_288 = arith.index_cast %get3A_287 : i32 to index
        %get3A_289 = arith.index_cast %scan3A_161 : i32 to index
        %get3A_290 = arith.constant 32 : index
        %get3A_291 = tpu.vector_load %arg5[%get3A_288, %get3A_289, %get3A_290] {strides = array<i32>} : memref<4x32x224xf32, #tpu.memory_space<vmem>>, vector<1x1x16xf32>,
        %get3A_292 = vector.shape_cast %get3A_291 : vector<1x1x16xf32> to vector<16xf32>
        %get3A_293 = arith.constant 1 : i32
        %get3A_294 = arith.index_cast %get3A_293 : i32 to index
        %get3A_295 = arith.index_cast %scan3A_161 : i32 to index
        %get3A_296 = arith.constant 32 : index
        %get3A_297 = tpu.vector_load %arg5[%get3A_294, %get3A_295, %get3A_296] {strides = array<i32>} : memref<4x32x224xf32, #tpu.memory_space<vmem>>, vector<1x1x16xf32>,
        %get3A_298 = vector.shape_cast %get3A_297 : vector<1x1x16xf32> to vector<16xf32>
        %get3A_299 = arith.constant 2 : i32
        %get3A_300 = arith.index_cast %get3A_299 : i32 to index
        %get3A_301 = arith.index_cast %scan3A_161 : i32 to index
        %get3A_302 = arith.constant 32 : index
        %get3A_303 = tpu.vector_load %arg5[%get3A_300, %get3A_301, %get3A_302] {strides = array<i32>} : memref<4x32x224xf32, #tpu.memory_space<vmem>>, vector<1x1x16xf32>,
        %get3A_304 = vector.shape_cast %get3A_303 : vector<1x1x16xf32> to vector<16xf32>
        %get3A_305 = arith.constant 3 : i32
        %get3A_306 = arith.index_cast %get3A_305 : i32 to index
        %get3A_307 = arith.index_cast %scan3A_161 : i32 to index
        %get3A_308 = arith.constant 32 : index
        %get3A_309 = tpu.vector_load %arg5[%get3A_306, %get3A_307, %get3A_308] {strides = array<i32>} : memref<4x32x224xf32, #tpu.memory_space<vmem>>, vector<1x1x16xf32>,
        %get3A_310 = vector.shape_cast %get3A_309 : vector<1x1x16xf32> to vector<16xf32>
        %max3A_311 = arith.maximumf %get3A_292, %get3A_298 : vector<16xf32>
        %max3A_312 = arith.maximumf %get3A_304, %get3A_310 : vector<16xf32>
        %max3A_313 = arith.maximumf %max3A_311, %max3A_312 : vector<16xf32>
        %broadcast_in_dim3A_314 = arith.constant 0.000000e+00 : f32
        %broadcast_in_dim3A_315 = vector.broadcast %broadcast_in_dim3A_314 : f32 to vector<16xf32>
        %eq3A_316 = arith.cmpf oeq, %get3A_292, %max3A_313 : vector<16xf32>
        %select_n3A_317 = arith.select %eq3A_316, %get3A_292, %broadcast_in_dim3A_315 : vector<16xi1>, vector<16xf32>
        %swap3A_318 = arith.constant 0 : i32
        %swap3A_319 = arith.index_cast %swap3A_318 : i32 to index
        %swap3A_320 = arith.index_cast %scan3A_161 : i32 to index
        %swap3A_321 = arith.constant 32 : index
        %swap3A_322 = tpu.vector_load %arg7[%swap3A_319, %swap3A_320, %swap3A_321] {strides = array<i32>} : memref<4x32x224xf32, #tpu.memory_space<vmem>>, vector<1x1x16xf32>,
        %swap3A_323 = vector.shape_cast %swap3A_322 : vector<1x1x16xf32> to vector<16xf32>
        %swap3A_324 = vector.shape_cast %select_n3A_317 : vector<16xf32> to vector<1x1x16xf32>
        tpu.vector_store %arg7[%swap3A_319, %swap3A_320, %swap3A_321], %swap3A_324 {strides = array<i32>} : memref<4x32x224xf32, #tpu.memory_space<vmem>>, vector<1x1x16xf32>,
        %eq3A_325 = arith.cmpf oeq, %get3A_298, %max3A_313 : vector<16xf32>
        %select_n3A_326 = arith.select %eq3A_325, %get3A_298, %broadcast_in_dim3A_315 : vector<16xi1>, vector<16xf32>
        %swap3A_327 = arith.constant 1 : i32
        %swap3A_328 = arith.index_cast %swap3A_327 : i32 to index
        %swap3A_329 = arith.index_cast %scan3A_161 : i32 to index
        %swap3A_330 = arith.constant 32 : index
        %swap3A_331 = tpu.vector_load %arg7[%swap3A_328, %swap3A_329, %swap3A_330] {strides = array<i32>} : memref<4x32x224xf32, #tpu.memory_space<vmem>>, vector<1x1x16xf32>,
        %swap3A_332 = vector.shape_cast %swap3A_331 : vector<1x1x16xf32> to vector<16xf32>
        %swap3A_333 = vector.shape_cast %select_n3A_326 : vector<16xf32> to vector<1x1x16xf32>
        tpu.vector_store %arg7[%swap3A_328, %swap3A_329, %swap3A_330], %swap3A_333 {strides = array<i32>} : memref<4x32x224xf32, #tpu.memory_space<vmem>>, vector<1x1x16xf32>,
        %eq3A_334 = arith.cmpf oeq, %get3A_304, %max3A_313 : vector<16xf32>
        %select_n3A_335 = arith.select %eq3A_334, %get3A_304, %broadcast_in_dim3A_315 : vector<16xi1>, vector<16xf32>
        %swap3A_336 = arith.constant 2 : i32
        %swap3A_337 = arith.index_cast %swap3A_336 : i32 to index
        %swap3A_338 = arith.index_cast %scan3A_161 : i32 to index
        %swap3A_339 = arith.constant 32 : index
        %swap3A_340 = tpu.vector_load %arg7[%swap3A_337, %swap3A_338, %swap3A_339] {strides = array<i32>} : memref<4x32x224xf32, #tpu.memory_space<vmem>>, vector<1x1x16xf32>,
        %swap3A_341 = vector.shape_cast %swap3A_340 : vector<1x1x16xf32> to vector<16xf32>
        %swap3A_342 = vector.shape_cast %select_n3A_335 : vector<16xf32> to vector<1x1x16xf32>
        tpu.vector_store %arg7[%swap3A_337, %swap3A_338, %swap3A_339], %swap3A_342 {strides = array<i32>} : memref<4x32x224xf32, #tpu.memory_space<vmem>>, vector<1x1x16xf32>,
        %eq3A_343 = arith.cmpf oeq, %get3A_310, %max3A_313 : vector<16xf32>
        %select_n3A_344 = arith.select %eq3A_343, %get3A_310, %broadcast_in_dim3A_315 : vector<16xi1>, vector<16xf32>
        %swap3A_345 = arith.constant 3 : i32
        %swap3A_346 = arith.index_cast %swap3A_345 : i32 to index
        %swap3A_347 = arith.index_cast %scan3A_161 : i32 to index
        %swap3A_348 = arith.constant 32 : index
        %swap3A_349 = tpu.vector_load %arg7[%swap3A_346, %swap3A_347, %swap3A_348] {strides = array<i32>} : memref<4x32x224xf32, #tpu.memory_space<vmem>>, vector<1x1x16xf32>,
        %swap3A_350 = vector.shape_cast %swap3A_349 : vector<1x1x16xf32> to vector<16xf32>
        %swap3A_351 = vector.shape_cast %select_n3A_344 : vector<16xf32> to vector<1x1x16xf32>
        tpu.vector_store %arg7[%swap3A_346, %swap3A_347, %swap3A_348], %swap3A_351 {strides = array<i32>} : memref<4x32x224xf32, #tpu.memory_space<vmem>>, vector<1x1x16xf32>,
        %get3A_352 = arith.constant 0 : i32
        %get3A_353 = arith.index_cast %get3A_352 : i32 to index
        %get3A_354 = arith.index_cast %scan3A_161 : i32 to index
        %get3A_355 = arith.constant 48 : index
        %get3A_356 = tpu.vector_load %arg5[%get3A_353, %get3A_354, %get3A_355] {strides = array<i32>} : memref<4x32x224xf32, #tpu.memory_space<vmem>>, vector<1x1x16xf32>,
        %get3A_357 = vector.shape_cast %get3A_356 : vector<1x1x16xf32> to vector<16xf32>
        %get3A_358 = arith.constant 1 : i32
        %get3A_359 = arith.index_cast %get3A_358 : i32 to index
        %get3A_360 = arith.index_cast %scan3A_161 : i32 to index
        %get3A_361 = arith.constant 48 : index
        %get3A_362 = tpu.vector_load %arg5[%get3A_359, %get3A_360, %get3A_361] {strides = array<i32>} : memref<4x32x224xf32, #tpu.memory_space<vmem>>, vector<1x1x16xf32>,
        %get3A_363 = vector.shape_cast %get3A_362 : vector<1x1x16xf32> to vector<16xf32>
        %get3A_364 = arith.constant 2 : i32
        %get3A_365 = arith.index_cast %get3A_364 : i32 to index
        %get3A_366 = arith.index_cast %scan3A_161 : i32 to index
        %get3A_367 = arith.constant 48 : index
        %get3A_368 = tpu.vector_load %arg5[%get3A_365, %get3A_366, %get3A_367] {strides = array<i32>} : memref<4x32x224xf32, #tpu.memory_space<vmem>>, vector<1x1x16xf32>,
        %get3A_369 = vector.shape_cast %get3A_368 : vector<1x1x16xf32> to vector<16xf32>
        %get3A_370 = arith.constant 3 : i32
        %get3A_371 = arith.index_cast %get3A_370 : i32 to index
        %get3A_372 = arith.index_cast %scan3A_161 : i32 to index
        %get3A_373 = arith.constant 48 : index
        %get3A_374 = tpu.vector_load %arg5[%get3A_371, %get3A_372, %get3A_373] {strides = array<i32>} : memref<4x32x224xf32, #tpu.memory_space<vmem>>, vector<1x1x16xf32>,
        %get3A_375 = vector.shape_cast %get3A_374 : vector<1x1x16xf32> to vector<16xf32>
        %max3A_376 = arith.maximumf %get3A_357, %get3A_363 : vector<16xf32>
        %max3A_377 = arith.maximumf %get3A_369, %get3A_375 : vector<16xf32>
        %max3A_378 = arith.maximumf %max3A_376, %max3A_377 : vector<16xf32>
        %broadcast_in_dim3A_379 = arith.constant 0.000000e+00 : f32
        %broadcast_in_dim3A_380 = vector.broadcast %broadcast_in_dim3A_379 : f32 to vector<16xf32>
        %eq3A_381 = arith.cmpf oeq, %get3A_357, %max3A_378 : vector<16xf32>
        %select_n3A_382 = arith.select %eq3A_381, %get3A_357, %broadcast_in_dim3A_380 : vector<16xi1>, vector<16xf32>
        %swap3A_383 = arith.constant 0 : i32
        %swap3A_384 = arith.index_cast %swap3A_383 : i32 to index
        %swap3A_385 = arith.index_cast %scan3A_161 : i32 to index
        %swap3A_386 = arith.constant 48 : index
        %swap3A_387 = tpu.vector_load %arg7[%swap3A_384, %swap3A_385, %swap3A_386] {strides = array<i32>} : memref<4x32x224xf32, #tpu.memory_space<vmem>>, vector<1x1x16xf32>,
        %swap3A_388 = vector.shape_cast %swap3A_387 : vector<1x1x16xf32> to vector<16xf32>
        %swap3A_389 = vector.shape_cast %select_n3A_382 : vector<16xf32> to vector<1x1x16xf32>
        tpu.vector_store %arg7[%swap3A_384, %swap3A_385, %swap3A_386], %swap3A_389 {strides = array<i32>} : memref<4x32x224xf32, #tpu.memory_space<vmem>>, vector<1x1x16xf32>,
        %eq3A_390 = arith.cmpf oeq, %get3A_363, %max3A_378 : vector<16xf32>
        %select_n3A_391 = arith.select %eq3A_390, %get3A_363, %broadcast_in_dim3A_380 : vector<16xi1>, vector<16xf32>
        %swap3A_392 = arith.constant 1 : i32
        %swap3A_393 = arith.index_cast %swap3A_392 : i32 to index
        %swap3A_394 = arith.index_cast %scan3A_161 : i32 to index
        %swap3A_395 = arith.constant 48 : index
        %swap3A_396 = tpu.vector_load %arg7[%swap3A_393, %swap3A_394, %swap3A_395] {strides = array<i32>} : memref<4x32x224xf32, #tpu.memory_space<vmem>>, vector<1x1x16xf32>,
        %swap3A_397 = vector.shape_cast %swap3A_396 : vector<1x1x16xf32> to vector<16xf32>
        %swap3A_398 = vector.shape_cast %select_n3A_391 : vector<16xf32> to vector<1x1x16xf32>
        tpu.vector_store %arg7[%swap3A_393, %swap3A_394, %swap3A_395], %swap3A_398 {strides = array<i32>} : memref<4x32x224xf32, #tpu.memory_space<vmem>>, vector<1x1x16xf32>,
        %eq3A_399 = arith.cmpf oeq, %get3A_369, %max3A_378 : vector<16xf32>
        %select_n3A_400 = arith.select %eq3A_399, %get3A_369, %broadcast_in_dim3A_380 : vector<16xi1>, vector<16xf32>
        %swap3A_401 = arith.constant 2 : i32
        %swap3A_402 = arith.index_cast %swap3A_401 : i32 to index
        %swap3A_403 = arith.index_cast %scan3A_161 : i32 to index
        %swap3A_404 = arith.constant 48 : index
        %swap3A_405 = tpu.vector_load %arg7[%swap3A_402, %swap3A_403, %swap3A_404] {strides = array<i32>} : memref<4x32x224xf32, #tpu.memory_space<vmem>>, vector<1x1x16xf32>,
        %swap3A_406 = vector.shape_cast %swap3A_405 : vector<1x1x16xf32> to vector<16xf32>
        %swap3A_407 = vector.shape_cast %select_n3A_400 : vector<16xf32> to vector<1x1x16xf32>
        tpu.vector_store %arg7[%swap3A_402, %swap3A_403, %swap3A_404], %swap3A_407 {strides = array<i32>} : memref<4x32x224xf32, #tpu.memory_space<vmem>>, vector<1x1x16xf32>,
        %eq3A_408 = arith.cmpf oeq, %get3A_375, %max3A_378 : vector<16xf32>
        %select_n3A_409 = arith.select %eq3A_408, %get3A_375, %broadcast_in_dim3A_380 : vector<16xi1>, vector<16xf32>
        %swap3A_410 = arith.constant 3 : i32
        %swap3A_411 = arith.index_cast %swap3A_410 : i32 to index
        %swap3A_412 = arith.index_cast %scan3A_161 : i32 to index
        %swap3A_413 = arith.constant 48 : index
        %swap3A_414 = tpu.vector_load %arg7[%swap3A_411, %swap3A_412, %swap3A_413] {strides = array<i32>} : memref<4x32x224xf32, #tpu.memory_space<vmem>>, vector<1x1x16xf32>,
        %swap3A_415 = vector.shape_cast %swap3A_414 : vector<1x1x16xf32> to vector<16xf32>
        %swap3A_416 = vector.shape_cast %select_n3A_409 : vector<16xf32> to vector<1x1x16xf32>
        tpu.vector_store %arg7[%swap3A_411, %swap3A_412, %swap3A_413], %swap3A_416 {strides = array<i32>} : memref<4x32x224xf32, #tpu.memory_space<vmem>>, vector<1x1x16xf32>,
        %get3A_417 = arith.constant 0 : i32
        %get3A_418 = arith.index_cast %get3A_417 : i32 to index
        %get3A_419 = arith.index_cast %scan3A_161 : i32 to index
        %get3A_420 = arith.constant 64 : index
        %get3A_421 = tpu.vector_load %arg5[%get3A_418, %get3A_419, %get3A_420] {strides = array<i32>} : memref<4x32x224xf32, #tpu.memory_space<vmem>>, vector<1x1x16xf32>,
        %get3A_422 = vector.shape_cast %get3A_421 : vector<1x1x16xf32> to vector<16xf32>
        %get3A_423 = arith.constant 1 : i32
        %get3A_424 = arith.index_cast %get3A_423 : i32 to index
        %get3A_425 = arith.index_cast %scan3A_161 : i32 to index
        %get3A_426 = arith.constant 64 : index
        %get3A_427 = tpu.vector_load %arg5[%get3A_424, %get3A_425, %get3A_426] {strides = array<i32>} : memref<4x32x224xf32, #tpu.memory_space<vmem>>, vector<1x1x16xf32>,
        %get3A_428 = vector.shape_cast %get3A_427 : vector<1x1x16xf32> to vector<16xf32>
        %get3A_429 = arith.constant 2 : i32
        %get3A_430 = arith.index_cast %get3A_429 : i32 to index
        %get3A_431 = arith.index_cast %scan3A_161 : i32 to index
        %get3A_432 = arith.constant 64 : index
        %get3A_433 = tpu.vector_load %arg5[%get3A_430, %get3A_431, %get3A_432] {strides = array<i32>} : memref<4x32x224xf32, #tpu.memory_space<vmem>>, vector<1x1x16xf32>,
        %get3A_434 = vector.shape_cast %get3A_433 : vector<1x1x16xf32> to vector<16xf32>
        %get3A_435 = arith.constant 3 : i32
        %get3A_436 = arith.index_cast %get3A_435 : i32 to index
        %get3A_437 = arith.index_cast %scan3A_161 : i32 to index
        %get3A_438 = arith.constant 64 : index
        %get3A_439 = tpu.vector_load %arg5[%get3A_436, %get3A_437, %get3A_438] {strides = array<i32>} : memref<4x32x224xf32, #tpu.memory_space<vmem>>, vector<1x1x16xf32>,
        %get3A_440 = vector.shape_cast %get3A_439 : vector<1x1x16xf32> to vector<16xf32>
        %max3A_441 = arith.maximumf %get3A_422, %get3A_428 : vector<16xf32>
        %max3A_442 = arith.maximumf %get3A_434, %get3A_440 : vector<16xf32>
        %max3A_443 = arith.maximumf %max3A_441, %max3A_442 : vector<16xf32>
        %broadcast_in_dim3A_444 = arith.constant 0.000000e+00 : f32
        %broadcast_in_dim3A_445 = vector.broadcast %broadcast_in_dim3A_444 : f32 to vector<16xf32>
        %eq3A_446 = arith.cmpf oeq, %get3A_422, %max3A_443 : vector<16xf32>
        %select_n3A_447 = arith.select %eq3A_446, %get3A_422, %broadcast_in_dim3A_445 : vector<16xi1>, vector<16xf32>
        %swap3A_448 = arith.constant 0 : i32
        %swap3A_449 = arith.index_cast %swap3A_448 : i32 to index
        %swap3A_450 = arith.index_cast %scan3A_161 : i32 to index
        %swap3A_451 = arith.constant 64 : index
        %swap3A_452 = tpu.vector_load %arg7[%swap3A_449, %swap3A_450, %swap3A_451] {strides = array<i32>} : memref<4x32x224xf32, #tpu.memory_space<vmem>>, vector<1x1x16xf32>,
        %swap3A_453 = vector.shape_cast %swap3A_452 : vector<1x1x16xf32> to vector<16xf32>
        %swap3A_454 = vector.shape_cast %select_n3A_447 : vector<16xf32> to vector<1x1x16xf32>
        tpu.vector_store %arg7[%swap3A_449, %swap3A_450, %swap3A_451], %swap3A_454 {strides = array<i32>} : memref<4x32x224xf32, #tpu.memory_space<vmem>>, vector<1x1x16xf32>,
        %eq3A_455 = arith.cmpf oeq, %get3A_428, %max3A_443 : vector<16xf32>
        %select_n3A_456 = arith.select %eq3A_455, %get3A_428, %broadcast_in_dim3A_445 : vector<16xi1>, vector<16xf32>
        %swap3A_457 = arith.constant 1 : i32
        %swap3A_458 = arith.index_cast %swap3A_457 : i32 to index
        %swap3A_459 = arith.index_cast %scan3A_161 : i32 to index
        %swap3A_460 = arith.constant 64 : index
        %swap3A_461 = tpu.vector_load %arg7[%swap3A_458, %swap3A_459, %swap3A_460] {strides = array<i32>} : memref<4x32x224xf32, #tpu.memory_space<vmem>>, vector<1x1x16xf32>,
        %swap3A_462 = vector.shape_cast %swap3A_461 : vector<1x1x16xf32> to vector<16xf32>
        %swap3A_463 = vector.shape_cast %select_n3A_456 : vector<16xf32> to vector<1x1x16xf32>
        tpu.vector_store %arg7[%swap3A_458, %swap3A_459, %swap3A_460], %swap3A_463 {strides = array<i32>} : memref<4x32x224xf32, #tpu.memory_space<vmem>>, vector<1x1x16xf32>,
        %eq3A_464 = arith.cmpf oeq, %get3A_434, %max3A_443 : vector<16xf32>
        %select_n3A_465 = arith.select %eq3A_464, %get3A_434, %broadcast_in_dim3A_445 : vector<16xi1>, vector<16xf32>
        %swap3A_466 = arith.constant 2 : i32
        %swap3A_467 = arith.index_cast %swap3A_466 : i32 to index
        %swap3A_468 = arith.index_cast %scan3A_161 : i32 to index
        %swap3A_469 = arith.constant 64 : index
        %swap3A_470 = tpu.vector_load %arg7[%swap3A_467, %swap3A_468, %swap3A_469] {strides = array<i32>} : memref<4x32x224xf32, #tpu.memory_space<vmem>>, vector<1x1x16xf32>,
        %swap3A_471 = vector.shape_cast %swap3A_470 : vector<1x1x16xf32> to vector<16xf32>
        %swap3A_472 = vector.shape_cast %select_n3A_465 : vector<16xf32> to vector<1x1x16xf32>
        tpu.vector_store %arg7[%swap3A_467, %swap3A_468, %swap3A_469], %swap3A_472 {strides = array<i32>} : memref<4x32x224xf32, #tpu.memory_space<vmem>>, vector<1x1x16xf32>,
        %eq3A_473 = arith.cmpf oeq, %get3A_440, %max3A_443 : vector<16xf32>
        %select_n3A_474 = arith.select %eq3A_473, %get3A_440, %broadcast_in_dim3A_445 : vector<16xi1>, vector<16xf32>
        %swap3A_475 = arith.constant 3 : i32
        %swap3A_476 = arith.index_cast %swap3A_475 : i32 to index
        %swap3A_477 = arith.index_cast %scan3A_161 : i32 to index
        %swap3A_478 = arith.constant 64 : index
        %swap3A_479 = tpu.vector_load %arg7[%swap3A_476, %swap3A_477, %swap3A_478] {strides = array<i32>} : memref<4x32x224xf32, #tpu.memory_space<vmem>>, vector<1x1x16xf32>,
        %swap3A_480 = vector.shape_cast %swap3A_479 : vector<1x1x16xf32> to vector<16xf32>
        %swap3A_481 = vector.shape_cast %select_n3A_474 : vector<16xf32> to vector<1x1x16xf32>
        tpu.vector_store %arg7[%swap3A_476, %swap3A_477, %swap3A_478], %swap3A_481 {strides = array<i32>} : memref<4x32x224xf32, #tpu.memory_space<vmem>>, vector<1x1x16xf32>,
        %get3A_482 = arith.constant 0 : i32
        %get3A_483 = arith.index_cast %get3A_482 : i32 to index
        %get3A_484 = arith.index_cast %scan3A_161 : i32 to index
        %get3A_485 = arith.constant 80 : index
        %get3A_486 = tpu.vector_load %arg5[%get3A_483, %get3A_484, %get3A_485] {strides = array<i32>} : memref<4x32x224xf32, #tpu.memory_space<vmem>>, vector<1x1x16xf32>,
        %get3A_487 = vector.shape_cast %get3A_486 : vector<1x1x16xf32> to vector<16xf32>
        %get3A_488 = arith.constant 1 : i32
        %get3A_489 = arith.index_cast %get3A_488 : i32 to index
        %get3A_490 = arith.index_cast %scan3A_161 : i32 to index
        %get3A_491 = arith.constant 80 : index
        %get3A_492 = tpu.vector_load %arg5[%get3A_489, %get3A_490, %get3A_491] {strides = array<i32>} : memref<4x32x224xf32, #tpu.memory_space<vmem>>, vector<1x1x16xf32>,
        %get3A_493 = vector.shape_cast %get3A_492 : vector<1x1x16xf32> to vector<16xf32>
        %get3A_494 = arith.constant 2 : i32
        %get3A_495 = arith.index_cast %get3A_494 : i32 to index
        %get3A_496 = arith.index_cast %scan3A_161 : i32 to index
        %get3A_497 = arith.constant 80 : index
        %get3A_498 = tpu.vector_load %arg5[%get3A_495, %get3A_496, %get3A_497] {strides = array<i32>} : memref<4x32x224xf32, #tpu.memory_space<vmem>>, vector<1x1x16xf32>,
        %get3A_499 = vector.shape_cast %get3A_498 : vector<1x1x16xf32> to vector<16xf32>
        %get3A_500 = arith.constant 3 : i32
        %get3A_501 = arith.index_cast %get3A_500 : i32 to index
        %get3A_502 = arith.index_cast %scan3A_161 : i32 to index
        %get3A_503 = arith.constant 80 : index
        %get3A_504 = tpu.vector_load %arg5[%get3A_501, %get3A_502, %get3A_503] {strides = array<i32>} : memref<4x32x224xf32, #tpu.memory_space<vmem>>, vector<1x1x16xf32>,
        %get3A_505 = vector.shape_cast %get3A_504 : vector<1x1x16xf32> to vector<16xf32>
        %max3A_506 = arith.maximumf %get3A_487, %get3A_493 : vector<16xf32>
        %max3A_507 = arith.maximumf %get3A_499, %get3A_505 : vector<16xf32>
        %max3A_508 = arith.maximumf %max3A_506, %max3A_507 : vector<16xf32>
        %broadcast_in_dim3A_509 = arith.constant 0.000000e+00 : f32
        %broadcast_in_dim3A_510 = vector.broadcast %broadcast_in_dim3A_509 : f32 to vector<16xf32>
        %eq3A_511 = arith.cmpf oeq, %get3A_487, %max3A_508 : vector<16xf32>
        %select_n3A_512 = arith.select %eq3A_511, %get3A_487, %broadcast_in_dim3A_510 : vector<16xi1>, vector<16xf32>
        %swap3A_513 = arith.constant 0 : i32
        %swap3A_514 = arith.index_cast %swap3A_513 : i32 to index
        %swap3A_515 = arith.index_cast %scan3A_161 : i32 to index
        %swap3A_516 = arith.constant 80 : index
        %swap3A_517 = tpu.vector_load %arg7[%swap3A_514, %swap3A_515, %swap3A_516] {strides = array<i32>} : memref<4x32x224xf32, #tpu.memory_space<vmem>>, vector<1x1x16xf32>,
        %swap3A_518 = vector.shape_cast %swap3A_517 : vector<1x1x16xf32> to vector<16xf32>
        %swap3A_519 = vector.shape_cast %select_n3A_512 : vector<16xf32> to vector<1x1x16xf32>
        tpu.vector_store %arg7[%swap3A_514, %swap3A_515, %swap3A_516], %swap3A_519 {strides = array<i32>} : memref<4x32x224xf32, #tpu.memory_space<vmem>>, vector<1x1x16xf32>,
        %eq3A_520 = arith.cmpf oeq, %get3A_493, %max3A_508 : vector<16xf32>
        %select_n3A_521 = arith.select %eq3A_520, %get3A_493, %broadcast_in_dim3A_510 : vector<16xi1>, vector<16xf32>
        %swap3A_522 = arith.constant 1 : i32
        %swap3A_523 = arith.index_cast %swap3A_522 : i32 to index
        %swap3A_524 = arith.index_cast %scan3A_161 : i32 to index
        %swap3A_525 = arith.constant 80 : index
        %swap3A_526 = tpu.vector_load %arg7[%swap3A_523, %swap3A_524, %swap3A_525] {strides = array<i32>} : memref<4x32x224xf32, #tpu.memory_space<vmem>>, vector<1x1x16xf32>,
        %swap3A_527 = vector.shape_cast %swap3A_526 : vector<1x1x16xf32> to vector<16xf32>
        %swap3A_528 = vector.shape_cast %select_n3A_521 : vector<16xf32> to vector<1x1x16xf32>
        tpu.vector_store %arg7[%swap3A_523, %swap3A_524, %swap3A_525], %swap3A_528 {strides = array<i32>} : memref<4x32x224xf32, #tpu.memory_space<vmem>>, vector<1x1x16xf32>,
        %eq3A_529 = arith.cmpf oeq, %get3A_499, %max3A_508 : vector<16xf32>
        %select_n3A_530 = arith.select %eq3A_529, %get3A_499, %broadcast_in_dim3A_510 : vector<16xi1>, vector<16xf32>
        %swap3A_531 = arith.constant 2 : i32
        %swap3A_532 = arith.index_cast %swap3A_531 : i32 to index
        %swap3A_533 = arith.index_cast %scan3A_161 : i32 to index
        %swap3A_534 = arith.constant 80 : index
        %swap3A_535 = tpu.vector_load %arg7[%swap3A_532, %swap3A_533, %swap3A_534] {strides = array<i32>} : memref<4x32x224xf32, #tpu.memory_space<vmem>>, vector<1x1x16xf32>,
        %swap3A_536 = vector.shape_cast %swap3A_535 : vector<1x1x16xf32> to vector<16xf32>
        %swap3A_537 = vector.shape_cast %select_n3A_530 : vector<16xf32> to vector<1x1x16xf32>
        tpu.vector_store %arg7[%swap3A_532, %swap3A_533, %swap3A_534], %swap3A_537 {strides = array<i32>} : memref<4x32x224xf32, #tpu.memory_space<vmem>>, vector<1x1x16xf32>,
        %eq3A_538 = arith.cmpf oeq, %get3A_505, %max3A_508 : vector<16xf32>
        %select_n3A_539 = arith.select %eq3A_538, %get3A_505, %broadcast_in_dim3A_510 : vector<16xi1>, vector<16xf32>
        %swap3A_540 = arith.constant 3 : i32
        %swap3A_541 = arith.index_cast %swap3A_540 : i32 to index
        %swap3A_542 = arith.index_cast %scan3A_161 : i32 to index
        %swap3A_543 = arith.constant 80 : index
        %swap3A_544 = tpu.vector_load %arg7[%swap3A_541, %swap3A_542, %swap3A_543] {strides = array<i32>} : memref<4x32x224xf32, #tpu.memory_space<vmem>>, vector<1x1x16xf32>,
        %swap3A_545 = vector.shape_cast %swap3A_544 : vector<1x1x16xf32> to vector<16xf32>
        %swap3A_546 = vector.shape_cast %select_n3A_539 : vector<16xf32> to vector<1x1x16xf32>
        tpu.vector_store %arg7[%swap3A_541, %swap3A_542, %swap3A_543], %swap3A_546 {strides = array<i32>} : memref<4x32x224xf32, #tpu.memory_space<vmem>>, vector<1x1x16xf32>,
        %get3A_547 = arith.constant 0 : i32
        %get3A_548 = arith.index_cast %get3A_547 : i32 to index
        %get3A_549 = arith.index_cast %scan3A_161 : i32 to index
        %get3A_550 = arith.constant 96 : index
        %get3A_551 = tpu.vector_load %arg5[%get3A_548, %get3A_549, %get3A_550] {strides = array<i32>} : memref<4x32x224xf32, #tpu.memory_space<vmem>>, vector<1x1x16xf32>,
        %get3A_552 = vector.shape_cast %get3A_551 : vector<1x1x16xf32> to vector<16xf32>
        %get3A_553 = arith.constant 1 : i32
        %get3A_554 = arith.index_cast %get3A_553 : i32 to index
        %get3A_555 = arith.index_cast %scan3A_161 : i32 to index
        %get3A_556 = arith.constant 96 : index
        %get3A_557 = tpu.vector_load %arg5[%get3A_554, %get3A_555, %get3A_556] {strides = array<i32>} : memref<4x32x224xf32, #tpu.memory_space<vmem>>, vector<1x1x16xf32>,
        %get3A_558 = vector.shape_cast %get3A_557 : vector<1x1x16xf32> to vector<16xf32>
        %get3A_559 = arith.constant 2 : i32
        %get3A_560 = arith.index_cast %get3A_559 : i32 to index
        %get3A_561 = arith.index_cast %scan3A_161 : i32 to index
        %get3A_562 = arith.constant 96 : index
        %get3A_563 = tpu.vector_load %arg5[%get3A_560, %get3A_561, %get3A_562] {strides = array<i32>} : memref<4x32x224xf32, #tpu.memory_space<vmem>>, vector<1x1x16xf32>,
        %get3A_564 = vector.shape_cast %get3A_563 : vector<1x1x16xf32> to vector<16xf32>
        %get3A_565 = arith.constant 3 : i32
        %get3A_566 = arith.index_cast %get3A_565 : i32 to index
        %get3A_567 = arith.index_cast %scan3A_161 : i32 to index
        %get3A_568 = arith.constant 96 : index
        %get3A_569 = tpu.vector_load %arg5[%get3A_566, %get3A_567, %get3A_568] {strides = array<i32>} : memref<4x32x224xf32, #tpu.memory_space<vmem>>, vector<1x1x16xf32>,
        %get3A_570 = vector.shape_cast %get3A_569 : vector<1x1x16xf32> to vector<16xf32>
        %max3A_571 = arith.maximumf %get3A_552, %get3A_558 : vector<16xf32>
        %max3A_572 = arith.maximumf %get3A_564, %get3A_570 : vector<16xf32>
        %max3A_573 = arith.maximumf %max3A_571, %max3A_572 : vector<16xf32>
        %broadcast_in_dim3A_574 = arith.constant 0.000000e+00 : f32
        %broadcast_in_dim3A_575 = vector.broadcast %broadcast_in_dim3A_574 : f32 to vector<16xf32>
        %eq3A_576 = arith.cmpf oeq, %get3A_552, %max3A_573 : vector<16xf32>
        %select_n3A_577 = arith.select %eq3A_576, %get3A_552, %broadcast_in_dim3A_575 : vector<16xi1>, vector<16xf32>
        %swap3A_578 = arith.constant 0 : i32
        %swap3A_579 = arith.index_cast %swap3A_578 : i32 to index
        %swap3A_580 = arith.index_cast %scan3A_161 : i32 to index
        %swap3A_581 = arith.constant 96 : index
        %swap3A_582 = tpu.vector_load %arg7[%swap3A_579, %swap3A_580, %swap3A_581] {strides = array<i32>} : memref<4x32x224xf32, #tpu.memory_space<vmem>>, vector<1x1x16xf32>,
        %swap3A_583 = vector.shape_cast %swap3A_582 : vector<1x1x16xf32> to vector<16xf32>
        %swap3A_584 = vector.shape_cast %select_n3A_577 : vector<16xf32> to vector<1x1x16xf32>
        tpu.vector_store %arg7[%swap3A_579, %swap3A_580, %swap3A_581], %swap3A_584 {strides = array<i32>} : memref<4x32x224xf32, #tpu.memory_space<vmem>>, vector<1x1x16xf32>,
        %eq3A_585 = arith.cmpf oeq, %get3A_558, %max3A_573 : vector<16xf32>
        %select_n3A_586 = arith.select %eq3A_585, %get3A_558, %broadcast_in_dim3A_575 : vector<16xi1>, vector<16xf32>
        %swap3A_587 = arith.constant 1 : i32
        %swap3A_588 = arith.index_cast %swap3A_587 : i32 to index
        %swap3A_589 = arith.index_cast %scan3A_161 : i32 to index
        %swap3A_590 = arith.constant 96 : index
        %swap3A_591 = tpu.vector_load %arg7[%swap3A_588, %swap3A_589, %swap3A_590] {strides = array<i32>} : memref<4x32x224xf32, #tpu.memory_space<vmem>>, vector<1x1x16xf32>,
        %swap3A_592 = vector.shape_cast %swap3A_591 : vector<1x1x16xf32> to vector<16xf32>
        %swap3A_593 = vector.shape_cast %select_n3A_586 : vector<16xf32> to vector<1x1x16xf32>
        tpu.vector_store %arg7[%swap3A_588, %swap3A_589, %swap3A_590], %swap3A_593 {strides = array<i32>} : memref<4x32x224xf32, #tpu.memory_space<vmem>>, vector<1x1x16xf32>,
        %eq3A_594 = arith.cmpf oeq, %get3A_564, %max3A_573 : vector<16xf32>
        %select_n3A_595 = arith.select %eq3A_594, %get3A_564, %broadcast_in_dim3A_575 : vector<16xi1>, vector<16xf32>
        %swap3A_596 = arith.constant 2 : i32
        %swap3A_597 = arith.index_cast %swap3A_596 : i32 to index
        %swap3A_598 = arith.index_cast %scan3A_161 : i32 to index
        %swap3A_599 = arith.constant 96 : index
        %swap3A_600 = tpu.vector_load %arg7[%swap3A_597, %swap3A_598, %swap3A_599] {strides = array<i32>} : memref<4x32x224xf32, #tpu.memory_space<vmem>>, vector<1x1x16xf32>,
        %swap3A_601 = vector.shape_cast %swap3A_600 : vector<1x1x16xf32> to vector<16xf32>
        %swap3A_602 = vector.shape_cast %select_n3A_595 : vector<16xf32> to vector<1x1x16xf32>
        tpu.vector_store %arg7[%swap3A_597, %swap3A_598, %swap3A_599], %swap3A_602 {strides = array<i32>} : memref<4x32x224xf32, #tpu.memory_space<vmem>>, vector<1x1x16xf32>,
        %eq3A_603 = arith.cmpf oeq, %get3A_570, %max3A_573 : vector<16xf32>
        %select_n3A_604 = arith.select %eq3A_603, %get3A_570, %broadcast_in_dim3A_575 : vector<16xi1>, vector<16xf32>
        %swap3A_605 = arith.constant 3 : i32
        %swap3A_606 = arith.index_cast %swap3A_605 : i32 to index
        %swap3A_607 = arith.index_cast %scan3A_161 : i32 to index
        %swap3A_608 = arith.constant 96 : index
        %swap3A_609 = tpu.vector_load %arg7[%swap3A_606, %swap3A_607, %swap3A_608] {strides = array<i32>} : memref<4x32x224xf32, #tpu.memory_space<vmem>>, vector<1x1x16xf32>,
        %swap3A_610 = vector.shape_cast %swap3A_609 : vector<1x1x16xf32> to vector<16xf32>
        %swap3A_611 = vector.shape_cast %select_n3A_604 : vector<16xf32> to vector<1x1x16xf32>
        tpu.vector_store %arg7[%swap3A_606, %swap3A_607, %swap3A_608], %swap3A_611 {strides = array<i32>} : memref<4x32x224xf32, #tpu.memory_space<vmem>>, vector<1x1x16xf32>,
        %get3A_612 = arith.constant 0 : i32
        %get3A_613 = arith.index_cast %get3A_612 : i32 to index
        %get3A_614 = arith.index_cast %scan3A_161 : i32 to index
        %get3A_615 = arith.constant 112 : index
        %get3A_616 = tpu.vector_load %arg5[%get3A_613, %get3A_614, %get3A_615] {strides = array<i32>} : memref<4x32x224xf32, #tpu.memory_space<vmem>>, vector<1x1x16xf32>,
        %get3A_617 = vector.shape_cast %get3A_616 : vector<1x1x16xf32> to vector<16xf32>
        %get3A_618 = arith.constant 1 : i32
        %get3A_619 = arith.index_cast %get3A_618 : i32 to index
        %get3A_620 = arith.index_cast %scan3A_161 : i32 to index
        %get3A_621 = arith.constant 112 : index
        %get3A_622 = tpu.vector_load %arg5[%get3A_619, %get3A_620, %get3A_621] {strides = array<i32>} : memref<4x32x224xf32, #tpu.memory_space<vmem>>, vector<1x1x16xf32>,
        %get3A_623 = vector.shape_cast %get3A_622 : vector<1x1x16xf32> to vector<16xf32>
        %get3A_624 = arith.constant 2 : i32
        %get3A_625 = arith.index_cast %get3A_624 : i32 to index
        %get3A_626 = arith.index_cast %scan3A_161 : i32 to index
        %get3A_627 = arith.constant 112 : index
        %get3A_628 = tpu.vector_load %arg5[%get3A_625, %get3A_626, %get3A_627] {strides = array<i32>} : memref<4x32x224xf32, #tpu.memory_space<vmem>>, vector<1x1x16xf32>,
        %get3A_629 = vector.shape_cast %get3A_628 : vector<1x1x16xf32> to vector<16xf32>
        %get3A_630 = arith.constant 3 : i32
        %get3A_631 = arith.index_cast %get3A_630 : i32 to index
        %get3A_632 = arith.index_cast %scan3A_161 : i32 to index
        %get3A_633 = arith.constant 112 : index
        %get3A_634 = tpu.vector_load %arg5[%get3A_631, %get3A_632, %get3A_633] {strides = array<i32>} : memref<4x32x224xf32, #tpu.memory_space<vmem>>, vector<1x1x16xf32>,
        %get3A_635 = vector.shape_cast %get3A_634 : vector<1x1x16xf32> to vector<16xf32>
        %max3A_636 = arith.maximumf %get3A_617, %get3A_623 : vector<16xf32>
        %max3A_637 = arith.maximumf %get3A_629, %get3A_635 : vector<16xf32>
        %max3A_638 = arith.maximumf %max3A_636, %max3A_637 : vector<16xf32>
        %broadcast_in_dim3A_639 = arith.constant 0.000000e+00 : f32
        %broadcast_in_dim3A_640 = vector.broadcast %broadcast_in_dim3A_639 : f32 to vector<16xf32>
        %eq3A_641 = arith.cmpf oeq, %get3A_617, %max3A_638 : vector<16xf32>
        %select_n3A_642 = arith.select %eq3A_641, %get3A_617, %broadcast_in_dim3A_640 : vector<16xi1>, vector<16xf32>
        %swap3A_643 = arith.constant 0 : i32
        %swap3A_644 = arith.index_cast %swap3A_643 : i32 to index
        %swap3A_645 = arith.index_cast %scan3A_161 : i32 to index
        %swap3A_646 = arith.constant 112 : index
        %swap3A_647 = tpu.vector_load %arg7[%swap3A_644, %swap3A_645, %swap3A_646] {strides = array<i32>} : memref<4x32x224xf32, #tpu.memory_space<vmem>>, vector<1x1x16xf32>,
        %swap3A_648 = vector.shape_cast %swap3A_647 : vector<1x1x16xf32> to vector<16xf32>
        %swap3A_649 = vector.shape_cast %select_n3A_642 : vector<16xf32> to vector<1x1x16xf32>
        tpu.vector_store %arg7[%swap3A_644, %swap3A_645, %swap3A_646], %swap3A_649 {strides = array<i32>} : memref<4x32x224xf32, #tpu.memory_space<vmem>>, vector<1x1x16xf32>,
        %eq3A_650 = arith.cmpf oeq, %get3A_623, %max3A_638 : vector<16xf32>
        %select_n3A_651 = arith.select %eq3A_650, %get3A_623, %broadcast_in_dim3A_640 : vector<16xi1>, vector<16xf32>
        %swap3A_652 = arith.constant 1 : i32
        %swap3A_653 = arith.index_cast %swap3A_652 : i32 to index
        %swap3A_654 = arith.index_cast %scan3A_161 : i32 to index
        %swap3A_655 = arith.constant 112 : index
        %swap3A_656 = tpu.vector_load %arg7[%swap3A_653, %swap3A_654, %swap3A_655] {strides = array<i32>} : memref<4x32x224xf32, #tpu.memory_space<vmem>>, vector<1x1x16xf32>,
        %swap3A_657 = vector.shape_cast %swap3A_656 : vector<1x1x16xf32> to vector<16xf32>
        %swap3A_658 = vector.shape_cast %select_n3A_651 : vector<16xf32> to vector<1x1x16xf32>
        tpu.vector_store %arg7[%swap3A_653, %swap3A_654, %swap3A_655], %swap3A_658 {strides = array<i32>} : memref<4x32x224xf32, #tpu.memory_space<vmem>>, vector<1x1x16xf32>,
        %eq3A_659 = arith.cmpf oeq, %get3A_629, %max3A_638 : vector<16xf32>
        %select_n3A_660 = arith.select %eq3A_659, %get3A_629, %broadcast_in_dim3A_640 : vector<16xi1>, vector<16xf32>
        %swap3A_661 = arith.constant 2 : i32
        %swap3A_662 = arith.index_cast %swap3A_661 : i32 to index
        %swap3A_663 = arith.index_cast %scan3A_161 : i32 to index
        %swap3A_664 = arith.constant 112 : index
        %swap3A_665 = tpu.vector_load %arg7[%swap3A_662, %swap3A_663, %swap3A_664] {strides = array<i32>} : memref<4x32x224xf32, #tpu.memory_space<vmem>>, vector<1x1x16xf32>,
        %swap3A_666 = vector.shape_cast %swap3A_665 : vector<1x1x16xf32> to vector<16xf32>
        %swap3A_667 = vector.shape_cast %select_n3A_660 : vector<16xf32> to vector<1x1x16xf32>
        tpu.vector_store %arg7[%swap3A_662, %swap3A_663, %swap3A_664], %swap3A_667 {strides = array<i32>} : memref<4x32x224xf32, #tpu.memory_space<vmem>>, vector<1x1x16xf32>,
        %eq3A_668 = arith.cmpf oeq, %get3A_635, %max3A_638 : vector<16xf32>
        %select_n3A_669 = arith.select %eq3A_668, %get3A_635, %broadcast_in_dim3A_640 : vector<16xi1>, vector<16xf32>
        %swap3A_670 = arith.constant 3 : i32
        %swap3A_671 = arith.index_cast %swap3A_670 : i32 to index
        %swap3A_672 = arith.index_cast %scan3A_161 : i32 to index
        %swap3A_673 = arith.constant 112 : index
        %swap3A_674 = tpu.vector_load %arg7[%swap3A_671, %swap3A_672, %swap3A_673] {strides = array<i32>} : memref<4x32x224xf32, #tpu.memory_space<vmem>>, vector<1x1x16xf32>,
        %swap3A_675 = vector.shape_cast %swap3A_674 : vector<1x1x16xf32> to vector<16xf32>
        %swap3A_676 = vector.shape_cast %select_n3A_669 : vector<16xf32> to vector<1x1x16xf32>
        tpu.vector_store %arg7[%swap3A_671, %swap3A_672, %swap3A_673], %swap3A_676 {strides = array<i32>} : memref<4x32x224xf32, #tpu.memory_space<vmem>>, vector<1x1x16xf32>,
        %get3A_677 = arith.constant 0 : i32
        %get3A_678 = arith.index_cast %get3A_677 : i32 to index
        %get3A_679 = arith.index_cast %scan3A_161 : i32 to index
        %get3A_680 = arith.constant 128 : index
        %get3A_681 = tpu.vector_load %arg5[%get3A_678, %get3A_679, %get3A_680] {strides = array<i32>} : memref<4x32x224xf32, #tpu.memory_space<vmem>>, vector<1x1x16xf32>,
        %get3A_682 = vector.shape_cast %get3A_681 : vector<1x1x16xf32> to vector<16xf32>
        %get3A_683 = arith.constant 1 : i32
        %get3A_684 = arith.index_cast %get3A_683 : i32 to index
        %get3A_685 = arith.index_cast %scan3A_161 : i32 to index
        %get3A_686 = arith.constant 128 : index
        %get3A_687 = tpu.vector_load %arg5[%get3A_684, %get3A_685, %get3A_686] {strides = array<i32>} : memref<4x32x224xf32, #tpu.memory_space<vmem>>, vector<1x1x16xf32>,
        %get3A_688 = vector.shape_cast %get3A_687 : vector<1x1x16xf32> to vector<16xf32>
        %get3A_689 = arith.constant 2 : i32
        %get3A_690 = arith.index_cast %get3A_689 : i32 to index
        %get3A_691 = arith.index_cast %scan3A_161 : i32 to index
        %get3A_692 = arith.constant 128 : index
        %get3A_693 = tpu.vector_load %arg5[%get3A_690, %get3A_691, %get3A_692] {strides = array<i32>} : memref<4x32x224xf32, #tpu.memory_space<vmem>>, vector<1x1x16xf32>,
        %get3A_694 = vector.shape_cast %get3A_693 : vector<1x1x16xf32> to vector<16xf32>
        %get3A_695 = arith.constant 3 : i32
        %get3A_696 = arith.index_cast %get3A_695 : i32 to index
        %get3A_697 = arith.index_cast %scan3A_161 : i32 to index
        %get3A_698 = arith.constant 128 : index
        %get3A_699 = tpu.vector_load %arg5[%get3A_696, %get3A_697, %get3A_698] {strides = array<i32>} : memref<4x32x224xf32, #tpu.memory_space<vmem>>, vector<1x1x16xf32>,
        %get3A_700 = vector.shape_cast %get3A_699 : vector<1x1x16xf32> to vector<16xf32>
        %max3A_701 = arith.maximumf %get3A_682, %get3A_688 : vector<16xf32>
        %max3A_702 = arith.maximumf %get3A_694, %get3A_700 : vector<16xf32>
        %max3A_703 = arith.maximumf %max3A_701, %max3A_702 : vector<16xf32>
        %broadcast_in_dim3A_704 = arith.constant 0.000000e+00 : f32
        %broadcast_in_dim3A_705 = vector.broadcast %broadcast_in_dim3A_704 : f32 to vector<16xf32>
        %eq3A_706 = arith.cmpf oeq, %get3A_682, %max3A_703 : vector<16xf32>
        %select_n3A_707 = arith.select %eq3A_706, %get3A_682, %broadcast_in_dim3A_705 : vector<16xi1>, vector<16xf32>
        %swap3A_708 = arith.constant 0 : i32
        %swap3A_709 = arith.index_cast %swap3A_708 : i32 to index
        %swap3A_710 = arith.index_cast %scan3A_161 : i32 to index
        %swap3A_711 = arith.constant 128 : index
        %swap3A_712 = tpu.vector_load %arg7[%swap3A_709, %swap3A_710, %swap3A_711] {strides = array<i32>} : memref<4x32x224xf32, #tpu.memory_space<vmem>>, vector<1x1x16xf32>,
        %swap3A_713 = vector.shape_cast %swap3A_712 : vector<1x1x16xf32> to vector<16xf32>
        %swap3A_714 = vector.shape_cast %select_n3A_707 : vector<16xf32> to vector<1x1x16xf32>
        tpu.vector_store %arg7[%swap3A_709, %swap3A_710, %swap3A_711], %swap3A_714 {strides = array<i32>} : memref<4x32x224xf32, #tpu.memory_space<vmem>>, vector<1x1x16xf32>,
        %eq3A_715 = arith.cmpf oeq, %get3A_688, %max3A_703 : vector<16xf32>
        %select_n3A_716 = arith.select %eq3A_715, %get3A_688, %broadcast_in_dim3A_705 : vector<16xi1>, vector<16xf32>
        %swap3A_717 = arith.constant 1 : i32
        %swap3A_718 = arith.index_cast %swap3A_717 : i32 to index
        %swap3A_719 = arith.index_cast %scan3A_161 : i32 to index
        %swap3A_720 = arith.constant 128 : index
        %swap3A_721 = tpu.vector_load %arg7[%swap3A_718, %swap3A_719, %swap3A_720] {strides = array<i32>} : memref<4x32x224xf32, #tpu.memory_space<vmem>>, vector<1x1x16xf32>,
        %swap3A_722 = vector.shape_cast %swap3A_721 : vector<1x1x16xf32> to vector<16xf32>
        %swap3A_723 = vector.shape_cast %select_n3A_716 : vector<16xf32> to vector<1x1x16xf32>
        tpu.vector_store %arg7[%swap3A_718, %swap3A_719, %swap3A_720], %swap3A_723 {strides = array<i32>} : memref<4x32x224xf32, #tpu.memory_space<vmem>>, vector<1x1x16xf32>,
        %eq3A_724 = arith.cmpf oeq, %get3A_694, %max3A_703 : vector<16xf32>
        %select_n3A_725 = arith.select %eq3A_724, %get3A_694, %broadcast_in_dim3A_705 : vector<16xi1>, vector<16xf32>
        %swap3A_726 = arith.constant 2 : i32
        %swap3A_727 = arith.index_cast %swap3A_726 : i32 to index
        %swap3A_728 = arith.index_cast %scan3A_161 : i32 to index
        %swap3A_729 = arith.constant 128 : index
        %swap3A_730 = tpu.vector_load %arg7[%swap3A_727, %swap3A_728, %swap3A_729] {strides = array<i32>} : memref<4x32x224xf32, #tpu.memory_space<vmem>>, vector<1x1x16xf32>,
        %swap3A_731 = vector.shape_cast %swap3A_730 : vector<1x1x16xf32> to vector<16xf32>
        %swap3A_732 = vector.shape_cast %select_n3A_725 : vector<16xf32> to vector<1x1x16xf32>
        tpu.vector_store %arg7[%swap3A_727, %swap3A_728, %swap3A_729], %swap3A_732 {strides = array<i32>} : memref<4x32x224xf32, #tpu.memory_space<vmem>>, vector<1x1x16xf32>,
        %eq3A_733 = arith.cmpf oeq, %get3A_700, %max3A_703 : vector<16xf32>
        %select_n3A_734 = arith.select %eq3A_733, %get3A_700, %broadcast_in_dim3A_705 : vector<16xi1>, vector<16xf32>
        %swap3A_735 = arith.constant 3 : i32
        %swap3A_736 = arith.index_cast %swap3A_735 : i32 to index
        %swap3A_737 = arith.index_cast %scan3A_161 : i32 to index
        %swap3A_738 = arith.constant 128 : index
        %swap3A_739 = tpu.vector_load %arg7[%swap3A_736, %swap3A_737, %swap3A_738] {strides = array<i32>} : memref<4x32x224xf32, #tpu.memory_space<vmem>>, vector<1x1x16xf32>,
        %swap3A_740 = vector.shape_cast %swap3A_739 : vector<1x1x16xf32> to vector<16xf32>
        %swap3A_741 = vector.shape_cast %select_n3A_734 : vector<16xf32> to vector<1x1x16xf32>
        tpu.vector_store %arg7[%swap3A_736, %swap3A_737, %swap3A_738], %swap3A_741 {strides = array<i32>} : memref<4x32x224xf32, #tpu.memory_space<vmem>>, vector<1x1x16xf32>,
        %get3A_742 = arith.constant 0 : i32
        %get3A_743 = arith.index_cast %get3A_742 : i32 to index
        %get3A_744 = arith.index_cast %scan3A_161 : i32 to index
        %get3A_745 = arith.constant 144 : index
        %get3A_746 = tpu.vector_load %arg5[%get3A_743, %get3A_744, %get3A_745] {strides = array<i32>} : memref<4x32x224xf32, #tpu.memory_space<vmem>>, vector<1x1x16xf32>,
        %get3A_747 = vector.shape_cast %get3A_746 : vector<1x1x16xf32> to vector<16xf32>
        %get3A_748 = arith.constant 1 : i32
        %get3A_749 = arith.index_cast %get3A_748 : i32 to index
        %get3A_750 = arith.index_cast %scan3A_161 : i32 to index
        %get3A_751 = arith.constant 144 : index
        %get3A_752 = tpu.vector_load %arg5[%get3A_749, %get3A_750, %get3A_751] {strides = array<i32>} : memref<4x32x224xf32, #tpu.memory_space<vmem>>, vector<1x1x16xf32>,
        %get3A_753 = vector.shape_cast %get3A_752 : vector<1x1x16xf32> to vector<16xf32>
        %get3A_754 = arith.constant 2 : i32
        %get3A_755 = arith.index_cast %get3A_754 : i32 to index
        %get3A_756 = arith.index_cast %scan3A_161 : i32 to index
        %get3A_757 = arith.constant 144 : index
        %get3A_758 = tpu.vector_load %arg5[%get3A_755, %get3A_756, %get3A_757] {strides = array<i32>} : memref<4x32x224xf32, #tpu.memory_space<vmem>>, vector<1x1x16xf32>,
        %get3A_759 = vector.shape_cast %get3A_758 : vector<1x1x16xf32> to vector<16xf32>
        %get3A_760 = arith.constant 3 : i32
        %get3A_761 = arith.index_cast %get3A_760 : i32 to index
        %get3A_762 = arith.index_cast %scan3A_161 : i32 to index
        %get3A_763 = arith.constant 144 : index
        %get3A_764 = tpu.vector_load %arg5[%get3A_761, %get3A_762, %get3A_763] {strides = array<i32>} : memref<4x32x224xf32, #tpu.memory_space<vmem>>, vector<1x1x16xf32>,
        %get3A_765 = vector.shape_cast %get3A_764 : vector<1x1x16xf32> to vector<16xf32>
        %max3A_766 = arith.maximumf %get3A_747, %get3A_753 : vector<16xf32>
        %max3A_767 = arith.maximumf %get3A_759, %get3A_765 : vector<16xf32>
        %max3A_768 = arith.maximumf %max3A_766, %max3A_767 : vector<16xf32>
        %broadcast_in_dim3A_769 = arith.constant 0.000000e+00 : f32
        %broadcast_in_dim3A_770 = vector.broadcast %broadcast_in_dim3A_769 : f32 to vector<16xf32>
        %eq3A_771 = arith.cmpf oeq, %get3A_747, %max3A_768 : vector<16xf32>
        %select_n3A_772 = arith.select %eq3A_771, %get3A_747, %broadcast_in_dim3A_770 : vector<16xi1>, vector<16xf32>
        %swap3A_773 = arith.constant 0 : i32
        %swap3A_774 = arith.index_cast %swap3A_773 : i32 to index
        %swap3A_775 = arith.index_cast %scan3A_161 : i32 to index
        %swap3A_776 = arith.constant 144 : index
        %swap3A_777 = tpu.vector_load %arg7[%swap3A_774, %swap3A_775, %swap3A_776] {strides = array<i32>} : memref<4x32x224xf32, #tpu.memory_space<vmem>>, vector<1x1x16xf32>,
        %swap3A_778 = vector.shape_cast %swap3A_777 : vector<1x1x16xf32> to vector<16xf32>
        %swap3A_779 = vector.shape_cast %select_n3A_772 : vector<16xf32> to vector<1x1x16xf32>
        tpu.vector_store %arg7[%swap3A_774, %swap3A_775, %swap3A_776], %swap3A_779 {strides = array<i32>} : memref<4x32x224xf32, #tpu.memory_space<vmem>>, vector<1x1x16xf32>,
        %eq3A_780 = arith.cmpf oeq, %get3A_753, %max3A_768 : vector<16xf32>
        %select_n3A_781 = arith.select %eq3A_780, %get3A_753, %broadcast_in_dim3A_770 : vector<16xi1>, vector<16xf32>
        %swap3A_782 = arith.constant 1 : i32
        %swap3A_783 = arith.index_cast %swap3A_782 : i32 to index
        %swap3A_784 = arith.index_cast %scan3A_161 : i32 to index
        %swap3A_785 = arith.constant 144 : index
        %swap3A_786 = tpu.vector_load %arg7[%swap3A_783, %swap3A_784, %swap3A_785] {strides = array<i32>} : memref<4x32x224xf32, #tpu.memory_space<vmem>>, vector<1x1x16xf32>,
        %swap3A_787 = vector.shape_cast %swap3A_786 : vector<1x1x16xf32> to vector<16xf32>
        %swap3A_788 = vector.shape_cast %select_n3A_781 : vector<16xf32> to vector<1x1x16xf32>
        tpu.vector_store %arg7[%swap3A_783, %swap3A_784, %swap3A_785], %swap3A_788 {strides = array<i32>} : memref<4x32x224xf32, #tpu.memory_space<vmem>>, vector<1x1x16xf32>,
        %eq3A_789 = arith.cmpf oeq, %get3A_759, %max3A_768 : vector<16xf32>
        %select_n3A_790 = arith.select %eq3A_789, %get3A_759, %broadcast_in_dim3A_770 : vector<16xi1>, vector<16xf32>
        %swap3A_791 = arith.constant 2 : i32
        %swap3A_792 = arith.index_cast %swap3A_791 : i32 to index
        %swap3A_793 = arith.index_cast %scan3A_161 : i32 to index
        %swap3A_794 = arith.constant 144 : index
        %swap3A_795 = tpu.vector_load %arg7[%swap3A_792, %swap3A_793, %swap3A_794] {strides = array<i32>} : memref<4x32x224xf32, #tpu.memory_space<vmem>>, vector<1x1x16xf32>,
        %swap3A_796 = vector.shape_cast %swap3A_795 : vector<1x1x16xf32> to vector<16xf32>
        %swap3A_797 = vector.shape_cast %select_n3A_790 : vector<16xf32> to vector<1x1x16xf32>
        tpu.vector_store %arg7[%swap3A_792, %swap3A_793, %swap3A_794], %swap3A_797 {strides = array<i32>} : memref<4x32x224xf32, #tpu.memory_space<vmem>>, vector<1x1x16xf32>,
        %eq3A_798 = arith.cmpf oeq, %get3A_765, %max3A_768 : vector<16xf32>
        %select_n3A_799 = arith.select %eq3A_798, %get3A_765, %broadcast_in_dim3A_770 : vector<16xi1>, vector<16xf32>
        %swap3A_800 = arith.constant 3 : i32
        %swap3A_801 = arith.index_cast %swap3A_800 : i32 to index
        %swap3A_802 = arith.index_cast %scan3A_161 : i32 to index
        %swap3A_803 = arith.constant 144 : index
        %swap3A_804 = tpu.vector_load %arg7[%swap3A_801, %swap3A_802, %swap3A_803] {strides = array<i32>} : memref<4x32x224xf32, #tpu.memory_space<vmem>>, vector<1x1x16xf32>,
        %swap3A_805 = vector.shape_cast %swap3A_804 : vector<1x1x16xf32> to vector<16xf32>
        %swap3A_806 = vector.shape_cast %select_n3A_799 : vector<16xf32> to vector<1x1x16xf32>
        tpu.vector_store %arg7[%swap3A_801, %swap3A_802, %swap3A_803], %swap3A_806 {strides = array<i32>} : memref<4x32x224xf32, #tpu.memory_space<vmem>>, vector<1x1x16xf32>,
        %get3A_807 = arith.constant 0 : i32
        %get3A_808 = arith.index_cast %get3A_807 : i32 to index
        %get3A_809 = arith.index_cast %scan3A_161 : i32 to index
        %get3A_810 = arith.constant 160 : index
        %get3A_811 = tpu.vector_load %arg5[%get3A_808, %get3A_809, %get3A_810] {strides = array<i32>} : memref<4x32x224xf32, #tpu.memory_space<vmem>>, vector<1x1x16xf32>,
        %get3A_812 = vector.shape_cast %get3A_811 : vector<1x1x16xf32> to vector<16xf32>
        %get3A_813 = arith.constant 1 : i32
        %get3A_814 = arith.index_cast %get3A_813 : i32 to index
        %get3A_815 = arith.index_cast %scan3A_161 : i32 to index
        %get3A_816 = arith.constant 160 : index
        %get3A_817 = tpu.vector_load %arg5[%get3A_814, %get3A_815, %get3A_816] {strides = array<i32>} : memref<4x32x224xf32, #tpu.memory_space<vmem>>, vector<1x1x16xf32>,
        %get3A_818 = vector.shape_cast %get3A_817 : vector<1x1x16xf32> to vector<16xf32>
        %get3A_819 = arith.constant 2 : i32
        %get3A_820 = arith.index_cast %get3A_819 : i32 to index
        %get3A_821 = arith.index_cast %scan3A_161 : i32 to index
        %get3A_822 = arith.constant 160 : index
        %get3A_823 = tpu.vector_load %arg5[%get3A_820, %get3A_821, %get3A_822] {strides = array<i32>} : memref<4x32x224xf32, #tpu.memory_space<vmem>>, vector<1x1x16xf32>,
        %get3A_824 = vector.shape_cast %get3A_823 : vector<1x1x16xf32> to vector<16xf32>
        %get3A_825 = arith.constant 3 : i32
        %get3A_826 = arith.index_cast %get3A_825 : i32 to index
        %get3A_827 = arith.index_cast %scan3A_161 : i32 to index
        %get3A_828 = arith.constant 160 : index
        %get3A_829 = tpu.vector_load %arg5[%get3A_826, %get3A_827, %get3A_828] {strides = array<i32>} : memref<4x32x224xf32, #tpu.memory_space<vmem>>, vector<1x1x16xf32>,
        %get3A_830 = vector.shape_cast %get3A_829 : vector<1x1x16xf32> to vector<16xf32>
        %max3A_831 = arith.maximumf %get3A_812, %get3A_818 : vector<16xf32>
        %max3A_832 = arith.maximumf %get3A_824, %get3A_830 : vector<16xf32>
        %max3A_833 = arith.maximumf %max3A_831, %max3A_832 : vector<16xf32>
        %broadcast_in_dim3A_834 = arith.constant 0.000000e+00 : f32
        %broadcast_in_dim3A_835 = vector.broadcast %broadcast_in_dim3A_834 : f32 to vector<16xf32>
        %eq3A_836 = arith.cmpf oeq, %get3A_812, %max3A_833 : vector<16xf32>
        %select_n3A_837 = arith.select %eq3A_836, %get3A_812, %broadcast_in_dim3A_835 : vector<16xi1>, vector<16xf32>
        %swap3A_838 = arith.constant 0 : i32
        %swap3A_839 = arith.index_cast %swap3A_838 : i32 to index
        %swap3A_840 = arith.index_cast %scan3A_161 : i32 to index
        %swap3A_841 = arith.constant 160 : index
        %swap3A_842 = tpu.vector_load %arg7[%swap3A_839, %swap3A_840, %swap3A_841] {strides = array<i32>} : memref<4x32x224xf32, #tpu.memory_space<vmem>>, vector<1x1x16xf32>,
        %swap3A_843 = vector.shape_cast %swap3A_842 : vector<1x1x16xf32> to vector<16xf32>
        %swap3A_844 = vector.shape_cast %select_n3A_837 : vector<16xf32> to vector<1x1x16xf32>
        tpu.vector_store %arg7[%swap3A_839, %swap3A_840, %swap3A_841], %swap3A_844 {strides = array<i32>} : memref<4x32x224xf32, #tpu.memory_space<vmem>>, vector<1x1x16xf32>,
        %eq3A_845 = arith.cmpf oeq, %get3A_818, %max3A_833 : vector<16xf32>
        %select_n3A_846 = arith.select %eq3A_845, %get3A_818, %broadcast_in_dim3A_835 : vector<16xi1>, vector<16xf32>
        %swap3A_847 = arith.constant 1 : i32
        %swap3A_848 = arith.index_cast %swap3A_847 : i32 to index
        %swap3A_849 = arith.index_cast %scan3A_161 : i32 to index
        %swap3A_850 = arith.constant 160 : index
        %swap3A_851 = tpu.vector_load %arg7[%swap3A_848, %swap3A_849, %swap3A_850] {strides = array<i32>} : memref<4x32x224xf32, #tpu.memory_space<vmem>>, vector<1x1x16xf32>,
        %swap3A_852 = vector.shape_cast %swap3A_851 : vector<1x1x16xf32> to vector<16xf32>
        %swap3A_853 = vector.shape_cast %select_n3A_846 : vector<16xf32> to vector<1x1x16xf32>
        tpu.vector_store %arg7[%swap3A_848, %swap3A_849, %swap3A_850], %swap3A_853 {strides = array<i32>} : memref<4x32x224xf32, #tpu.memory_space<vmem>>, vector<1x1x16xf32>,
        %eq3A_854 = arith.cmpf oeq, %get3A_824, %max3A_833 : vector<16xf32>
        %select_n3A_855 = arith.select %eq3A_854, %get3A_824, %broadcast_in_dim3A_835 : vector<16xi1>, vector<16xf32>
        %swap3A_856 = arith.constant 2 : i32
        %swap3A_857 = arith.index_cast %swap3A_856 : i32 to index
        %swap3A_858 = arith.index_cast %scan3A_161 : i32 to index
        %swap3A_859 = arith.constant 160 : index
        %swap3A_860 = tpu.vector_load %arg7[%swap3A_857, %swap3A_858, %swap3A_859] {strides = array<i32>} : memref<4x32x224xf32, #tpu.memory_space<vmem>>, vector<1x1x16xf32>,
        %swap3A_861 = vector.shape_cast %swap3A_860 : vector<1x1x16xf32> to vector<16xf32>
        %swap3A_862 = vector.shape_cast %select_n3A_855 : vector<16xf32> to vector<1x1x16xf32>
        tpu.vector_store %arg7[%swap3A_857, %swap3A_858, %swap3A_859], %swap3A_862 {strides = array<i32>} : memref<4x32x224xf32, #tpu.memory_space<vmem>>, vector<1x1x16xf32>,
        %eq3A_863 = arith.cmpf oeq, %get3A_830, %max3A_833 : vector<16xf32>
        %select_n3A_864 = arith.select %eq3A_863, %get3A_830, %broadcast_in_dim3A_835 : vector<16xi1>, vector<16xf32>
        %swap3A_865 = arith.constant 3 : i32
        %swap3A_866 = arith.index_cast %swap3A_865 : i32 to index
        %swap3A_867 = arith.index_cast %scan3A_161 : i32 to index
        %swap3A_868 = arith.constant 160 : index
        %swap3A_869 = tpu.vector_load %arg7[%swap3A_866, %swap3A_867, %swap3A_868] {strides = array<i32>} : memref<4x32x224xf32, #tpu.memory_space<vmem>>, vector<1x1x16xf32>,
        %swap3A_870 = vector.shape_cast %swap3A_869 : vector<1x1x16xf32> to vector<16xf32>
        %swap3A_871 = vector.shape_cast %select_n3A_864 : vector<16xf32> to vector<1x1x16xf32>
        tpu.vector_store %arg7[%swap3A_866, %swap3A_867, %swap3A_868], %swap3A_871 {strides = array<i32>} : memref<4x32x224xf32, #tpu.memory_space<vmem>>, vector<1x1x16xf32>,
        %get3A_872 = arith.constant 0 : i32
        %get3A_873 = arith.index_cast %get3A_872 : i32 to index
        %get3A_874 = arith.index_cast %scan3A_161 : i32 to index
        %get3A_875 = arith.constant 176 : index
        %get3A_876 = tpu.vector_load %arg5[%get3A_873, %get3A_874, %get3A_875] {strides = array<i32>} : memref<4x32x224xf32, #tpu.memory_space<vmem>>, vector<1x1x16xf32>,
        %get3A_877 = vector.shape_cast %get3A_876 : vector<1x1x16xf32> to vector<16xf32>
        %get3A_878 = arith.constant 1 : i32
        %get3A_879 = arith.index_cast %get3A_878 : i32 to index
        %get3A_880 = arith.index_cast %scan3A_161 : i32 to index
        %get3A_881 = arith.constant 176 : index
        %get3A_882 = tpu.vector_load %arg5[%get3A_879, %get3A_880, %get3A_881] {strides = array<i32>} : memref<4x32x224xf32, #tpu.memory_space<vmem>>, vector<1x1x16xf32>,
        %get3A_883 = vector.shape_cast %get3A_882 : vector<1x1x16xf32> to vector<16xf32>
        %get3A_884 = arith.constant 2 : i32
        %get3A_885 = arith.index_cast %get3A_884 : i32 to index
        %get3A_886 = arith.index_cast %scan3A_161 : i32 to index
        %get3A_887 = arith.constant 176 : index
        %get3A_888 = tpu.vector_load %arg5[%get3A_885, %get3A_886, %get3A_887] {strides = array<i32>} : memref<4x32x224xf32, #tpu.memory_space<vmem>>, vector<1x1x16xf32>,
        %get3A_889 = vector.shape_cast %get3A_888 : vector<1x1x16xf32> to vector<16xf32>
        %get3A_890 = arith.constant 3 : i32
        %get3A_891 = arith.index_cast %get3A_890 : i32 to index
        %get3A_892 = arith.index_cast %scan3A_161 : i32 to index
        %get3A_893 = arith.constant 176 : index
        %get3A_894 = tpu.vector_load %arg5[%get3A_891, %get3A_892, %get3A_893] {strides = array<i32>} : memref<4x32x224xf32, #tpu.memory_space<vmem>>, vector<1x1x16xf32>,
        %get3A_895 = vector.shape_cast %get3A_894 : vector<1x1x16xf32> to vector<16xf32>
        %max3A_896 = arith.maximumf %get3A_877, %get3A_883 : vector<16xf32>
        %max3A_897 = arith.maximumf %get3A_889, %get3A_895 : vector<16xf32>
        %max3A_898 = arith.maximumf %max3A_896, %max3A_897 : vector<16xf32>
        %broadcast_in_dim3A_899 = arith.constant 0.000000e+00 : f32
        %broadcast_in_dim3A_900 = vector.broadcast %broadcast_in_dim3A_899 : f32 to vector<16xf32>
        %eq3A_901 = arith.cmpf oeq, %get3A_877, %max3A_898 : vector<16xf32>
        %select_n3A_902 = arith.select %eq3A_901, %get3A_877, %broadcast_in_dim3A_900 : vector<16xi1>, vector<16xf32>
        %swap3A_903 = arith.constant 0 : i32
        %swap3A_904 = arith.index_cast %swap3A_903 : i32 to index
        %swap3A_905 = arith.index_cast %scan3A_161 : i32 to index
        %swap3A_906 = arith.constant 176 : index
        %swap3A_907 = tpu.vector_load %arg7[%swap3A_904, %swap3A_905, %swap3A_906] {strides = array<i32>} : memref<4x32x224xf32, #tpu.memory_space<vmem>>, vector<1x1x16xf32>,
        %swap3A_908 = vector.shape_cast %swap3A_907 : vector<1x1x16xf32> to vector<16xf32>
        %swap3A_909 = vector.shape_cast %select_n3A_902 : vector<16xf32> to vector<1x1x16xf32>
        tpu.vector_store %arg7[%swap3A_904, %swap3A_905, %swap3A_906], %swap3A_909 {strides = array<i32>} : memref<4x32x224xf32, #tpu.memory_space<vmem>>, vector<1x1x16xf32>,
        %eq3A_910 = arith.cmpf oeq, %get3A_883, %max3A_898 : vector<16xf32>
        %select_n3A_911 = arith.select %eq3A_910, %get3A_883, %broadcast_in_dim3A_900 : vector<16xi1>, vector<16xf32>
        %swap3A_912 = arith.constant 1 : i32
        %swap3A_913 = arith.index_cast %swap3A_912 : i32 to index
        %swap3A_914 = arith.index_cast %scan3A_161 : i32 to index
        %swap3A_915 = arith.constant 176 : index
        %swap3A_916 = tpu.vector_load %arg7[%swap3A_913, %swap3A_914, %swap3A_915] {strides = array<i32>} : memref<4x32x224xf32, #tpu.memory_space<vmem>>, vector<1x1x16xf32>,
        %swap3A_917 = vector.shape_cast %swap3A_916 : vector<1x1x16xf32> to vector<16xf32>
        %swap3A_918 = vector.shape_cast %select_n3A_911 : vector<16xf32> to vector<1x1x16xf32>
        tpu.vector_store %arg7[%swap3A_913, %swap3A_914, %swap3A_915], %swap3A_918 {strides = array<i32>} : memref<4x32x224xf32, #tpu.memory_space<vmem>>, vector<1x1x16xf32>,
        %eq3A_919 = arith.cmpf oeq, %get3A_889, %max3A_898 : vector<16xf32>
        %select_n3A_920 = arith.select %eq3A_919, %get3A_889, %broadcast_in_dim3A_900 : vector<16xi1>, vector<16xf32>
        %swap3A_921 = arith.constant 2 : i32
        %swap3A_922 = arith.index_cast %swap3A_921 : i32 to index
        %swap3A_923 = arith.index_cast %scan3A_161 : i32 to index
        %swap3A_924 = arith.constant 176 : index
        %swap3A_925 = tpu.vector_load %arg7[%swap3A_922, %swap3A_923, %swap3A_924] {strides = array<i32>} : memref<4x32x224xf32, #tpu.memory_space<vmem>>, vector<1x1x16xf32>,
        %swap3A_926 = vector.shape_cast %swap3A_925 : vector<1x1x16xf32> to vector<16xf32>
        %swap3A_927 = vector.shape_cast %select_n3A_920 : vector<16xf32> to vector<1x1x16xf32>
        tpu.vector_store %arg7[%swap3A_922, %swap3A_923, %swap3A_924], %swap3A_927 {strides = array<i32>} : memref<4x32x224xf32, #tpu.memory_space<vmem>>, vector<1x1x16xf32>,
        %eq3A_928 = arith.cmpf oeq, %get3A_895, %max3A_898 : vector<16xf32>
        %select_n3A_929 = arith.select %eq3A_928, %get3A_895, %broadcast_in_dim3A_900 : vector<16xi1>, vector<16xf32>
        %swap3A_930 = arith.constant 3 : i32
        %swap3A_931 = arith.index_cast %swap3A_930 : i32 to index
        %swap3A_932 = arith.index_cast %scan3A_161 : i32 to index
        %swap3A_933 = arith.constant 176 : index
        %swap3A_934 = tpu.vector_load %arg7[%swap3A_931, %swap3A_932, %swap3A_933] {strides = array<i32>} : memref<4x32x224xf32, #tpu.memory_space<vmem>>, vector<1x1x16xf32>,
        %swap3A_935 = vector.shape_cast %swap3A_934 : vector<1x1x16xf32> to vector<16xf32>
        %swap3A_936 = vector.shape_cast %select_n3A_929 : vector<16xf32> to vector<1x1x16xf32>
        tpu.vector_store %arg7[%swap3A_931, %swap3A_932, %swap3A_933], %swap3A_936 {strides = array<i32>} : memref<4x32x224xf32, #tpu.memory_space<vmem>>, vector<1x1x16xf32>,
        %get3A_937 = arith.constant 0 : i32
        %get3A_938 = arith.index_cast %get3A_937 : i32 to index
        %get3A_939 = arith.index_cast %scan3A_161 : i32 to index
        %get3A_940 = arith.constant 192 : index
        %get3A_941 = tpu.vector_load %arg5[%get3A_938, %get3A_939, %get3A_940] {strides = array<i32>} : memref<4x32x224xf32, #tpu.memory_space<vmem>>, vector<1x1x16xf32>,
        %get3A_942 = vector.shape_cast %get3A_941 : vector<1x1x16xf32> to vector<16xf32>
        %get3A_943 = arith.constant 1 : i32
        %get3A_944 = arith.index_cast %get3A_943 : i32 to index
        %get3A_945 = arith.index_cast %scan3A_161 : i32 to index
        %get3A_946 = arith.constant 192 : index
        %get3A_947 = tpu.vector_load %arg5[%get3A_944, %get3A_945, %get3A_946] {strides = array<i32>} : memref<4x32x224xf32, #tpu.memory_space<vmem>>, vector<1x1x16xf32>,
        %get3A_948 = vector.shape_cast %get3A_947 : vector<1x1x16xf32> to vector<16xf32>
        %get3A_949 = arith.constant 2 : i32
        %get3A_950 = arith.index_cast %get3A_949 : i32 to index
        %get3A_951 = arith.index_cast %scan3A_161 : i32 to index
        %get3A_952 = arith.constant 192 : index
        %get3A_953 = tpu.vector_load %arg5[%get3A_950, %get3A_951, %get3A_952] {strides = array<i32>} : memref<4x32x224xf32, #tpu.memory_space<vmem>>, vector<1x1x16xf32>,
        %get3A_954 = vector.shape_cast %get3A_953 : vector<1x1x16xf32> to vector<16xf32>
        %get3A_955 = arith.constant 3 : i32
        %get3A_956 = arith.index_cast %get3A_955 : i32 to index
        %get3A_957 = arith.index_cast %scan3A_161 : i32 to index
        %get3A_958 = arith.constant 192 : index
        %get3A_959 = tpu.vector_load %arg5[%get3A_956, %get3A_957, %get3A_958] {strides = array<i32>} : memref<4x32x224xf32, #tpu.memory_space<vmem>>, vector<1x1x16xf32>,
        %get3A_960 = vector.shape_cast %get3A_959 : vector<1x1x16xf32> to vector<16xf32>
        %max3A_961 = arith.maximumf %get3A_942, %get3A_948 : vector<16xf32>
        %max3A_962 = arith.maximumf %get3A_954, %get3A_960 : vector<16xf32>
        %max3A_963 = arith.maximumf %max3A_961, %max3A_962 : vector<16xf32>
        %broadcast_in_dim3A_964 = arith.constant 0.000000e+00 : f32
        %broadcast_in_dim3A_965 = vector.broadcast %broadcast_in_dim3A_964 : f32 to vector<16xf32>
        %eq3A_966 = arith.cmpf oeq, %get3A_942, %max3A_963 : vector<16xf32>
        %select_n3A_967 = arith.select %eq3A_966, %get3A_942, %broadcast_in_dim3A_965 : vector<16xi1>, vector<16xf32>
        %swap3A_968 = arith.constant 0 : i32
        %swap3A_969 = arith.index_cast %swap3A_968 : i32 to index
        %swap3A_970 = arith.index_cast %scan3A_161 : i32 to index
        %swap3A_971 = arith.constant 192 : index
        %swap3A_972 = tpu.vector_load %arg7[%swap3A_969, %swap3A_970, %swap3A_971] {strides = array<i32>} : memref<4x32x224xf32, #tpu.memory_space<vmem>>, vector<1x1x16xf32>,
        %swap3A_973 = vector.shape_cast %swap3A_972 : vector<1x1x16xf32> to vector<16xf32>
        %swap3A_974 = vector.shape_cast %select_n3A_967 : vector<16xf32> to vector<1x1x16xf32>
        tpu.vector_store %arg7[%swap3A_969, %swap3A_970, %swap3A_971], %swap3A_974 {strides = array<i32>} : memref<4x32x224xf32, #tpu.memory_space<vmem>>, vector<1x1x16xf32>,
        %eq3A_975 = arith.cmpf oeq, %get3A_948, %max3A_963 : vector<16xf32>
        %select_n3A_976 = arith.select %eq3A_975, %get3A_948, %broadcast_in_dim3A_965 : vector<16xi1>, vector<16xf32>
        %swap3A_977 = arith.constant 1 : i32
        %swap3A_978 = arith.index_cast %swap3A_977 : i32 to index
        %swap3A_979 = arith.index_cast %scan3A_161 : i32 to index
        %swap3A_980 = arith.constant 192 : index
        %swap3A_981 = tpu.vector_load %arg7[%swap3A_978, %swap3A_979, %swap3A_980] {strides = array<i32>} : memref<4x32x224xf32, #tpu.memory_space<vmem>>, vector<1x1x16xf32>,
        %swap3A_982 = vector.shape_cast %swap3A_981 : vector<1x1x16xf32> to vector<16xf32>
        %swap3A_983 = vector.shape_cast %select_n3A_976 : vector<16xf32> to vector<1x1x16xf32>
        tpu.vector_store %arg7[%swap3A_978, %swap3A_979, %swap3A_980], %swap3A_983 {strides = array<i32>} : memref<4x32x224xf32, #tpu.memory_space<vmem>>, vector<1x1x16xf32>,
        %eq3A_984 = arith.cmpf oeq, %get3A_954, %max3A_963 : vector<16xf32>
        %select_n3A_985 = arith.select %eq3A_984, %get3A_954, %broadcast_in_dim3A_965 : vector<16xi1>, vector<16xf32>
        %swap3A_986 = arith.constant 2 : i32
        %swap3A_987 = arith.index_cast %swap3A_986 : i32 to index
        %swap3A_988 = arith.index_cast %scan3A_161 : i32 to index
        %swap3A_989 = arith.constant 192 : index
        %swap3A_990 = tpu.vector_load %arg7[%swap3A_987, %swap3A_988, %swap3A_989] {strides = array<i32>} : memref<4x32x224xf32, #tpu.memory_space<vmem>>, vector<1x1x16xf32>,
        %swap3A_991 = vector.shape_cast %swap3A_990 : vector<1x1x16xf32> to vector<16xf32>
        %swap3A_992 = vector.shape_cast %select_n3A_985 : vector<16xf32> to vector<1x1x16xf32>
        tpu.vector_store %arg7[%swap3A_987, %swap3A_988, %swap3A_989], %swap3A_992 {strides = array<i32>} : memref<4x32x224xf32, #tpu.memory_space<vmem>>, vector<1x1x16xf32>,
        %eq3A_993 = arith.cmpf oeq, %get3A_960, %max3A_963 : vector<16xf32>
        %select_n3A_994 = arith.select %eq3A_993, %get3A_960, %broadcast_in_dim3A_965 : vector<16xi1>, vector<16xf32>
        %swap3A_995 = arith.constant 3 : i32
        %swap3A_996 = arith.index_cast %swap3A_995 : i32 to index
        %swap3A_997 = arith.index_cast %scan3A_161 : i32 to index
        %swap3A_998 = arith.constant 192 : index
        %swap3A_999 = tpu.vector_load %arg7[%swap3A_996, %swap3A_997, %swap3A_998] {strides = array<i32>} : memref<4x32x224xf32, #tpu.memory_space<vmem>>, vector<1x1x16xf32>,
        %swap3A_1000 = vector.shape_cast %swap3A_999 : vector<1x1x16xf32> to vector<16xf32>
        %swap3A_1001 = vector.shape_cast %select_n3A_994 : vector<16xf32> to vector<1x1x16xf32>
        tpu.vector_store %arg7[%swap3A_996, %swap3A_997, %swap3A_998], %swap3A_1001 {strides = array<i32>} : memref<4x32x224xf32, #tpu.memory_space<vmem>>, vector<1x1x16xf32>,
        %get3A_1002 = arith.constant 0 : i32
        %get3A_1003 = arith.index_cast %get3A_1002 : i32 to index
        %get3A_1004 = arith.index_cast %scan3A_161 : i32 to index
        %get3A_1005 = arith.constant 208 : index
        %get3A_1006 = tpu.vector_load %arg5[%get3A_1003, %get3A_1004, %get3A_1005] {strides = array<i32>} : memref<4x32x224xf32, #tpu.memory_space<vmem>>, vector<1x1x16xf32>,
        %get3A_1007 = vector.shape_cast %get3A_1006 : vector<1x1x16xf32> to vector<16xf32>
        %get3A_1008 = arith.constant 1 : i32
        %get3A_1009 = arith.index_cast %get3A_1008 : i32 to index
        %get3A_1010 = arith.index_cast %scan3A_161 : i32 to index
        %get3A_1011 = arith.constant 208 : index
        %get3A_1012 = tpu.vector_load %arg5[%get3A_1009, %get3A_1010, %get3A_1011] {strides = array<i32>} : memref<4x32x224xf32, #tpu.memory_space<vmem>>, vector<1x1x16xf32>,
        %get3A_1013 = vector.shape_cast %get3A_1012 : vector<1x1x16xf32> to vector<16xf32>
        %get3A_1014 = arith.constant 2 : i32
        %get3A_1015 = arith.index_cast %get3A_1014 : i32 to index
        %get3A_1016 = arith.index_cast %scan3A_161 : i32 to index
        %get3A_1017 = arith.constant 208 : index
        %get3A_1018 = tpu.vector_load %arg5[%get3A_1015, %get3A_1016, %get3A_1017] {strides = array<i32>} : memref<4x32x224xf32, #tpu.memory_space<vmem>>, vector<1x1x16xf32>,
        %get3A_1019 = vector.shape_cast %get3A_1018 : vector<1x1x16xf32> to vector<16xf32>
        %get3A_1020 = arith.constant 3 : i32
        %get3A_1021 = arith.index_cast %get3A_1020 : i32 to index
        %get3A_1022 = arith.index_cast %scan3A_161 : i32 to index
        %get3A_1023 = arith.constant 208 : index
        %get3A_1024 = tpu.vector_load %arg5[%get3A_1021, %get3A_1022, %get3A_1023] {strides = array<i32>} : memref<4x32x224xf32, #tpu.memory_space<vmem>>, vector<1x1x16xf32>,
        %get3A_1025 = vector.shape_cast %get3A_1024 : vector<1x1x16xf32> to vector<16xf32>
        %max3A_1026 = arith.maximumf %get3A_1007, %get3A_1013 : vector<16xf32>
        %max3A_1027 = arith.maximumf %get3A_1019, %get3A_1025 : vector<16xf32>
        %max3A_1028 = arith.maximumf %max3A_1026, %max3A_1027 : vector<16xf32>
        %broadcast_in_dim3A_1029 = arith.constant 0.000000e+00 : f32
        %broadcast_in_dim3A_1030 = vector.broadcast %broadcast_in_dim3A_1029 : f32 to vector<16xf32>
        %eq3A_1031 = arith.cmpf oeq, %get3A_1007, %max3A_1028 : vector<16xf32>
        %select_n3A_1032 = arith.select %eq3A_1031, %get3A_1007, %broadcast_in_dim3A_1030 : vector<16xi1>, vector<16xf32>
        %swap3A_1033 = arith.constant 0 : i32
        %swap3A_1034 = arith.index_cast %swap3A_1033 : i32 to index
        %swap3A_1035 = arith.index_cast %scan3A_161 : i32 to index
        %swap3A_1036 = arith.constant 208 : index
        %swap3A_1037 = tpu.vector_load %arg7[%swap3A_1034, %swap3A_1035, %swap3A_1036] {strides = array<i32>} : memref<4x32x224xf32, #tpu.memory_space<vmem>>, vector<1x1x16xf32>,
        %swap3A_1038 = vector.shape_cast %swap3A_1037 : vector<1x1x16xf32> to vector<16xf32>
        %swap3A_1039 = vector.shape_cast %select_n3A_1032 : vector<16xf32> to vector<1x1x16xf32>
        tpu.vector_store %arg7[%swap3A_1034, %swap3A_1035, %swap3A_1036], %swap3A_1039 {strides = array<i32>} : memref<4x32x224xf32, #tpu.memory_space<vmem>>, vector<1x1x16xf32>,
        %eq3A_1040 = arith.cmpf oeq, %get3A_1013, %max3A_1028 : vector<16xf32>
        %select_n3A_1041 = arith.select %eq3A_1040, %get3A_1013, %broadcast_in_dim3A_1030 : vector<16xi1>, vector<16xf32>
        %swap3A_1042 = arith.constant 1 : i32
        %swap3A_1043 = arith.index_cast %swap3A_1042 : i32 to index
        %swap3A_1044 = arith.index_cast %scan3A_161 : i32 to index
        %swap3A_1045 = arith.constant 208 : index
        %swap3A_1046 = tpu.vector_load %arg7[%swap3A_1043, %swap3A_1044, %swap3A_1045] {strides = array<i32>} : memref<4x32x224xf32, #tpu.memory_space<vmem>>, vector<1x1x16xf32>,
        %swap3A_1047 = vector.shape_cast %swap3A_1046 : vector<1x1x16xf32> to vector<16xf32>
        %swap3A_1048 = vector.shape_cast %select_n3A_1041 : vector<16xf32> to vector<1x1x16xf32>
        tpu.vector_store %arg7[%swap3A_1043, %swap3A_1044, %swap3A_1045], %swap3A_1048 {strides = array<i32>} : memref<4x32x224xf32, #tpu.memory_space<vmem>>, vector<1x1x16xf32>,
        %eq3A_1049 = arith.cmpf oeq, %get3A_1019, %max3A_1028 : vector<16xf32>
        %select_n3A_1050 = arith.select %eq3A_1049, %get3A_1019, %broadcast_in_dim3A_1030 : vector<16xi1>, vector<16xf32>
        %swap3A_1051 = arith.constant 2 : i32
        %swap3A_1052 = arith.index_cast %swap3A_1051 : i32 to index
        %swap3A_1053 = arith.index_cast %scan3A_161 : i32 to index
        %swap3A_1054 = arith.constant 208 : index
        %swap3A_1055 = tpu.vector_load %arg7[%swap3A_1052, %swap3A_1053, %swap3A_1054] {strides = array<i32>} : memref<4x32x224xf32, #tpu.memory_space<vmem>>, vector<1x1x16xf32>,
        %swap3A_1056 = vector.shape_cast %swap3A_1055 : vector<1x1x16xf32> to vector<16xf32>
        %swap3A_1057 = vector.shape_cast %select_n3A_1050 : vector<16xf32> to vector<1x1x16xf32>
        tpu.vector_store %arg7[%swap3A_1052, %swap3A_1053, %swap3A_1054], %swap3A_1057 {strides = array<i32>} : memref<4x32x224xf32, #tpu.memory_space<vmem>>, vector<1x1x16xf32>,
        %eq3A_1058 = arith.cmpf oeq, %get3A_1025, %max3A_1028 : vector<16xf32>
        %select_n3A_1059 = arith.select %eq3A_1058, %get3A_1025, %broadcast_in_dim3A_1030 : vector<16xi1>, vector<16xf32>
        %swap3A_1060 = arith.constant 3 : i32
        %swap3A_1061 = arith.index_cast %swap3A_1060 : i32 to index
        %swap3A_1062 = arith.index_cast %scan3A_161 : i32 to index
        %swap3A_1063 = arith.constant 208 : index
        %swap3A_1064 = tpu.vector_load %arg7[%swap3A_1061, %swap3A_1062, %swap3A_1063] {strides = array<i32>} : memref<4x32x224xf32, #tpu.memory_space<vmem>>, vector<1x1x16xf32>,
        %swap3A_1065 = vector.shape_cast %swap3A_1064 : vector<1x1x16xf32> to vector<16xf32>
        %swap3A_1066 = vector.shape_cast %select_n3A_1059 : vector<16xf32> to vector<1x1x16xf32>
        tpu.vector_store %arg7[%swap3A_1061, %swap3A_1062, %swap3A_1063], %swap3A_1066 {strides = array<i32>} : memref<4x32x224xf32, #tpu.memory_space<vmem>>, vector<1x1x16xf32>,
      }
      %scan3A_118 = arith.constant 32 : i32
      %jit3A_119 = arith.constant 7 : i32
      %div3A_120 = arith.divsi %add3A_99, %jit3A_119 : i32
      %sign3A_121 = arith.constant 0 : i32
      %sign3A_122 = arith.cmpi sgt, %add3A_99, %sign3A_121 : i32
      %sign3A_123 = arith.extui %sign3A_122 : i1 to i32
      %sign3A_124 = arith.constant 0 : i32
      %sign3A_125 = arith.cmpi slt, %add3A_99, %sign3A_124 : i32
      %sign3A_126 = arith.extui %sign3A_125 : i1 to i32
      %sign3A_127 = arith.subi %sign3A_123, %sign3A_126 : i32
      %sign3A_128 = arith.constant 0 : i32
      %sign3A_129 = arith.cmpi sgt, %jit3A_119, %sign3A_128 : i32
      %sign3A_130 = arith.extui %sign3A_129 : i1 to i32
      %sign3A_131 = arith.constant 0 : i32
      %sign3A_132 = arith.cmpi slt, %jit3A_119, %sign3A_131 : i32
      %sign3A_133 = arith.extui %sign3A_132 : i1 to i32
      %sign3A_134 = arith.subi %sign3A_130, %sign3A_133 : i32
      %ne3A_135 = arith.cmpi ne, %sign3A_127, %sign3A_134 : i32
      %rem3A_136 = arith.remsi %add3A_99, %jit3A_119 : i32
      %ne3A_137 = arith.constant 0 : i32
      %ne3A_138 = arith.cmpi ne, %rem3A_136, %ne3A_137 : i32
      %and3A_139 = arith.andi %ne3A_135, %ne3A_138 : i1
      %sub3A_140 = arith.constant 1 : i32
      %sub3A_141 = arith.subi %div3A_120, %sub3A_140 : i32
      %select_n3A_142 = arith.select %and3A_139, %sub3A_141, %div3A_120 : i32
      %rem3A_143 = arith.constant 7 : i32
      %rem3A_144 = arith.remsi %add3A_99, %rem3A_143 : i32
      %mul3A_145 = arith.constant 4 : i32
      %mul3A_146 = arith.muli %select_n3A_142, %mul3A_145 : i32
      %add3A_147 = arith.addi %mul3A_2, %mul3A_146 : i32
      %mul3A_148 = arith.constant 32 : i32
      %mul3A_149 = arith.muli %rem3A_144, %mul3A_148 : i32
      %dma_start3A_150 = arith.constant 0 : i32
      %dma_start3A_151 = tpu.memref_slice %arg3[%add3A_147, %mul3A_149, %dma_start3A_150] : memref<1536x224x224xf32, #tpu.memory_space<hbm>> -> memref<4x32x224xf32, #tpu.memory_space<hbm>>
      %dma_start3A_152 = arith.constant 0 : i32
      %dma_start3A_153 = tpu.memref_slice %arg3[%add3A_147, %mul3A_149, %dma_start3A_152] : memref<1536x224x224xf32, #tpu.memory_space<hbm>> -> memref<4x32x224xf32, #tpu.memory_space<hbm>>
      tpu.enqueue_dma source(%arg7 : memref<4x32x224xf32, #tpu.memory_space<vmem>>) target(%dma_start3A_153 : memref<4x32x224xf32, #tpu.memory_space<hbm>>) target_semaphore(%arg11 : memref<!tpu.dma_semaphore, #tpu.memory_space<semaphore_mem>>)
      %add3A_154 = arith.constant 2 : i32
      %add3A_155 = arith.addi %add3A_99, %add3A_154 : i32
      %lt3A_156 = arith.constant 84 : i32
      %lt3A_157 = arith.cmpi slt, %add3A_155, %lt3A_156 : i32
      %convert_element_type3A_158 = arith.extui %lt3A_157 : i1 to i32
      %cond3A_159 = arith.constant 0 : i32
      %cond3A_160 = arith.cmpi ne, %convert_element_type3A_158, %cond3A_159 : i32
      scf.if %cond3A_160 {
        %add3A_161 = arith.constant 2 : i32
        %add3A_162 = arith.addi %add3A_99, %add3A_161 : i32
        %jit3A_163 = arith.constant 7 : i32
        %div3A_164 = arith.divsi %add3A_162, %jit3A_163 : i32
        %sign3A_165 = arith.constant 0 : i32
        %sign3A_166 = arith.cmpi sgt, %add3A_162, %sign3A_165 : i32
        %sign3A_167 = arith.extui %sign3A_166 : i1 to i32
        %sign3A_168 = arith.constant 0 : i32
        %sign3A_169 = arith.cmpi slt, %add3A_162, %sign3A_168 : i32
        %sign3A_170 = arith.extui %sign3A_169 : i1 to i32
        %sign3A_171 = arith.subi %sign3A_167, %sign3A_170 : i32
        %sign3A_172 = arith.constant 0 : i32
        %sign3A_173 = arith.cmpi sgt, %jit3A_163, %sign3A_172 : i32
        %sign3A_174 = arith.extui %sign3A_173 : i1 to i32
        %sign3A_175 = arith.constant 0 : i32
        %sign3A_176 = arith.cmpi slt, %jit3A_163, %sign3A_175 : i32
        %sign3A_177 = arith.extui %sign3A_176 : i1 to i32
        %sign3A_178 = arith.subi %sign3A_174, %sign3A_177 : i32
        %ne3A_179 = arith.cmpi ne, %sign3A_171, %sign3A_178 : i32
        %rem3A_180 = arith.remsi %add3A_162, %jit3A_163 : i32
        %ne3A_181 = arith.constant 0 : i32
        %ne3A_182 = arith.cmpi ne, %rem3A_180, %ne3A_181 : i32
        %and3A_183 = arith.andi %ne3A_179, %ne3A_182 : i1
        %sub3A_184 = arith.constant 1 : i32
        %sub3A_185 = arith.subi %div3A_164, %sub3A_184 : i32
        %select_n3A_186 = arith.select %and3A_183, %sub3A_185, %div3A_164 : i32
        %rem3A_187 = arith.constant 7 : i32
        %rem3A_188 = arith.remsi %add3A_162, %rem3A_187 : i32
        %mul3A_189 = arith.constant 4 : i32
        %mul3A_190 = arith.muli %select_n3A_186, %mul3A_189 : i32
        %add3A_191 = arith.addi %mul3A_2, %mul3A_190 : i32
        %mul3A_192 = arith.constant 32 : i32
        %mul3A_193 = arith.muli %rem3A_188, %mul3A_192 : i32
        %dma_start3A_194 = arith.constant 0 : i32
        %dma_start3A_195 = tpu.memref_slice %arg2[%add3A_191, %mul3A_193, %dma_start3A_194] : memref<1536x224x224xf32, #tpu.memory_space<hbm>> -> memref<4x32x224xf32, #tpu.memory_space<hbm>>
        %dma_start3A_196 = arith.constant 0 : i32
        %dma_start3A_197 = tpu.memref_slice %arg2[%add3A_191, %mul3A_193, %dma_start3A_196] : memref<1536x224x224xf32, #tpu.memory_space<hbm>> -> memref<4x32x224xf32, #tpu.memory_space<hbm>>
        tpu.enqueue_dma source(%dma_start3A_197 : memref<4x32x224xf32, #tpu.memory_space<hbm>>) target(%arg5 : memref<4x32x224xf32, #tpu.memory_space<vmem>>) target_semaphore(%arg9 : memref<!tpu.dma_semaphore, #tpu.memory_space<semaphore_mem>>)
      } else {
      }
    }
    %scan3A_27 = arith.constant 42 : i32
    %dma_wait3A = arith.constant 0 : i32
    %dma_wait3A_28 = arith.constant 0 : i32
    %dma_wait3A_29 = arith.constant 0 : i32
    %dma_wait3A_30 = tpu.memref_slice %arg3[%dma_wait3A, %dma_wait3A_28, %dma_wait3A_29] : memref<1536x224x224xf32, #tpu.memory_space<hbm>> -> memref<4x32x224xf32, #tpu.memory_space<hbm>>
    %dma_wait3A_31 = arith.constant 0 : i32
    %dma_wait3A_32 = arith.constant 0 : i32
    %dma_wait3A_33 = arith.constant 0 : i32
    %dma_wait3A_34 = tpu.memref_slice %arg3[%dma_wait3A_31, %dma_wait3A_32, %dma_wait3A_33] : memref<1536x224x224xf32, #tpu.memory_space<hbm>> -> memref<4x32x224xf32, #tpu.memory_space<hbm>>
    tpu.wait_dma2 semaphore(%arg10 : memref<!tpu.dma_semaphore, #tpu.memory_space<semaphore_mem>>) src(%arg6 : memref<4x32x224xf32, #tpu.memory_space<vmem>>) dst(%dma_wait3A_34 : memref<4x32x224xf32, #tpu.memory_space<hbm>>)
    %dma_wait3A_35 = arith.constant 0 : i32
    %dma_wait3A_36 = arith.constant 0 : i32
    %dma_wait3A_37 = arith.constant 0 : i32
    %dma_wait3A_38 = tpu.memref_slice %arg3[%dma_wait3A_35, %dma_wait3A_36, %dma_wait3A_37] : memref<1536x224x224xf32, #tpu.memory_space<hbm>> -> memref<4x32x224xf32, #tpu.memory_space<hbm>>
    %dma_wait3A_39 = arith.constant 0 : i32
    %dma_wait3A_40 = arith.constant 0 : i32
    %dma_wait3A_41 = arith.constant 0 : i32
    %dma_wait3A_42 = tpu.memref_slice %arg3[%dma_wait3A_39, %dma_wait3A_40, %dma_wait3A_41] : memref<1536x224x224xf32, #tpu.memory_space<hbm>> -> memref<4x32x224xf32, #tpu.memory_space<hbm>>
    tpu.wait_dma2 semaphore(%arg11 : memref<!tpu.dma_semaphore, #tpu.memory_space<semaphore_mem>>) src(%arg7 : memref<4x32x224xf32, #tpu.memory_space<vmem>>) dst(%dma_wait3A_42 : memref<4x32x224xf32, #tpu.memory_space<hbm>>)
    return
  }
}

</mosaic_0001>

<sc_bundles>
// kernel: kernel.3.cloned.1.call-start
scs
__scs_entry_jumppad:
0x0: {  	(pc) =	sbr.rel $0x88, $3  }
0x1: {  	(tag) =	ssettag $0x0;
	lr =	simm.s32 $0x1  }
0x2: {  	[smem:$0x3FA0] =	sst lr;
	_ =	strace $0xD0000000  }
0x3: {  	_ = 	snop  }
0x4: {  	_ = 	snop  }
0x5: {  	_ = 	snop  }
0x6: {  	_ = 	snop  }
0x7: {  	_ = 	snop  }
__scs_overlays_trampoline_lowered:
0x8: {  	[smem:$0x3FAF] =	sst s0  }
0x9: {  	[smem:$0x3FB0] =	sst s1  }
0xa: {  	[smem:$0x3FB1] =	sst s2  }
0xb: {  	[smem:$0x3FB2] =	sst s3  }
0xc: {  	[smem:$0x3FB3] =	sst s4  }
0xd: {  	[smem:$0x3FB4] =	sst s5  }
0xe: {  	[smem:$0x3FB5] =	sst s6  }
0xf: {  	[smem:$0x3FB6] =	sst s7  }
0x10: {  	[smem:$0x3FB7] =	sst s8  }
0x11: {  	[smem:$0x3FB8] =	sst s9;
	s0 =	simm.s32 @!p0 $0x0  }
0x12: {  	s1 =	sld [smem:$0x3F9E];
	s0 =	simm.s32 @p0 $0x1  }
0x13: {  	[smem:$0x3FB9] =	sst s0;
	s0 =	simm.s32 @!p1 $0x0  }
0x14: {  	s2 =	sld [smem:$0x3F9D];
	s0 =	simm.s32 @p1 $0x1  }
0x15: {  	[smem:$0x3FBA] =	sst s0;
	s0 =	simm.s32 @!p2 $0x0  }
0x16: {  	s3 =	sld [smem:$0x3FDB];
	s0 =	simm.s32 @p2 $0x1  }
0x17: {  	s4 =	simm.s32 $0x1BF5;
	[smem:$0x3FBC] =	sst s0  }
0x18: {  	s0 =	sld [smem:$0x3F9F];
	_ =	swait.ge [sflag:s4], $0x0  }
0x19: {  	s7 =	sld [smem:$0x3FA0]  }
0x1a: {  	s8 =	sadd.s32 $0xFFFFE003, lr  }
0x1b: {  	s9 =	sadd.s32 $0xFFFFFEF7, lr;
	s5 =	simm.s32 $0xFFFFFFFF;
	p2 =	slt.u32 s8, $0xFFFFF086  }
0x1c: {  	p1 =	slt.u32 s9, $0xF7A;
	s5 =	simm.s32 @!p2 $0x0  }
0x1d: {  	s5 =	simm.s32 @p1 $0x1;
	p0 =	seq.s32 s7, s2  }
0x1e: {  	s7 =	smul.u32 @!p0 $0xF7A, s2;
	p2 =	seq.s32 @!p0 s5, $0x0  }
0x1f: {  	s9 =	smul.u32 $0xF7A, s1;
	s8 =	simm.s32 @!p0 $0x1BF5;
	p2 =	por !p2, p0  }
0x20: {  	[sflag:s8] =	ssyncset.s32 @!p0 $0xFFFFF086;
	s6 =	sadd.s32 @!p0 s3, s7;
	s7 =	simm.s32 @!p0 $0x108  }
0x21: {  	s3 =	sadd.s32 s3, s9;
	s6 =	sadd.s32 @!p0 $0x88, s6;
	s7 =	simm.s32 @p2 $0x1082  }
0x22: {  	[simem:s7], [sflag:s8] =	dma.local @!p0 [hbm:s6], $0xF7A  }
0x23: {  	s9 =	sor.u32 $0xD0000000, s2;
	s6 =	simm.s32 $0x108;
	_ =	swait.ge @!p0 [sflag:s8], $0x0  }
0x24: {  	s3 =	sadd.s32 $0x88, s3;
	s6 =	simm.s32 @!p1 $0x1082;
	[sflag:s4] =	ssyncset.s32 $0xFFFFF086  }
0x25: {  	[simem:s6], [sflag:s4] =	dma.local [hbm:s3], $0xF7A  }
0x26: {  	[smem:$0x3FA0] =	sst s1;
	(tag) =	ssettag s2;
	_ =	strace s9  }
0x27: {  	s1 =	sld [smem:$0x3FB0]  }
0x28: {  	s2 =	sld [smem:$0x3FB1]  }
0x29: {  	s4 =	sld [smem:$0x3FB3]  }
0x2a: {  	p0 =	seq.s32 s5, $0x0;
	s5 =	sld [smem:$0x3FB4]  }
0x2b: {  	s6 =	sld [smem:$0x3FB5]  }
0x2c: {  	s7 =	sld [smem:$0x3FB6]  }
0x2d: {  	s3 =	simm.s32 $0x108;
	s8 =	sld [smem:$0x3FB7]  }
0x2e: {  	s3 =	simm.s32 @!p0 $0x1082;
	s9 =	sld [smem:$0x3FB8]  }
0x2f: {  	lr =	sadd.s32 s0, s3;
	s0 =	sld [smem:$0x3FAF]  }
0x30: {  	s3 =	sld [smem:$0x3FB2]  }
0x31: {  	[smem:$0x3FBB] =	sst s10  }
0x32: {  	s10 =	sld [smem:$0x3FB9];
	_ =	sdelay $0x3  }
0x33: {  	p0 =	seq.s32 s10, $0x1;
	s10 =	sld [smem:$0x3FBB];
	_ =	sdelay $0x3  }
0x34: {  	[smem:$0x3FBB] =	sst s10  }
0x35: {  	s10 =	sld [smem:$0x3FBA];
	_ =	sdelay $0x3  }
0x36: {  	p1 =	seq.s32 s10, $0x1;
	s10 =	sld [smem:$0x3FBB];
	_ =	sdelay $0x3  }
0x37: {  	[smem:$0x3FBB] =	sst s10  }
0x38: {  	s10 =	sld [smem:$0x3FBC]  }
0x39: {  	_ = 	snop;
	(pc) =	sbr.ind lr, $3  }
0x3a: {  	_ = 	snop  }
0x3b: {  	_ = 	snop  }
0x3c: {  	p2 =	seq.s32 s10, $0x1;
	s10 =	sld [smem:$0x3FBB]  }
0x3d: {  	_ =	shalt  }
0x3e: {  	_ =	shalt  }
0x3f: {  	_ =	shalt  }
0x40: {  	_ =	shalt  }
0x41: {  	_ =	shalt  }
0x42: {  	_ =	shalt  }
0x43: {  	_ =	shalt  }
0x44: {  	_ =	shalt  }
0x45: {  	_ =	shalt  }
0x46: {  	_ =	shalt  }
0x47: {  	_ =	shalt  }
0x48: {  	_ =	shalt  }
0x49: {  	_ =	shalt  }
0x4a: {  	_ =	shalt  }
0x4b: {  	_ =	shalt  }
0x4c: {  	_ =	shalt  }
0x4d: {  	_ =	shalt  }
0x4e: {  	_ =	shalt  }
0x4f: {  	_ =	shalt  }
0x50: {  	_ =	shalt  }
0x51: {  	_ =	shalt  }
0x52: {  	_ =	shalt  }
0x53: {  	_ =	shalt  }
0x54: {  	_ =	shalt  }
0x55: {  	_ =	shalt  }
0x56: {  	_ =	shalt  }
0x57: {  	_ =	shalt  }
0x58: {  	_ =	shalt  }
0x59: {  	_ =	shalt  }
0x5a: {  	_ =	shalt  }
0x5b: {  	_ =	shalt  }
0x5c: {  	_ =	shalt  }
0x5d: {  	_ =	shalt  }
0x5e: {  	_ =	shalt  }
0x5f: {  	_ =	shalt  }
0x60: {  	_ =	shalt  }
0x61: {  	_ =	shalt  }
0x62: {  	_ =	shalt  }
0x63: {  	_ =	shalt  }
0x64: {  	_ =	shalt  }
0x65: {  	_ =	shalt  }
0x66: {  	_ =	shalt  }
0x67: {  	_ =	shalt  }
0x68: {  	_ =	shalt  }
0x69: {  	_ =	shalt  }
0x6a: {  	_ =	shalt  }
0x6b: {  	_ =	shalt  }
0x6c: {  	_ =	shalt  }
0x6d: {  	_ =	shalt  }
0x6e: {  	_ =	shalt  }
0x6f: {  	_ =	shalt  }
0x70: {  	_ =	shalt  }
0x71: {  	_ =	shalt  }
0x72: {  	_ =	shalt  }
0x73: {  	_ =	shalt  }
0x74: {  	_ =	shalt  }
0x75: {  	_ =	shalt  }
0x76: {  	_ =	shalt  }
0x77: {  	_ =	shalt  }
0x78: {  	_ =	shalt  }
0x79: {  	_ =	shalt  }
0x7a: {  	_ =	shalt  }
0x7b: {  	_ =	shalt  }
0x7c: {  	_ =	shalt  }
0x7d: {  	_ =	shalt  }
0x7e: {  	_ =	shalt  }
0x7f: {  	_ =	shalt  }
0x80: {  	_ =	shalt  }
0x81: {  	_ =	shalt  }
0x82: {  	_ =	shalt  }
0x83: {  	_ =	shalt  }
0x84: {  	_ =	shalt  }
0x85: {  	_ =	shalt  }
0x86: {  	_ =	shalt  }
0x87: {  	_ =	shalt  }
.Lfunc_end0:
.L_simem_size_0:
called_computation.1_lowered:
.L_overlay_start_0:
0x88: {  	s2 =	sld [smem:$0x3FD9]  }
0x89: {  	s3 =	sld [smem:$0x3FFE];
	_ =	sdelay $0x1  }
0x8a: {  	s1 =	srdreg.scid  }
0x8b: {  	s0 =	sand.u32 $0x1, s1  }
0x8c: {  	s16 =	sshll.u32 s0, $0xA;
	s2 =	sadd.s32 s3, s2  }
0x8d: {  	s2 =	sadd.s32 s2, s16  }
0x8e: {  	[smem:$0x3FC7] =	sst s2  }
0x8f: {  	_ = 	snop  }
0x90: {  	(tm) =	ssettm $0x1  }
0x91: {  	s17 =	sld [smem:$0x3FFB];
	_ =	sdelay $0x3  }
0x92: {  	_ =	strace s17  }
0x93: {  	s2 =	sld [smem:$0x3FFC];
	_ =	sdelay $0x3  }
0x94: {  	_ =	strace s2  }
0x95: {  	s2 =	sld [smem:$0x3FFD];
	_ =	sdelay $0x3  }
0x96: {  	_ =	strace s2  }
0x97: {  	_ =	strace $0x8FFFFFFF  }
0x98: {  	s18 =	sld [smem:$0x3FDB];
	_ =	sdelay $0x1  }
0x99: {  	s19 =	simm.s32 $_scs_section_size  }
0x9a: {  	s4 =	simm.s32 $_size__tile_overlayer_lowered;
	s5 =	simm.s32 $_tile_overlayer_lowered  }
0x9b: {  	s22 =	simm.s32 $0x1BFF;
	s21 =	sshll.u32 s5, $0x1;
	s2 =	sadd.s32 s19, s18  }
0x9c: {  	s6 =	simm.s32 $0x0;
	s20 =	sshll.u32 s4, $0x1;
	s4 =	sadd.s32 s21, s2  }
0x9d: {  	[timem:s6], [sflag:s22] =	dma.local [hbm:s4], s20  }
0x9e: {  	_ =	swait.ge [sflag:s22], s20  }
0x9f: {  	s3 =	ssub.s32 $0x0, s20;
	[sflag:s22] =	ssyncset.done $0x0  }
0xa0: {  	[sflag:s22] =	ssyncadd.s32 s3;
	_ =	sdelay $0x1  }
0xa1: {  	s23 =	simm.s32 $0x1B8B  }
0xa2: {  	_ =	swait.ge [sflag:s23], $0x1  }
0xa3: {  	[sflag:s23] =	ssyncset.done $0x0  }
0xa4: {  	s25 =	simm.s32 $0x1B8E;
	s24 =	sld [smem:$0x3FFE];
	[sflag:s23] =	ssyncadd.s32 $0xFFFFFFFF  }
0xa5: {  	s26 =	simm.s32 $execute0_lowered;
	[smem:$0x3FD2] =	sst s25  }
0xa6: {  	s4 =	sshll.u32 s26, $0x1;
	_ =	strace $0x80000046;
	[dreg:$0x1] =	wrdreg $0xFFFFFFFF  }
0xa7: {  	s28 =	simm.s32 $_size_execute0_lowered;
	s2 =	sadd.s32 s2, s4;
	[dreg:$0x0] =	wrdreg $0x0  }
0xa8: {  	s4 =	sshll.u32 s28, $0x1;
	[dreg:$0x2] =	wrdreg s2  }
0xa9: {  	[dreg:$0x3] =	wrdreg s4  }
0xaa: {  	[dreg:$0x4] =	wrdreg $0xC0  }
0xab: {  	_ =	task [dreg:s6], $0x5FFFF  }
0xac: {  	[dreg:$0x1] =	wrdreg $0xFFFFFFFF  }
0xad: {  	[dreg:$0x0] =	wrdreg $0x60  }
0xae: {  	[dreg:$0x2] =	wrdreg s24  }
0xaf: {  	[dreg:$0x3] =	wrdreg $0x9  }
0xb0: {  	_ =	task.clear_ibuf [dreg:s6], $0x4FFFF;
	_ =	strace $0x90000046  }
0xb1: {  	s29 =	simm.s32 $0x9;
	_ =	strace $0x80000048  }
0xb2: {  	_ =	swait.ge [sflag:s29], $0x1  }
0xb3: {  	[sflag:s29] =	ssyncadd.s32 $0xFFFFFFFF  }
0xb4: {  	_ =	strace $0x90000048  }
0xb5: {  	_ =	sfence  }
0xb6: {  	s30 =	sld [smem:$0x0];
	_ =	sdelay $0x2  }
0xb7: {  	s31 =	sshll.u32 s1, $0xD;
	s1 =	sshrl.u32 s1, $0x2  }
0xb8: {  	s3 =	sand.u32 $0x4000, s31;
	s1 =	sadd.s32 s1, s30  }
0xb9: {  	s0 =	sor.u32 s3, s0;
	s1 =	sshll.u32 s1, $0x11  }
0xba: {  	s0 =	sor.u32 s1, s0  }
0xbb: {  	s0 =	sadd.s32 $0x8F2B, s0  }
0xbc: {  	[sflag:s0] =	ssyncadd.remote.s32 $0x1  }
0xbd: {  	_ =	sfence.sel $0xFFFF  }
0xbe: {  	[dreg:$0x0] =	wrdreg $0xFFFFFFFF;
	(pc) =	sbr.abs _section_cstart, $3  }
0xbf: {  	[dreg:$0x1] =	wrdreg $0xFFFFFFFF  }
0xc0: {  	_ =	task.clear_ibuf [dreg:s6], $0x2FFFF;
	_ =	strace $0x9FFFFFFF  }
0xc1: {  	(tm) =	ssettm $0x7FFFFFFF  }
tec
execute0_lowered:
.L_overlay_start_1:
0x0: {  	(tag) =	ssettag $0x1  }
0x1: {  	s4 =	rddreg [dreg:$0x0]  }
0x2: {  	s0 =	rddreg [dreg:$0x1]  }
0x3: {  	s3 =	srdreg.scid;
	s1 =	stileid.u32  }
0x4: {  	s2 =	simm.s32 $0x0;
	s9 =	simm.s32 $0x2000;
	s10 =	simm.s32 $0xE000  }
0x5: {  	s11 =	simm.s32 $0x8000;
	s12 =	simm.s32 $0x1;
	s13 =	simm.s32 $0x10000  }
0x6: {  	s14 =	simm.s32 $0x2;
	s15 =	simm.s32 $0x18000;
	s16 =	simm.s32 $0x3  }
0x7: {  	s17 =	simm.s32 $0x4;
	s3 =	sand.u32 $0x1, s3;
	s5 =	sshll.u32 s1, $0x1  }
.Ltmp0:
0x8: {  	s18 =	simm.s32 $0x0;
	s5 =	sor.u32 s3, s5;
	(pc) =	sbr.rel .LBB2_1-.Ltmp0, $4  }
0x9: {  	[smem:$0x7FF] =	sst s2;
	s6 =	ssub.s32 $0x2, s3;
	s7 =	smul.u32 $0x54000, s5  }
0xa: {  	_ =	strace $0x80000047;
	s3 =	sadd.s32 $0x800, s4;
	s8 =	sshrl.u32 s6, $0x1  }
0xb: {  	s4 =	sadd.s32 $0xA80800, s4;
	s8 =	ssub.s32 s6, s8;
	s6 =	sadd.s32 s3, s7  }
0xc: {  	s5 =	smul.u32 $0x30, s5;
	s8 =	smax.u32 s8, $0x1;
	s7 =	sadd.s32 $0x400, s6  }
.LBB2_8:
0xd: {  	s18 =	sadd.s32 $0x1, s18  }
0xe: {  	_ =	swait.ge [sflag:s16], $0x8000;
	p0 =	sne.s32 s18, s8  }
.Ltmp1:
0xf: {  	[sflag:s16] =	ssyncset.done $0x0;
	(pc) =	sbr.rel @!p0 .LBB2_9-.Ltmp1, $4  }
0x10: {  	[sflag:s16] =	ssyncadd.s32 $0xFFFF8000  }
0x11: {  	_ =	swait.ge [sflag:s17], $0x8000  }
0x12: {  	[sflag:s17] =	ssyncset.done $0x0  }
0x13: {  	[sflag:s17] =	ssyncadd.s32 $0xFFFF8000  }
.LBB2_1:
0x14: {  	[tilespmem:s2], [sflag:$0x1] =	stream.strided.gather [hbm4b:s6+s9], $0x8000, s10, s9, $0x38;
	v63 =	vld [tilespmem:$0x0]  }
0x15: {  	s19 =	simm.s32 $0x0  }
0x16: {  	[tilespmem:s11], [sflag:$0x2] =	stream.strided.gather [hbm4b:s7+s9], $0x8000, s10, s9, $0x38;
	v63 =	vld [tilespmem:$0x0]  }
.LBB2_2:
0x17: {  	_ =	swait.ge [sflag:s12], $0x8000  }
0x18: {  	p0 =	seq.s32 s19, $0x0;
	[sflag:s12] =	ssyncset.done $0x0  }
0x19: {  	s20 =	simm.s32 @!p0 $0x3;
	[sflag:s12] =	ssyncadd.s32 $0xFFFF8000  }
0x1a: {  	s21 =	simm.s32 $0x0;
	_ =	swait.ge @!p0 [sflag:s20], $0x8000  }
0x1b: {  	s22 =	sand.u32 $0x1800, s21;
	s21 =	sand.u32 $0x380, s21;
	[sflag:s20] =	ssyncset.done @!p0 $0x0  }
0x1c: {  	s21 =	sor.u32 s21, s22;
	[sflag:s20] =	ssyncadd.s32 @!p0 $0xFFFF8000  }
0x1d: {  	v0 =	vld [tilespmem:s21+$0x450]  }
0x1e: {  	v1 =	vld [tilespmem:s21+$0x2450]  }
0x1f: {  	v2 =	vld [tilespmem:s21+$0x4450]  }
0x20: {  	v3 =	vld [tilespmem:s21+$0x6450]  }
0x21: {  	v6 =	vld [tilespmem:s21+$0x4000]  }
0x22: {  	v7 =	vld [tilespmem:s21+$0x6000]  }
0x23: {  	v4 =	vld [tilespmem:s21+$0x0]  }
0x24: {  	v5 =	vld [tilespmem:s21+$0x2000]  }
0x25: {  	v8 =	vld [tilespmem:s21+$0x10];
	v9 =	vmax.f32 v0, v1;
	v10 =	vmax.f32 v2, v3  }
0x26: {  	v12 =	vld [tilespmem:s21+$0x6010];
	v9 =	vmax.f32 v9, v10  }
0x27: {  	v14 =	vmax.f32 v6, v7;
	v10 =	vld [tilespmem:s21+$0x4010];
	vm7 =	veq.f32 v0, v9  }
0x28: {  	v11 =	vld [tilespmem:s21+$0x2010];
	vm0 =	veq.f32 v3, v9;
	vm8 =	veq.f32 v1, v9;
	v0 =	vnsel vm7, $0x0, v0  }
0x29: {  	vm9 =	veq.f32 v2, v9;
	v1 =	vnsel vm8, $0x0, v1;
	[tilespmem:s21+$0x10450] =	vst v0;
	v0 =	vmax.f32 v4, v5  }
0x2a: {  	v13 =	vld [tilespmem:s21+$0x20];
	v3 =	vnsel vm0, $0x0, v3;
	[tilespmem:s21+$0x12450] =	vst v1;
	v1 =	vnsel vm9, $0x0, v2;
	v0 =	vmax.f32 v0, v14  }
0x2b: {  	v15 =	vld [tilespmem:s21+$0x4020];
	[tilespmem:s21+$0x16450] =	vst v3;
	vm10 =	veq.f32 v4, v0;
	vm11 =	veq.f32 v5, v0;
	vm12 =	veq.f32 v6, v0  }
0x2c: {  	v3 =	vld [tilespmem:s21+$0x2020];
	[tilespmem:s21+$0x14450] =	vst v1;
	vm13 =	veq.f32 v7, v0;
	v0 =	vmax.f32 v10, v12;
	v1 =	vnsel vm11, $0x0, v5  }
0x2d: {  	v2 =	vld [tilespmem:s21+$0x6020];
	v4 =	vnsel vm10, $0x0, v4;
	[tilespmem:s21+$0x12000] =	vst v1;
	v1 =	vnsel vm12, $0x0, v6;
	v6 =	vmax.f32 v8, v11  }
0x2e: {  	v5 =	vld [tilespmem:s21+$0x2030];
	[tilespmem:s21+$0x10000] =	vst v4;
	v0 =	vmax.f32 v6, v0  }
0x2f: {  	v4 =	vld [tilespmem:s21+$0x30];
	[tilespmem:s21+$0x14000] =	vst v1;
	v1 =	vnsel vm13, $0x0, v7;
	vm14 =	veq.f32 v8, v0  }
0x30: {  	v6 =	vld [tilespmem:s21+$0x4030];
	[tilespmem:s21+$0x16000] =	vst v1;
	vm15 =	veq.f32 v11, v0;
	v1 =	vnsel vm14, $0x0, v8  }
0x31: {  	v7 =	vld [tilespmem:s21+$0x6030];
	vm4 =	veq.f32 v10, v0;
	vm5 =	veq.f32 v12, v0;
	[tilespmem:s21+$0x10010] =	vst v1;
	v1 =	vnsel vm15, $0x0, v11  }
0x32: {  	v9 =	vld [tilespmem:s21+$0x2040];
	v0 =	vmax.f32 v15, v2;
	[tilespmem:s21+$0x12010] =	vst v1;
	v1 =	vnsel vm4, $0x0, v10;
	v10 =	vmax.f32 v13, v3  }
0x33: {  	v8 =	vld [tilespmem:s21+$0x40];
	v0 =	vmax.f32 v10, v0  }
0x34: {  	v11 =	vld [tilespmem:s21+$0x6040];
	[tilespmem:s21+$0x14010] =	vst v1;
	v1 =	vnsel vm5, $0x0, v12;
	vm6 =	veq.f32 v13, v0;
	vm7 =	veq.f32 v3, v0  }
0x35: {  	v10 =	vld [tilespmem:s21+$0x4040];
	[tilespmem:s21+$0x16010] =	vst v1;
	vm8 =	veq.f32 v15, v0;
	vm9 =	veq.f32 v2, v0;
	v1 =	vnsel vm6, $0x0, v13  }
0x36: {  	v12 =	vld [tilespmem:s21+$0x2050];
	v0 =	vmax.f32 v6, v7;
	v13 =	vmax.f32 v4, v5;
	[tilespmem:s21+$0x10020] =	vst v1;
	v1 =	vnsel vm7, $0x0, v3  }
0x37: {  	v3 =	vld [tilespmem:s21+$0x50];
	v0 =	vmax.f32 v13, v0;
	[tilespmem:s21+$0x12020] =	vst v1;
	v1 =	vnsel vm8, $0x0, v15  }
0x38: {  	v13 =	vmax.f32 v8, v9;
	vm10 =	veq.f32 v4, v0;
	[tilespmem:s21+$0x14020] =	vst v1;
	v1 =	vnsel vm9, $0x0, v2;
	v2 =	vld [tilespmem:s21+$0x4050]  }
0x39: {  	vm11 =	veq.f32 v5, v0;
	vm12 =	veq.f32 v6, v0;
	[tilespmem:s21+$0x16020] =	vst v1;
	v1 =	vnsel vm10, $0x0, v4;
	v4 =	vld [tilespmem:s21+$0x6050]  }
0x3a: {  	vm13 =	veq.f32 v7, v0;
	v0 =	vmax.f32 v10, v11;
	[tilespmem:s21+$0x10030] =	vst v1;
	v1 =	vnsel vm11, $0x0, v5;
	v5 =	vld [tilespmem:s21+$0x60]  }
0x3b: {  	v0 =	vmax.f32 v13, v0;
	[tilespmem:s21+$0x12030] =	vst v1;
	v1 =	vnsel vm12, $0x0, v6;
	v6 =	vld [tilespmem:s21+$0x2060]  }
0x3c: {  	vm14 =	veq.f32 v8, v0;
	vm15 =	veq.f32 v9, v0;
	[tilespmem:s21+$0x14030] =	vst v1;
	v1 =	vnsel vm13, $0x0, v7;
	v7 =	vld [tilespmem:s21+$0x4060]  }
0x3d: {  	vm4 =	veq.f32 v10, v0;
	vm5 =	veq.f32 v11, v0;
	[tilespmem:s21+$0x16030] =	vst v1;
	v1 =	vnsel vm14, $0x0, v8;
	v8 =	vld [tilespmem:s21+$0x6060]  }
0x3e: {  	v13 =	vmax.f32 v3, v12;
	[tilespmem:s21+$0x10040] =	vst v1;
	v1 =	vnsel vm15, $0x0, v9;
	v0 =	vmax.f32 v2, v4  }
0x3f: {  	v9 =	vld [tilespmem:s21+$0x70];
	[tilespmem:s21+$0x12040] =	vst v1;
	v1 =	vnsel vm4, $0x0, v10;
	v0 =	vmax.f32 v13, v0  }
0x40: {  	v10 =	vld [tilespmem:s21+$0x2070];
	[tilespmem:s21+$0x14040] =	vst v1;
	v1 =	vnsel vm5, $0x0, v11;
	vm6 =	veq.f32 v3, v0;
	vm7 =	veq.f32 v12, v0  }
0x41: {  	v11 =	vld [tilespmem:s21+$0x4070];
	vm8 =	veq.f32 v2, v0;
	v13 =	vmax.f32 v5, v6;
	[tilespmem:s21+$0x16040] =	vst v1;
	v1 =	vnsel vm6, $0x0, v3  }
0x42: {  	vm9 =	veq.f32 v4, v0;
	v3 =	vld [tilespmem:s21+$0x6070];
	[tilespmem:s21+$0x10050] =	vst v1;
	v1 =	vnsel vm7, $0x0, v12;
	v0 =	vmax.f32 v7, v8  }
0x43: {  	v12 =	vld [tilespmem:s21+$0x400];
	[tilespmem:s21+$0x12050] =	vst v1;
	v1 =	vnsel vm8, $0x0, v2;
	v0 =	vmax.f32 v13, v0  }
0x44: {  	v2 =	vld [tilespmem:s21+$0x2400];
	[tilespmem:s21+$0x14050] =	vst v1;
	v1 =	vnsel vm9, $0x0, v4;
	vm10 =	veq.f32 v5, v0  }
0x45: {  	v4 =	vld [tilespmem:s21+$0x4400];
	vm11 =	veq.f32 v6, v0;
	[tilespmem:s21+$0x16050] =	vst v1;
	v1 =	vnsel vm10, $0x0, v5  }
0x46: {  	vm12 =	veq.f32 v7, v0;
	vm13 =	veq.f32 v8, v0;
	v5 =	vld [tilespmem:s21+$0x6400];
	[tilespmem:s21+$0x10060] =	vst v1;
	v1 =	vnsel vm11, $0x0, v6  }
0x47: {  	v0 =	vmax.f32 v11, v3;
	[tilespmem:s21+$0x12060] =	vst v1;
	v1 =	vnsel vm12, $0x0, v7;
	v7 =	vmax.f32 v9, v10  }
0x48: {  	v13 =	vld [tilespmem:s21+$0x2410];
	v0 =	vmax.f32 v7, v0  }
0x49: {  	v6 =	vld [tilespmem:s21+$0x410];
	[tilespmem:s21+$0x14060] =	vst v1;
	v1 =	vnsel vm13, $0x0, v8;
	v7 =	vmax.f32 v12, v2;
	vm14 =	veq.f32 v9, v0  }
0x4a: {  	v8 =	vld [tilespmem:s21+$0x4410];
	[tilespmem:s21+$0x16060] =	vst v1;
	vm15 =	veq.f32 v10, v0;
	vm4 =	veq.f32 v11, v0;
	v1 =	vnsel vm14, $0x0, v9  }
0x4b: {  	vm5 =	veq.f32 v3, v0;
	v9 =	vld [tilespmem:s21+$0x6410];
	v0 =	vmax.f32 v4, v5;
	[tilespmem:s21+$0x10070] =	vst v1;
	v1 =	vnsel vm15, $0x0, v10  }
0x4c: {  	v0 =	vmax.f32 v7, v0;
	[tilespmem:s21+$0x12070] =	vst v1;
	v1 =	vnsel vm4, $0x0, v11  }
0x4d: {  	vm6 =	veq.f32 v12, v0;
	[tilespmem:s21+$0x14070] =	vst v1;
	v1 =	vnsel vm5, $0x0, v3  }
0x4e: {  	v14 =	vld [tilespmem:s21+$0x4420];
	vm7 =	veq.f32 v2, v0;
	[tilespmem:s21+$0x16070] =	vst v1;
	v1 =	vnsel vm6, $0x0, v12  }
0x4f: {  	v10 =	vld [tilespmem:s21+$0x420];
	vm8 =	veq.f32 v4, v0;
	vm9 =	veq.f32 v5, v0;
	[tilespmem:s21+$0x10400] =	vst v1;
	v1 =	vnsel vm7, $0x0, v2  }
0x50: {  	v11 =	vld [tilespmem:s21+$0x2420];
	v0 =	vmax.f32 v8, v9;
	[tilespmem:s21+$0x12400] =	vst v1;
	v1 =	vnsel vm8, $0x0, v4;
	v4 =	vmax.f32 v6, v13  }
0x51: {  	v12 =	vld [tilespmem:s21+$0x6420];
	v0 =	vmax.f32 v4, v0  }
0x52: {  	v3 =	vld [tilespmem:s21+$0x430];
	[tilespmem:s21+$0x14400] =	vst v1;
	v1 =	vnsel vm9, $0x0, v5;
	vm10 =	veq.f32 v6, v0  }
0x53: {  	v2 =	vld [tilespmem:s21+$0x2430];
	[tilespmem:s21+$0x16400] =	vst v1;
	vm11 =	veq.f32 v13, v0;
	v1 =	vnsel vm10, $0x0, v6  }
0x54: {  	v7 =	vld [tilespmem:s21+$0x4430];
	vm12 =	veq.f32 v8, v0;
	[tilespmem:s21+$0x10410] =	vst v1;
	v1 =	vnsel vm11, $0x0, v13  }
0x55: {  	v6 =	vld [tilespmem:s21+$0x6430];
	[tilespmem:s21+$0x12410] =	vst v1;
	v1 =	vnsel vm12, $0x0, v8  }
0x56: {  	v4 =	vld [tilespmem:s21+$0x440];
	vm13 =	veq.f32 v9, v0;
	v0 =	vmax.f32 v10, v11;
	[tilespmem:s21+$0x14410] =	vst v1;
	v1 =	vmax.f32 v14, v12  }
0x57: {  	s30 =	simm.s32 $0x100;
	s23 =	simm.s32 $0x80;
	v5 =	vld [tilespmem:s21+$0x2440];
	v9 =	vnsel vm13, $0x0, v9;
	v1 =	vmax.f32 v0, v1  }
0x58: {  	s31 =	sand.u32 $0x380, s23;
	s20 =	sand.u32 $0x1800, s30;
	[tilespmem:s21+$0x16410] =	vst v9;
	v9 =	vld [tilespmem:s21+$0x6440];
	v13 =	vmax.f32 v3, v2;
	vm14 =	veq.f32 v10, v1  }
0x59: {  	s22 =	sor.u32 s31, s20;
	v8 =	vld [tilespmem:s21+$0x4440];
	vm15 =	veq.f32 v11, v1;
	vm1 =	veq.f32 v14, v1;
	v10 =	vnsel vm14, $0x0, v10  }
0x5a: {  	v0 =	vld [tilespmem:s22+$0x450];
	vm2 =	veq.f32 v12, v1;
	v15 =	vmax.f32 v7, v6;
	[tilespmem:s21+$0x10420] =	vst v10;
	v10 =	vnsel vm15, $0x0, v11  }
0x5b: {  	s24 =	simm.s32 $0x200;
	s20 =	sshll.u32 s19, $0x1;
	v12 =	vnsel vm2, $0x0, v12;
	v11 =	vnsel vm1, $0x0, v14;
	v1 =	vld [tilespmem:s22+$0x2450];
	[tilespmem:s21+$0x12420] =	vst v10;
	v10 =	vmax.f32 v13, v15  }
.LBB2_3:
0x5c: {  	p1 =	sne.s32 s24, $0x1F00;
	v13 =	vld [tilespmem:s22+$0x4450];
	[tilespmem:s21+$0x14420] =	vst v11;
	vm0 =	veq.f32 v3, v10;
	vm1 =	veq.f32 v2, v10;
	v11 =	vmax.f32 v4, v5  }
0x5d: {  	vm2 =	veq.f32 v6, v10;
	v14 =	vld [tilespmem:s22+$0x6450];
	[tilespmem:s21+$0x16420] =	vst v12;
	v3 =	vnsel vm0, $0x0, v3;
	vm0 =	veq.f32 v7, v10  }
0x5e: {  	v2 =	vnsel vm1, $0x0, v2;
	v10 =	vld [tilespmem:s22+$0x0];
	[tilespmem:s21+$0x10430] =	vst v3;
	v3 =	vnsel vm0, $0x0, v7;
	v7 =	vmax.f32 v8, v9  }
0x5f: {  	v12 =	vld [tilespmem:s22+$0x2000];
	[tilespmem:s21+$0x12430] =	vst v2;
	v2 =	vnsel vm2, $0x0, v6;
	v6 =	vmax.f32 v11, v7  }
0x60: {  	v7 =	vld [tilespmem:s22+$0x4000];
	[tilespmem:s21+$0x14430] =	vst v3;
	vm0 =	veq.f32 v4, v6;
	vm1 =	veq.f32 v5, v6;
	vm2 =	veq.f32 v8, v6  }
0x61: {  	v3 =	vld [tilespmem:s22+$0x6000];
	[tilespmem:s21+$0x16430] =	vst v2;
	v2 =	vnsel vm0, $0x0, v4;
	v4 =	vnsel vm1, $0x0, v5;
	vm0 =	veq.f32 v9, v6  }
0x62: {  	v6 =	vmax.f32 v0, v1;
	v5 =	vld [tilespmem:s22+$0x10];
	v11 =	vmax.f32 v13, v14;
	[tilespmem:s21+$0x10440] =	vst v2;
	v2 =	vnsel vm2, $0x0, v8  }
0x63: {  	v8 =	vld [tilespmem:s22+$0x2010];
	v6 =	vmax.f32 v6, v11;
	[tilespmem:s21+$0x12440] =	vst v4;
	v4 =	vnsel vm0, $0x0, v9  }
0x64: {  	v9 =	vmax.f32 v10, v12;
	v11 =	vld [tilespmem:s22+$0x4010];
	vm0 =	veq.f32 v0, v6;
	vm1 =	veq.f32 v14, v6;
	[tilespmem:s21+$0x14440] =	vst v2  }
0x65: {  	vm2 =	veq.f32 v1, v6;
	vm3 =	veq.f32 v13, v6;
	v2 =	vld [tilespmem:s22+$0x6010];
	v6 =	vnsel vm1, $0x0, v14;
	[tilespmem:s21+$0x16440] =	vst v4;
	s21 =	smov.u32 s22  }
0x66: {  	v0 =	vnsel vm0, $0x0, v0;
	v1 =	vnsel vm2, $0x0, v1;
	v4 =	vmax.f32 v7, v3;
	v14 =	vld [tilespmem:s21+$0x20];
	[tilespmem:s21+$0x16450] =	vst v6  }
0x67: {  	v4 =	vmax.f32 v9, v4;
	v6 =	vld [tilespmem:s21+$0x2020];
	[tilespmem:s21+$0x10450] =	vst v0;
	v0 =	vnsel vm3, $0x0, v13  }
0x68: {  	vm0 =	veq.f32 v10, v4;
	vm1 =	veq.f32 v12, v4;
	v9 =	vmax.f32 v5, v8;
	v13 =	vld [tilespmem:s21+$0x4020];
	[tilespmem:s21+$0x12450] =	vst v1  }
0x69: {  	vm2 =	veq.f32 v3, v4;
	v1 =	vnsel vm0, $0x0, v10;
	vm0 =	veq.f32 v7, v4;
	v4 =	vld [tilespmem:s21+$0x6020];
	[tilespmem:s21+$0x14450] =	vst v0  }
0x6a: {  	v0 =	vnsel vm1, $0x0, v12;
	[tilespmem:s21+$0x10000] =	vst v1;
	v1 =	vnsel vm0, $0x0, v7;
	v7 =	vmax.f32 v11, v2;
	v10 =	vld [tilespmem:s21+$0x30]  }
0x6b: {  	[tilespmem:s21+$0x12000] =	vst v0;
	v0 =	vnsel vm2, $0x0, v3;
	v3 =	vmax.f32 v9, v7;
	v7 =	vld [tilespmem:s21+$0x2030]  }
0x6c: {  	[tilespmem:s21+$0x14000] =	vst v1;
	vm0 =	veq.f32 v5, v3;
	vm1 =	veq.f32 v8, v3;
	v1 =	vmax.f32 v14, v6;
	v9 =	vld [tilespmem:s21+$0x4030]  }
0x6d: {  	vm2 =	veq.f32 v2, v3;
	[tilespmem:s21+$0x16000] =	vst v0;
	v0 =	vnsel vm0, $0x0, v5;
	vm0 =	veq.f32 v11, v3;
	v3 =	vld [tilespmem:s21+$0x6030]  }
0x6e: {  	[tilespmem:s21+$0x10010] =	vst v0;
	v0 =	vnsel vm1, $0x0, v8;
	v5 =	vnsel vm0, $0x0, v11;
	v8 =	vmax.f32 v13, v4;
	v11 =	vld [tilespmem:s21+$0x40]  }
0x6f: {  	[tilespmem:s21+$0x12010] =	vst v0;
	v0 =	vnsel vm2, $0x0, v2;
	v1 =	vmax.f32 v1, v8;
	v2 =	vld [tilespmem:s21+$0x2040]  }
0x70: {  	[tilespmem:s21+$0x14010] =	vst v5;
	vm0 =	veq.f32 v14, v1;
	vm1 =	veq.f32 v6, v1;
	v5 =	vmax.f32 v10, v7;
	v8 =	vld [tilespmem:s21+$0x4040]  }
0x71: {  	vm2 =	veq.f32 v4, v1;
	[tilespmem:s21+$0x16010] =	vst v0;
	v0 =	vnsel vm0, $0x0, v14;
	vm0 =	veq.f32 v13, v1;
	v1 =	vld [tilespmem:s21+$0x6040]  }
0x72: {  	[tilespmem:s21+$0x10020] =	vst v0;
	v0 =	vnsel vm1, $0x0, v6;
	v6 =	vnsel vm0, $0x0, v13;
	v12 =	vmax.f32 v9, v3;
	v13 =	vld [tilespmem:s21+$0x50]  }
0x73: {  	[tilespmem:s21+$0x12020] =	vst v0;
	v0 =	vnsel vm2, $0x0, v4;
	v4 =	vmax.f32 v5, v12;
	v5 =	vld [tilespmem:s21+$0x2050]  }
0x74: {  	[tilespmem:s21+$0x14020] =	vst v6;
	vm0 =	veq.f32 v10, v4;
	vm1 =	veq.f32 v7, v4;
	v6 =	vmax.f32 v11, v2;
	v12 =	vld [tilespmem:s21+$0x4050]  }
0x75: {  	vm2 =	veq.f32 v3, v4;
	[tilespmem:s21+$0x16020] =	vst v0;
	v0 =	vnsel vm0, $0x0, v10;
	vm0 =	veq.f32 v9, v4;
	v4 =	vld [tilespmem:s21+$0x6050]  }
0x76: {  	[tilespmem:s21+$0x10030] =	vst v0;
	v0 =	vnsel vm1, $0x0, v7;
	v7 =	vnsel vm0, $0x0, v9;
	v9 =	vmax.f32 v8, v1;
	v10 =	vld [tilespmem:s21+$0x60]  }
0x77: {  	[tilespmem:s21+$0x12030] =	vst v0;
	v0 =	vnsel vm2, $0x0, v3;
	v3 =	vmax.f32 v6, v9;
	v6 =	vld [tilespmem:s21+$0x2060]  }
0x78: {  	[tilespmem:s21+$0x14030] =	vst v7;
	vm0 =	veq.f32 v11, v3;
	vm1 =	veq.f32 v2, v3;
	v7 =	vmax.f32 v13, v5;
	v9 =	vld [tilespmem:s21+$0x4060]  }
0x79: {  	vm2 =	veq.f32 v1, v3;
	[tilespmem:s21+$0x16030] =	vst v0;
	v0 =	vnsel vm0, $0x0, v11;
	vm0 =	veq.f32 v8, v3;
	v3 =	vld [tilespmem:s21+$0x6060]  }
0x7a: {  	[tilespmem:s21+$0x10040] =	vst v0;
	v0 =	vnsel vm1, $0x0, v2;
	v2 =	vnsel vm0, $0x0, v8;
	v8 =	vmax.f32 v12, v4;
	v11 =	vld [tilespmem:s21+$0x70]  }
0x7b: {  	[tilespmem:s21+$0x12040] =	vst v0;
	v0 =	vnsel vm2, $0x0, v1;
	v1 =	vmax.f32 v7, v8;
	v7 =	vld [tilespmem:s21+$0x2070]  }
0x7c: {  	[tilespmem:s21+$0x14040] =	vst v2;
	vm0 =	veq.f32 v13, v1;
	vm1 =	veq.f32 v5, v1;
	v2 =	vmax.f32 v10, v6;
	v8 =	vld [tilespmem:s21+$0x4070]  }
0x7d: {  	vm2 =	veq.f32 v4, v1;
	[tilespmem:s21+$0x16040] =	vst v0;
	v0 =	vnsel vm0, $0x0, v13;
	vm0 =	veq.f32 v12, v1;
	v1 =	vld [tilespmem:s21+$0x6070]  }
0x7e: {  	[tilespmem:s21+$0x10050] =	vst v0;
	v0 =	vnsel vm1, $0x0, v5;
	v5 =	vnsel vm0, $0x0, v12;
	v12 =	vmax.f32 v9, v3;
	v13 =	vld [tilespmem:s21+$0x400]  }
0x7f: {  	[tilespmem:s21+$0x12050] =	vst v0;
	v0 =	vnsel vm2, $0x0, v4;
	v2 =	vmax.f32 v2, v12;
	v4 =	vld [tilespmem:s21+$0x2400]  }
0x80: {  	[tilespmem:s21+$0x14050] =	vst v5;
	vm0 =	veq.f32 v10, v2;
	vm1 =	veq.f32 v6, v2;
	v5 =	vmax.f32 v11, v7;
	v12 =	vld [tilespmem:s21+$0x4400]  }
0x81: {  	vm2 =	veq.f32 v3, v2;
	[tilespmem:s21+$0x16050] =	vst v0;
	v0 =	vnsel vm0, $0x0, v10;
	vm0 =	veq.f32 v9, v2;
	v2 =	vld [tilespmem:s21+$0x6400]  }
0x82: {  	[tilespmem:s21+$0x10060] =	vst v0;
	v0 =	vnsel vm1, $0x0, v6;
	v6 =	vnsel vm0, $0x0, v9;
	v9 =	vmax.f32 v8, v1;
	v10 =	vld [tilespmem:s21+$0x410]  }
0x83: {  	[tilespmem:s21+$0x12060] =	vst v0;
	v0 =	vnsel vm2, $0x0, v3;
	v3 =	vmax.f32 v5, v9;
	v5 =	vld [tilespmem:s21+$0x2410]  }
0x84: {  	[tilespmem:s21+$0x14060] =	vst v6;
	vm0 =	veq.f32 v11, v3;
	vm1 =	veq.f32 v7, v3;
	v6 =	vmax.f32 v13, v4;
	v9 =	vld [tilespmem:s21+$0x4410]  }
0x85: {  	vm2 =	veq.f32 v1, v3;
	[tilespmem:s21+$0x16060] =	vst v0;
	v0 =	vnsel vm0, $0x0, v11;
	vm0 =	veq.f32 v8, v3;
	v11 =	vld [tilespmem:s21+$0x6410]  }
0x86: {  	[tilespmem:s21+$0x10070] =	vst v0;
	v0 =	vnsel vm1, $0x0, v7;
	v3 =	vnsel vm0, $0x0, v8;
	v7 =	vmax.f32 v12, v2;
	v14 =	vld [tilespmem:s21+$0x420]  }
0x87: {  	[tilespmem:s21+$0x12070] =	vst v0;
	v0 =	vnsel vm2, $0x0, v1;
	v1 =	vmax.f32 v6, v7;
	v15 =	vld [tilespmem:s21+$0x2420]  }
0x88: {  	[tilespmem:s21+$0x14070] =	vst v3;
	vm0 =	veq.f32 v13, v1;
	vm1 =	veq.f32 v4, v1;
	v6 =	vmax.f32 v10, v5;
	v16 =	vld [tilespmem:s21+$0x4420]  }
0x89: {  	vm2 =	veq.f32 v2, v1;
	[tilespmem:s21+$0x16070] =	vst v0;
	v0 =	vnsel vm0, $0x0, v13;
	vm0 =	veq.f32 v12, v1;
	v13 =	vld [tilespmem:s21+$0x6420]  }
0x8a: {  	[tilespmem:s21+$0x10400] =	vst v0;
	v0 =	vnsel vm1, $0x0, v4;
	v1 =	vnsel vm0, $0x0, v12;
	v4 =	vmax.f32 v9, v11;
	v3 =	vld [tilespmem:s21+$0x430]  }
0x8b: {  	[tilespmem:s21+$0x12400] =	vst v0;
	v0 =	vnsel vm2, $0x0, v2;
	v4 =	vmax.f32 v6, v4;
	v2 =	vld [tilespmem:s21+$0x2430]  }
0x8c: {  	[tilespmem:s21+$0x14400] =	vst v1;
	vm0 =	veq.f32 v10, v4;
	vm1 =	veq.f32 v5, v4;
	v1 =	vmax.f32 v14, v15;
	v7 =	vld [tilespmem:s21+$0x4430]  }
0x8d: {  	vm2 =	veq.f32 v11, v4;
	[tilespmem:s21+$0x16400] =	vst v0;
	v0 =	vnsel vm0, $0x0, v10;
	vm0 =	veq.f32 v9, v4;
	v6 =	vld [tilespmem:s21+$0x6430]  }
0x8e: {  	[tilespmem:s21+$0x10410] =	vst v0;
	v0 =	vnsel vm1, $0x0, v5;
	v8 =	vnsel vm0, $0x0, v9;
	v5 =	vmax.f32 v16, v13;
	v4 =	vld [tilespmem:s21+$0x440]  }
.Ltmp2:
0x8f: {  	s23 =	sadd.s32 $0x80, s23;
	[tilespmem:s21+$0x12410] =	vst v0;
	v0 =	vnsel vm2, $0x0, v11;
	v1 =	vmax.f32 v1, v5;
	v5 =	vld [tilespmem:s21+$0x2440];
	(pc) =	sbr.rel @p1 .LBB2_3-.Ltmp2, $4  }
0x90: {  	s25 =	sand.u32 $0x380, s23;
	s22 =	sand.u32 $0x1800, s24;
	[tilespmem:s21+$0x14410] =	vst v8;
	vm0 =	veq.f32 v14, v1;
	vm1 =	veq.f32 v15, v1;
	v10 =	vmax.f32 v3, v2;
	v8 =	vld [tilespmem:s21+$0x4440]  }
0x91: {  	s22 =	sor.u32 s25, s22;
	vm2 =	veq.f32 v13, v1;
	[tilespmem:s21+$0x16410] =	vst v0;
	v11 =	vnsel vm0, $0x0, v14;
	vm0 =	veq.f32 v16, v1;
	v9 =	vld [tilespmem:s21+$0x6440]  }
0x92: {  	v12 =	vnsel vm1, $0x0, v15;
	v0 =	vld [tilespmem:s22+$0x450];
	[tilespmem:s21+$0x10420] =	vst v11;
	v11 =	vnsel vm0, $0x0, v16;
	v14 =	vmax.f32 v7, v6  }
0x93: {  	s24 =	sadd.s32 $0x100, s24;
	v1 =	vld [tilespmem:s22+$0x2450];
	[tilespmem:s21+$0x12420] =	vst v12;
	v12 =	vnsel vm2, $0x0, v13;
	v10 =	vmax.f32 v10, v14  }
0x94: {  	v13 =	vld [tilespmem:s22+$0x4450];
	[tilespmem:s21+$0x14420] =	vst v11;
	vm0 =	veq.f32 v3, v10  }
0x95: {  	vm15 =	veq.f32 v2, v10;
	v11 =	vld [tilespmem:s22+$0x6450];
	[tilespmem:s21+$0x16420] =	vst v12;
	v3 =	vnsel vm0, $0x0, v3  }
0x96: {  	vm4 =	veq.f32 v7, v10;
	v14 =	vmax.f32 v4, v5;
	v2 =	vnsel vm15, $0x0, v2;
	v12 =	vld [tilespmem:s22+$0x0];
	[tilespmem:s21+$0x10430] =	vst v3  }
0x97: {  	vm5 =	veq.f32 v6, v10;
	v10 =	vmax.f32 v8, v9;
	v3 =	vld [tilespmem:s22+$0x2000];
	[tilespmem:s21+$0x12430] =	vst v2;
	v2 =	vnsel vm4, $0x0, v7  }
0x98: {  	v7 =	vld [tilespmem:s22+$0x4000];
	[tilespmem:s21+$0x14430] =	vst v2;
	v2 =	vnsel vm5, $0x0, v6;
	v6 =	vmax.f32 v14, v10  }
0x99: {  	vm6 =	veq.f32 v4, v6  }
0x9a: {  	v10 =	vld [tilespmem:s22+$0x6000];
	[tilespmem:s21+$0x16430] =	vst v2;
	vm7 =	veq.f32 v5, v6;
	v2 =	vnsel vm6, $0x0, v4  }
0x9b: {  	vm8 =	veq.f32 v8, v6;
	vm9 =	veq.f32 v9, v6;
	v4 =	vld [tilespmem:s22+$0x10];
	[tilespmem:s21+$0x10440] =	vst v2;
	v2 =	vnsel vm7, $0x0, v5  }
0x9c: {  	v6 =	vmax.f32 v0, v1;
	v14 =	vmax.f32 v13, v11;
	v5 =	vld [tilespmem:s22+$0x2010];
	[tilespmem:s21+$0x12440] =	vst v2;
	v2 =	vnsel vm8, $0x0, v8  }
0x9d: {  	v8 =	vld [tilespmem:s22+$0x4010];
	[tilespmem:s21+$0x14440] =	vst v2;
	v2 =	vmax.f32 v6, v14  }
0x9e: {  	v6 =	vnsel vm9, $0x0, v9;
	vm11 =	veq.f32 v0, v2  }
0x9f: {  	v9 =	vld [tilespmem:s22+$0x6010];
	vm10 =	veq.f32 v11, v2;
	[tilespmem:s21+$0x16440] =	vst v6;
	vm12 =	veq.f32 v1, v2;
	v0 =	vnsel vm11, $0x0, v0  }
0xa0: {  	v14 =	vmax.f32 v7, v10;
	v6 =	vnsel vm10, $0x0, v11;
	v11 =	vld [tilespmem:s22+$0x20];
	[tilespmem:s22+$0x10450] =	vst v0;
	v0 =	vmax.f32 v12, v3  }
0xa1: {  	vm13 =	veq.f32 v13, v2;
	v1 =	vnsel vm12, $0x0, v1;
	[tilespmem:s22+$0x16450] =	vst v6;
	v6 =	vld [tilespmem:s22+$0x2020];
	v0 =	vmax.f32 v0, v14  }
0xa2: {  	v15 =	vld [tilespmem:s22+$0x4020];
	[tilespmem:s22+$0x12450] =	vst v1;
	v1 =	vnsel vm13, $0x0, v13;
	vm14 =	veq.f32 v12, v0;
	vm15 =	veq.f32 v3, v0  }
0xa3: {  	v2 =	vld [tilespmem:s22+$0x6020];
	[tilespmem:s22+$0x14450] =	vst v1;
	vm4 =	veq.f32 v7, v0;
	vm5 =	veq.f32 v10, v0;
	v12 =	vnsel vm14, $0x0, v12  }
0xa4: {  	v1 =	vnsel vm15, $0x0, v3;
	v3 =	vld [tilespmem:s22+$0x30];
	v0 =	vmax.f32 v8, v9;
	[tilespmem:s22+$0x10000] =	vst v12;
	v12 =	vmax.f32 v4, v5  }
0xa5: {  	[tilespmem:s22+$0x12000] =	vst v1;
	v1 =	vnsel vm4, $0x0, v7;
	v7 =	vld [tilespmem:s22+$0x2030];
	v0 =	vmax.f32 v12, v0  }
0xa6: {  	[tilespmem:s22+$0x14000] =	vst v1;
	v1 =	vnsel vm5, $0x0, v10;
	v10 =	vld [tilespmem:s22+$0x4030];
	v12 =	vmax.f32 v11, v6;
	vm6 =	veq.f32 v4, v0  }
0xa7: {  	[tilespmem:s22+$0x16000] =	vst v1;
	vm7 =	veq.f32 v5, v0;
	vm8 =	veq.f32 v8, v0;
	v1 =	vnsel vm6, $0x0, v4;
	v4 =	vld [tilespmem:s22+$0x6030]  }
0xa8: {  	vm9 =	veq.f32 v9, v0;
	v0 =	vmax.f32 v15, v2;
	[tilespmem:s22+$0x10010] =	vst v1;
	v1 =	vnsel vm7, $0x0, v5;
	v5 =	vld [tilespmem:s22+$0x40]  }
0xa9: {  	v0 =	vmax.f32 v12, v0;
	[tilespmem:s22+$0x12010] =	vst v1;
	v1 =	vnsel vm8, $0x0, v8;
	v8 =	vld [tilespmem:s22+$0x2040]  }
0xaa: {  	vm10 =	veq.f32 v11, v0;
	vm11 =	veq.f32 v6, v0;
	[tilespmem:s22+$0x14010] =	vst v1;
	v1 =	vnsel vm9, $0x0, v9;
	v9 =	vld [tilespmem:s22+$0x4040]  }
0xab: {  	vm12 =	veq.f32 v15, v0;
	vm13 =	veq.f32 v2, v0;
	[tilespmem:s22+$0x16010] =	vst v1;
	v1 =	vnsel vm10, $0x0, v11;
	v11 =	vld [tilespmem:s22+$0x6040]  }
0xac: {  	v12 =	vld [tilespmem:s22+$0x2050];
	v13 =	vmax.f32 v3, v7;
	[tilespmem:s22+$0x10020] =	vst v1;
	v1 =	vnsel vm11, $0x0, v6;
	v0 =	vmax.f32 v10, v4  }
0xad: {  	v6 =	vld [tilespmem:s22+$0x50];
	[tilespmem:s22+$0x12020] =	vst v1;
	v1 =	vnsel vm12, $0x0, v15;
	v0 =	vmax.f32 v13, v0  }
0xae: {  	[tilespmem:s22+$0x14020] =	vst v1;
	v1 =	vnsel vm13, $0x0, v2;
	v2 =	vld [tilespmem:s22+$0x4050];
	vm14 =	veq.f32 v3, v0;
	vm15 =	veq.f32 v7, v0  }
0xaf: {  	vm4 =	veq.f32 v10, v0;
	v13 =	vmax.f32 v5, v8;
	[tilespmem:s22+$0x16020] =	vst v1;
	v1 =	vnsel vm14, $0x0, v3;
	v3 =	vld [tilespmem:s22+$0x6050]  }
0xb0: {  	vm5 =	veq.f32 v4, v0;
	[tilespmem:s22+$0x10030] =	vst v1;
	v1 =	vnsel vm15, $0x0, v7;
	v7 =	vld [tilespmem:s22+$0x60];
	v0 =	vmax.f32 v9, v11  }
0xb1: {  	[tilespmem:s22+$0x12030] =	vst v1;
	v1 =	vnsel vm4, $0x0, v10;
	v10 =	vld [tilespmem:s22+$0x2060];
	v0 =	vmax.f32 v13, v0  }
0xb2: {  	v13 =	vmax.f32 v6, v12;
	[tilespmem:s22+$0x14030] =	vst v1;
	v1 =	vnsel vm5, $0x0, v4;
	v4 =	vld [tilespmem:s22+$0x4060];
	vm6 =	veq.f32 v5, v0  }
0xb3: {  	vm7 =	veq.f32 v8, v0;
	vm8 =	veq.f32 v9, v0;
	[tilespmem:s22+$0x16030] =	vst v1;
	v1 =	vnsel vm6, $0x0, v5;
	v5 =	vld [tilespmem:s22+$0x6060]  }
0xb4: {  	vm9 =	veq.f32 v11, v0;
	[tilespmem:s22+$0x10040] =	vst v1;
	v1 =	vnsel vm7, $0x0, v8;
	v8 =	vld [tilespmem:s22+$0x70];
	v0 =	vmax.f32 v2, v3  }
0xb5: {  	[tilespmem:s22+$0x12040] =	vst v1;
	v1 =	vnsel vm8, $0x0, v9;
	v9 =	vld [tilespmem:s22+$0x2070];
	v0 =	vmax.f32 v13, v0  }
0xb6: {  	[tilespmem:s22+$0x14040] =	vst v1;
	v1 =	vnsel vm9, $0x0, v11;
	v11 =	vld [tilespmem:s22+$0x4070];
	vm10 =	veq.f32 v6, v0;
	vm11 =	veq.f32 v12, v0  }
0xb7: {  	vm12 =	veq.f32 v2, v0;
	v13 =	vmax.f32 v7, v10;
	[tilespmem:s22+$0x16040] =	vst v1;
	v1 =	vnsel vm10, $0x0, v6;
	v6 =	vld [tilespmem:s22+$0x6070]  }
0xb8: {  	vm13 =	veq.f32 v3, v0;
	[tilespmem:s22+$0x10050] =	vst v1;
	v1 =	vnsel vm11, $0x0, v12;
	v12 =	vld [tilespmem:s22+$0x400];
	v0 =	vmax.f32 v4, v5  }
0xb9: {  	[tilespmem:s22+$0x12050] =	vst v1;
	v1 =	vnsel vm12, $0x0, v2;
	v2 =	vld [tilespmem:s22+$0x2400];
	v0 =	vmax.f32 v13, v0  }
0xba: {  	[tilespmem:s22+$0x14050] =	vst v1;
	v1 =	vnsel vm13, $0x0, v3;
	v3 =	vld [tilespmem:s22+$0x4400];
	vm14 =	veq.f32 v7, v0;
	vm15 =	veq.f32 v10, v0  }
0xbb: {  	vm4 =	veq.f32 v4, v0;
	v13 =	vmax.f32 v8, v9;
	[tilespmem:s22+$0x16050] =	vst v1;
	v1 =	vnsel vm14, $0x0, v7;
	v7 =	vld [tilespmem:s22+$0x6400]  }
0xbc: {  	vm5 =	veq.f32 v5, v0;
	[tilespmem:s22+$0x10060] =	vst v1;
	v1 =	vnsel vm15, $0x0, v10;
	v10 =	vld [tilespmem:s22+$0x410];
	v0 =	vmax.f32 v11, v6  }
0xbd: {  	[tilespmem:s22+$0x12060] =	vst v1;
	v1 =	vnsel vm4, $0x0, v4;
	v4 =	vld [tilespmem:s22+$0x2410];
	v0 =	vmax.f32 v13, v0  }
0xbe: {  	[tilespmem:s22+$0x14060] =	vst v1;
	v1 =	vnsel vm5, $0x0, v5;
	v5 =	vld [tilespmem:s22+$0x4410];
	vm6 =	veq.f32 v8, v0;
	vm7 =	veq.f32 v9, v0  }
0xbf: {  	vm8 =	veq.f32 v11, v0;
	v13 =	vmax.f32 v12, v2;
	[tilespmem:s22+$0x16060] =	vst v1;
	v1 =	vnsel vm6, $0x0, v8;
	v8 =	vld [tilespmem:s22+$0x6410]  }
0xc0: {  	vm9 =	veq.f32 v6, v0;
	[tilespmem:s22+$0x10070] =	vst v1;
	v1 =	vnsel vm7, $0x0, v9;
	v0 =	vmax.f32 v3, v7  }
0xc1: {  	v9 =	vld [tilespmem:s22+$0x420];
	[tilespmem:s22+$0x12070] =	vst v1;
	v1 =	vnsel vm8, $0x0, v11;
	v0 =	vmax.f32 v13, v0  }
0xc2: {  	v11 =	vld [tilespmem:s22+$0x2420];
	[tilespmem:s22+$0x14070] =	vst v1;
	v1 =	vnsel vm9, $0x0, v6;
	vm10 =	veq.f32 v12, v0;
	vm11 =	veq.f32 v2, v0  }
0xc3: {  	v6 =	vld [tilespmem:s22+$0x4420];
	vm12 =	veq.f32 v3, v0;
	v13 =	vmax.f32 v10, v4;
	[tilespmem:s22+$0x16070] =	vst v1;
	v1 =	vnsel vm10, $0x0, v12  }
0xc4: {  	vm13 =	veq.f32 v7, v0;
	v12 =	vld [tilespmem:s22+$0x6420];
	[tilespmem:s22+$0x10400] =	vst v1;
	v1 =	vnsel vm11, $0x0, v2;
	v0 =	vmax.f32 v5, v8  }
0xc5: {  	v2 =	vld [tilespmem:s22+$0x430];
	[tilespmem:s22+$0x12400] =	vst v1;
	v1 =	vnsel vm12, $0x0, v3;
	v0 =	vmax.f32 v13, v0  }
0xc6: {  	v3 =	vld [tilespmem:s22+$0x2430];
	[tilespmem:s22+$0x14400] =	vst v1;
	v1 =	vnsel vm13, $0x0, v7;
	vm14 =	veq.f32 v10, v0  }
0xc7: {  	v7 =	vld [tilespmem:s22+$0x4430];
	vm15 =	veq.f32 v4, v0;
	[tilespmem:s22+$0x16400] =	vst v1;
	v1 =	vnsel vm14, $0x0, v10  }
0xc8: {  	vm4 =	veq.f32 v5, v0;
	v13 =	vmax.f32 v9, v11;
	v10 =	vld [tilespmem:s22+$0x6430];
	[tilespmem:s22+$0x10410] =	vst v1;
	v1 =	vnsel vm15, $0x0, v4  }
0xc9: {  	vm5 =	veq.f32 v8, v0;
	v4 =	vld [tilespmem:s22+$0x440];
	v0 =	vmax.f32 v6, v12;
	[tilespmem:s22+$0x12410] =	vst v1;
	v1 =	vnsel vm4, $0x0, v5  }
0xca: {  	v5 =	vld [tilespmem:s22+$0x2440];
	v0 =	vmax.f32 v13, v0;
	[tilespmem:s22+$0x14410] =	vst v1;
	v1 =	vnsel vm5, $0x0, v8  }
0xcb: {  	v13 =	vld [tilespmem:s22+$0x6440];
	vm6 =	veq.f32 v9, v0;
	vm1 =	veq.f32 v11, v0;
	vm7 =	veq.f32 v6, v0  }
0xcc: {  	v8 =	vld [tilespmem:s22+$0x4440];
	vm8 =	veq.f32 v12, v0;
	[tilespmem:s22+$0x16410] =	vst v1;
	v1 =	vmax.f32 v2, v3;
	v9 =	vnsel vm6, $0x0, v9  }
0xcd: {  	v0 =	vnsel vm7, $0x0, v6;
	[tilespmem:s22+$0x10420] =	vst v9;
	v9 =	vnsel vm1, $0x0, v11;
	v11 =	vmax.f32 v7, v10  }
0xce: {  	v6 =	vnsel vm8, $0x0, v12;
	[tilespmem:s22+$0x14420] =	vst v0;
	v1 =	vmax.f32 v1, v11  }
0xcf: {  	s26 =	smulhi.u32 $0x92492493, s20;
	[tilespmem:s22+$0x16420] =	vst v6;
	vm9 =	veq.f32 v2, v1;
	vm10 =	veq.f32 v3, v1;
	v0 =	vmax.f32 v4, v5  }
0xd0: {  	[tilespmem:s22+$0x12420] =	vst v9;
	vm11 =	veq.f32 v7, v1;
	vm12 =	veq.f32 v10, v1;
	v2 =	vnsel vm9, $0x0, v2  }
0xd1: {  	s23 =	sshrl.u32 s26, $0x2;
	v1 =	vnsel vm11, $0x0, v7;
	[tilespmem:s22+$0x10430] =	vst v2;
	v2 =	vnsel vm10, $0x0, v3;
	v3 =	vmax.f32 v8, v13  }
0xd2: {  	s23 =	smul.u32 $0x7, s23;
	s21 =	sand.u32 $0x7FFFC, s26;
	[tilespmem:s22+$0x14430] =	vst v1;
	v0 =	vmax.f32 v0, v3  }
0xd3: {  	s21 =	sadd.s32 s5, s21;
	[tilespmem:s22+$0x12430] =	vst v2;
	v2 =	vnsel vm12, $0x0, v10;
	vm13 =	veq.f32 v4, v0  }
0xd4: {  	s23 =	ssub.s32 s20, s23;
	s21 =	smul.u32 $0xE000, s21;
	vm14 =	veq.f32 v5, v0;
	[tilespmem:s22+$0x16430] =	vst v2;
	v1 =	vnsel vm13, $0x0, v4  }
0xd5: {  	s23 =	sshll.u32 s23, $0xD;
	vm15 =	veq.f32 v8, v0;
	v2 =	vnsel vm14, $0x0, v5;
	[tilespmem:s22+$0x10440] =	vst v1  }
0xd6: {  	p1 =	seq.s32 s19, $0x29;
	s21 =	sadd.s32 s23, s21;
	vm4 =	veq.f32 v13, v0;
	v0 =	vnsel vm15, $0x0, v8;
	[tilespmem:s22+$0x12440] =	vst v2  }
0xd7: {  	s23 =	sadd.s32 @!p1 $0x2, s20;
	s21 =	sshrl.u32 s21, $0x3;
	v1 =	vnsel vm4, $0x0, v13;
	[tilespmem:s22+$0x14440] =	vst v0  }
0xd8: {  	s21 =	sadd.s32 s4, s21;
	[tilespmem:s22+$0x16440] =	vst v1;
	s22 =	smulhi.u32 @!p1 $0x92492493, s23  }
0xd9: {  	[hbm4b:s21+s9] =	stream.strided.scatter [tilespmem:s13], [sflag:$0x3], $0x8000, s10, s9, $0x38;
	v63 =	vld [tilespmem:$0x0]  }
0xda: {  	s21 =	sshrl.u32 @!p1 s22, $0x2  }
0xdb: {  	s22 =	sand.u32 @!p1 $0x7FFFC, s22;
	s21 =	smul.u32 @!p1 $0x7, s21  }
0xdc: {  	s22 =	sadd.s32 @!p1 s5, s22  }
0xdd: {  	s22 =	smul.u32 @!p1 $0xE000, s22;
	s21 =	ssub.s32 @!p1 s23, s21  }
0xde: {  	s21 =	sshll.u32 @!p1 s21, $0xD  }
0xdf: {  	s21 =	sadd.s32 @!p1 s21, s22  }
0xe0: {  	s24 =	simm.s32 @!p1 $0x0;
	s21 =	sshrl.u32 @!p1 s21, $0x3  }
0xe1: {  	s23 =	simm.s32 @!p1 $0xE000;
	s22 =	simm.s32 @!p1 $0x2000;
	s21 =	sadd.s32 @!p1 s3, s21  }
0xe2: {  	[tilespmem:s24], [sflag:$0x1] =	stream.strided.gather @!p1 [hbm4b:s21+s22], $0x8000, s23, s22, $0x38;
	v63 =	vld [tilespmem:$0x0]  }
0xe3: {  	_ =	swait.ge [sflag:s14], $0x8000  }
0xe4: {  	[sflag:s14] =	ssyncset.done $0x0  }
0xe5: {  	s21 =	simm.s32 @!p0 $0x4;
	[sflag:s14] =	ssyncadd.s32 $0xFFFF8000  }
0xe6: {  	s28 =	simm.s32 $0x0;
	_ =	swait.ge @!p0 [sflag:s21], $0x8000  }
0xe7: {  	s29 =	sand.u32 $0x1800, s28;
	s22 =	sand.u32 $0x380, s28;
	[sflag:s21] =	ssyncset.done @!p0 $0x0  }
0xe8: {  	s22 =	sor.u32 s22, s29;
	[sflag:s21] =	ssyncadd.s32 @!p0 $0xFFFF8000  }
0xe9: {  	v0 =	vld [tilespmem:s22+$0x8450]  }
0xea: {  	v1 =	vld [tilespmem:s22+$0xA450]  }
0xeb: {  	v2 =	vld [tilespmem:s22+$0xC450]  }
0xec: {  	v3 =	vld [tilespmem:s22+$0xE450]  }
0xed: {  	v6 =	vld [tilespmem:s22+$0xC000]  }
0xee: {  	v7 =	vld [tilespmem:s22+$0xE000]  }
0xef: {  	v4 =	vld [tilespmem:s22+$0x8000]  }
0xf0: {  	v5 =	vld [tilespmem:s22+$0xA000]  }
0xf1: {  	v8 =	vld [tilespmem:s22+$0x8010];
	v9 =	vmax.f32 v0, v1;
	v10 =	vmax.f32 v2, v3  }
0xf2: {  	v12 =	vld [tilespmem:s22+$0xE010];
	v9 =	vmax.f32 v9, v10  }
0xf3: {  	v14 =	vmax.f32 v6, v7;
	v10 =	vld [tilespmem:s22+$0xC010];
	vm6 =	veq.f32 v0, v9  }
0xf4: {  	v11 =	vld [tilespmem:s22+$0xA010];
	vm5 =	veq.f32 v3, v9;
	vm7 =	veq.f32 v1, v9;
	v0 =	vnsel vm6, $0x0, v0  }
0xf5: {  	vm8 =	veq.f32 v2, v9;
	v1 =	vnsel vm7, $0x0, v1;
	[tilespmem:s22+$0x18450] =	vst v0;
	v0 =	vmax.f32 v4, v5  }
0xf6: {  	v13 =	vld [tilespmem:s22+$0x8020];
	v3 =	vnsel vm5, $0x0, v3;
	[tilespmem:s22+$0x1A450] =	vst v1;
	v1 =	vnsel vm8, $0x0, v2;
	v0 =	vmax.f32 v0, v14  }
0xf7: {  	v15 =	vld [tilespmem:s22+$0xC020];
	[tilespmem:s22+$0x1E450] =	vst v3;
	vm9 =	veq.f32 v4, v0;
	vm10 =	veq.f32 v5, v0;
	vm11 =	veq.f32 v6, v0  }
0xf8: {  	v3 =	vld [tilespmem:s22+$0xA020];
	[tilespmem:s22+$0x1C450] =	vst v1;
	vm12 =	veq.f32 v7, v0;
	v0 =	vmax.f32 v10, v12;
	v1 =	vnsel vm10, $0x0, v5  }
0xf9: {  	v2 =	vld [tilespmem:s22+$0xE020];
	v4 =	vnsel vm9, $0x0, v4;
	[tilespmem:s22+$0x1A000] =	vst v1;
	v1 =	vnsel vm11, $0x0, v6;
	v6 =	vmax.f32 v8, v11  }
0xfa: {  	v5 =	vld [tilespmem:s22+$0xA030];
	[tilespmem:s22+$0x18000] =	vst v4;
	v0 =	vmax.f32 v6, v0  }
0xfb: {  	v4 =	vld [tilespmem:s22+$0x8030];
	[tilespmem:s22+$0x1C000] =	vst v1;
	v1 =	vnsel vm12, $0x0, v7;
	vm13 =	veq.f32 v8, v0  }
0xfc: {  	v6 =	vld [tilespmem:s22+$0xC030];
	[tilespmem:s22+$0x1E000] =	vst v1;
	vm14 =	veq.f32 v11, v0;
	v1 =	vnsel vm13, $0x0, v8  }
0xfd: {  	v7 =	vld [tilespmem:s22+$0xE030];
	vm15 =	veq.f32 v10, v0;
	vm4 =	veq.f32 v12, v0;
	[tilespmem:s22+$0x18010] =	vst v1;
	v1 =	vnsel vm14, $0x0, v11  }
0xfe: {  	v9 =	vld [tilespmem:s22+$0xA040];
	v0 =	vmax.f32 v15, v2;
	[tilespmem:s22+$0x1A010] =	vst v1;
	v1 =	vnsel vm15, $0x0, v10;
	v10 =	vmax.f32 v13, v3  }
0xff: {  	v8 =	vld [tilespmem:s22+$0x8040];
	v0 =	vmax.f32 v10, v0  }
0x100: {  	v11 =	vld [tilespmem:s22+$0xE040];
	[tilespmem:s22+$0x1C010] =	vst v1;
	v1 =	vnsel vm4, $0x0, v12;
	vm5 =	veq.f32 v13, v0;
	vm6 =	veq.f32 v3, v0  }
0x101: {  	v10 =	vld [tilespmem:s22+$0xC040];
	[tilespmem:s22+$0x1E010] =	vst v1;
	vm7 =	veq.f32 v15, v0;
	vm8 =	veq.f32 v2, v0;
	v1 =	vnsel vm5, $0x0, v13  }
0x102: {  	v12 =	vld [tilespmem:s22+$0xA050];
	v0 =	vmax.f32 v6, v7;
	v13 =	vmax.f32 v4, v5;
	[tilespmem:s22+$0x18020] =	vst v1;
	v1 =	vnsel vm6, $0x0, v3  }
0x103: {  	v3 =	vld [tilespmem:s22+$0x8050];
	v0 =	vmax.f32 v13, v0;
	[tilespmem:s22+$0x1A020] =	vst v1;
	v1 =	vnsel vm7, $0x0, v15  }
0x104: {  	v13 =	vmax.f32 v8, v9;
	vm9 =	veq.f32 v4, v0;
	[tilespmem:s22+$0x1C020] =	vst v1;
	v1 =	vnsel vm8, $0x0, v2;
	v2 =	vld [tilespmem:s22+$0xC050]  }
0x105: {  	vm10 =	veq.f32 v5, v0;
	vm11 =	veq.f32 v6, v0;
	[tilespmem:s22+$0x1E020] =	vst v1;
	v1 =	vnsel vm9, $0x0, v4;
	v4 =	vld [tilespmem:s22+$0xE050]  }
0x106: {  	vm12 =	veq.f32 v7, v0;
	v0 =	vmax.f32 v10, v11;
	[tilespmem:s22+$0x18030] =	vst v1;
	v1 =	vnsel vm10, $0x0, v5;
	v5 =	vld [tilespmem:s22+$0x8060]  }
0x107: {  	v0 =	vmax.f32 v13, v0;
	[tilespmem:s22+$0x1A030] =	vst v1;
	v1 =	vnsel vm11, $0x0, v6;
	v6 =	vld [tilespmem:s22+$0xA060]  }
0x108: {  	vm13 =	veq.f32 v8, v0;
	vm14 =	veq.f32 v9, v0;
	[tilespmem:s22+$0x1C030] =	vst v1;
	v1 =	vnsel vm12, $0x0, v7;
	v7 =	vld [tilespmem:s22+$0xC060]  }
0x109: {  	vm15 =	veq.f32 v10, v0;
	vm4 =	veq.f32 v11, v0;
	[tilespmem:s22+$0x1E030] =	vst v1;
	v1 =	vnsel vm13, $0x0, v8;
	v8 =	vld [tilespmem:s22+$0xE060]  }
0x10a: {  	v13 =	vmax.f32 v3, v12;
	[tilespmem:s22+$0x18040] =	vst v1;
	v1 =	vnsel vm14, $0x0, v9;
	v0 =	vmax.f32 v2, v4  }
0x10b: {  	v9 =	vld [tilespmem:s22+$0x8070];
	[tilespmem:s22+$0x1A040] =	vst v1;
	v1 =	vnsel vm15, $0x0, v10;
	v0 =	vmax.f32 v13, v0  }
0x10c: {  	v10 =	vld [tilespmem:s22+$0xA070];
	[tilespmem:s22+$0x1C040] =	vst v1;
	v1 =	vnsel vm4, $0x0, v11;
	vm5 =	veq.f32 v3, v0;
	vm6 =	veq.f32 v12, v0  }
0x10d: {  	v11 =	vld [tilespmem:s22+$0xC070];
	vm7 =	veq.f32 v2, v0;
	v13 =	vmax.f32 v5, v6;
	[tilespmem:s22+$0x1E040] =	vst v1;
	v1 =	vnsel vm5, $0x0, v3  }
0x10e: {  	vm8 =	veq.f32 v4, v0;
	v3 =	vld [tilespmem:s22+$0xE070];
	[tilespmem:s22+$0x18050] =	vst v1;
	v1 =	vnsel vm6, $0x0, v12;
	v0 =	vmax.f32 v7, v8  }
0x10f: {  	v12 =	vld [tilespmem:s22+$0x8400];
	[tilespmem:s22+$0x1A050] =	vst v1;
	v1 =	vnsel vm7, $0x0, v2;
	v0 =	vmax.f32 v13, v0  }
0x110: {  	v2 =	vld [tilespmem:s22+$0xA400];
	[tilespmem:s22+$0x1C050] =	vst v1;
	v1 =	vnsel vm8, $0x0, v4;
	vm9 =	veq.f32 v5, v0  }
0x111: {  	v4 =	vld [tilespmem:s22+$0xC400];
	vm10 =	veq.f32 v6, v0;
	[tilespmem:s22+$0x1E050] =	vst v1;
	v1 =	vnsel vm9, $0x0, v5  }
0x112: {  	vm11 =	veq.f32 v7, v0;
	vm12 =	veq.f32 v8, v0;
	v5 =	vld [tilespmem:s22+$0xE400];
	[tilespmem:s22+$0x18060] =	vst v1;
	v1 =	vnsel vm10, $0x0, v6  }
0x113: {  	v0 =	vmax.f32 v11, v3;
	[tilespmem:s22+$0x1A060] =	vst v1;
	v1 =	vnsel vm11, $0x0, v7;
	v7 =	vmax.f32 v9, v10  }
0x114: {  	v13 =	vld [tilespmem:s22+$0xA410];
	v0 =	vmax.f32 v7, v0  }
0x115: {  	v6 =	vld [tilespmem:s22+$0x8410];
	[tilespmem:s22+$0x1C060] =	vst v1;
	v1 =	vnsel vm12, $0x0, v8;
	v7 =	vmax.f32 v12, v2;
	vm13 =	veq.f32 v9, v0  }
0x116: {  	v8 =	vld [tilespmem:s22+$0xC410];
	[tilespmem:s22+$0x1E060] =	vst v1;
	vm14 =	veq.f32 v10, v0;
	vm15 =	veq.f32 v11, v0;
	v1 =	vnsel vm13, $0x0, v9  }
0x117: {  	vm4 =	veq.f32 v3, v0;
	v9 =	vld [tilespmem:s22+$0xE410];
	v0 =	vmax.f32 v4, v5;
	[tilespmem:s22+$0x18070] =	vst v1;
	v1 =	vnsel vm14, $0x0, v10  }
0x118: {  	v0 =	vmax.f32 v7, v0;
	[tilespmem:s22+$0x1A070] =	vst v1;
	v1 =	vnsel vm15, $0x0, v11  }
0x119: {  	vm5 =	veq.f32 v12, v0;
	[tilespmem:s22+$0x1C070] =	vst v1;
	v1 =	vnsel vm4, $0x0, v3  }
0x11a: {  	v14 =	vld [tilespmem:s22+$0xC420];
	vm6 =	veq.f32 v2, v0;
	[tilespmem:s22+$0x1E070] =	vst v1;
	v1 =	vnsel vm5, $0x0, v12  }
0x11b: {  	v10 =	vld [tilespmem:s22+$0x8420];
	vm7 =	veq.f32 v4, v0;
	vm8 =	veq.f32 v5, v0;
	[tilespmem:s22+$0x18400] =	vst v1;
	v1 =	vnsel vm6, $0x0, v2  }
0x11c: {  	v11 =	vld [tilespmem:s22+$0xA420];
	v0 =	vmax.f32 v8, v9;
	[tilespmem:s22+$0x1A400] =	vst v1;
	v1 =	vnsel vm7, $0x0, v4;
	v4 =	vmax.f32 v6, v13  }
0x11d: {  	v12 =	vld [tilespmem:s22+$0xE420];
	v0 =	vmax.f32 v4, v0  }
0x11e: {  	v3 =	vld [tilespmem:s22+$0x8430];
	[tilespmem:s22+$0x1C400] =	vst v1;
	v1 =	vnsel vm8, $0x0, v5;
	vm9 =	veq.f32 v6, v0  }
0x11f: {  	v2 =	vld [tilespmem:s22+$0xA430];
	[tilespmem:s22+$0x1E400] =	vst v1;
	vm10 =	veq.f32 v13, v0;
	v1 =	vnsel vm9, $0x0, v6  }
0x120: {  	v7 =	vld [tilespmem:s22+$0xC430];
	vm11 =	veq.f32 v8, v0;
	[tilespmem:s22+$0x18410] =	vst v1;
	v1 =	vnsel vm10, $0x0, v13  }
0x121: {  	v6 =	vld [tilespmem:s22+$0xE430];
	[tilespmem:s22+$0x1A410] =	vst v1;
	v1 =	vnsel vm11, $0x0, v8  }
0x122: {  	v4 =	vld [tilespmem:s22+$0x8440];
	vm12 =	veq.f32 v9, v0;
	v0 =	vmax.f32 v10, v11;
	[tilespmem:s22+$0x1C410] =	vst v1;
	v1 =	vmax.f32 v14, v12  }
0x123: {  	s30 =	simm.s32 $0x100;
	s24 =	simm.s32 $0x80;
	v5 =	vld [tilespmem:s22+$0xA440];
	v9 =	vnsel vm12, $0x0, v9;
	v1 =	vmax.f32 v0, v1  }
0x124: {  	s31 =	sand.u32 $0x380, s24;
	s21 =	sand.u32 $0x1800, s30;
	[tilespmem:s22+$0x1E410] =	vst v9;
	v9 =	vld [tilespmem:s22+$0xE440];
	v13 =	vmax.f32 v3, v2;
	vm13 =	veq.f32 v10, v1  }
0x125: {  	s23 =	sor.u32 s31, s21;
	v8 =	vld [tilespmem:s22+$0xC440];
	vm14 =	veq.f32 v11, v1;
	vm15 =	veq.f32 v14, v1;
	v10 =	vnsel vm13, $0x0, v10  }
0x126: {  	v0 =	vld [tilespmem:s23+$0x8450];
	vm2 =	veq.f32 v12, v1;
	v15 =	vmax.f32 v7, v6;
	[tilespmem:s22+$0x18420] =	vst v10;
	v10 =	vnsel vm14, $0x0, v11  }
0x127: {  	s25 =	simm.s32 $0x200;
	s21 =	sor.u32 $0x1, s20;
	v12 =	vnsel vm2, $0x0, v12;
	v11 =	vnsel vm15, $0x0, v14;
	v1 =	vld [tilespmem:s23+$0xA450];
	[tilespmem:s22+$0x1A420] =	vst v10;
	v10 =	vmax.f32 v13, v15  }
.LBB2_5:
0x128: {  	p0 =	sne.s32 s25, $0x1F00;
	v13 =	vld [tilespmem:s23+$0xC450];
	[tilespmem:s22+$0x1C420] =	vst v11;
	vm0 =	veq.f32 v3, v10;
	vm1 =	veq.f32 v2, v10;
	v11 =	vmax.f32 v4, v5  }
0x129: {  	vm2 =	veq.f32 v6, v10;
	v14 =	vld [tilespmem:s23+$0xE450];
	[tilespmem:s22+$0x1E420] =	vst v12;
	v3 =	vnsel vm0, $0x0, v3;
	vm0 =	veq.f32 v7, v10  }
0x12a: {  	v2 =	vnsel vm1, $0x0, v2;
	v10 =	vld [tilespmem:s23+$0x8000];
	[tilespmem:s22+$0x18430] =	vst v3;
	v3 =	vnsel vm0, $0x0, v7;
	v7 =	vmax.f32 v8, v9  }
0x12b: {  	v12 =	vld [tilespmem:s23+$0xA000];
	[tilespmem:s22+$0x1A430] =	vst v2;
	v2 =	vnsel vm2, $0x0, v6;
	v6 =	vmax.f32 v11, v7  }
0x12c: {  	v7 =	vld [tilespmem:s23+$0xC000];
	[tilespmem:s22+$0x1C430] =	vst v3;
	vm0 =	veq.f32 v4, v6;
	vm1 =	veq.f32 v5, v6;
	vm2 =	veq.f32 v8, v6  }
0x12d: {  	v3 =	vld [tilespmem:s23+$0xE000];
	[tilespmem:s22+$0x1E430] =	vst v2;
	v2 =	vnsel vm0, $0x0, v4;
	v4 =	vnsel vm1, $0x0, v5;
	vm0 =	veq.f32 v9, v6  }
0x12e: {  	v6 =	vmax.f32 v0, v1;
	v5 =	vld [tilespmem:s23+$0x8010];
	v11 =	vmax.f32 v13, v14;
	[tilespmem:s22+$0x18440] =	vst v2;
	v2 =	vnsel vm2, $0x0, v8  }
0x12f: {  	v8 =	vld [tilespmem:s23+$0xA010];
	v6 =	vmax.f32 v6, v11;
	[tilespmem:s22+$0x1A440] =	vst v4;
	v4 =	vnsel vm0, $0x0, v9  }
0x130: {  	v9 =	vmax.f32 v10, v12;
	v11 =	vld [tilespmem:s23+$0xC010];
	vm0 =	veq.f32 v0, v6;
	vm1 =	veq.f32 v14, v6;
	[tilespmem:s22+$0x1C440] =	vst v2  }
0x131: {  	vm2 =	veq.f32 v1, v6;
	vm3 =	veq.f32 v13, v6;
	v2 =	vld [tilespmem:s23+$0xE010];
	v6 =	vnsel vm1, $0x0, v14;
	[tilespmem:s22+$0x1E440] =	vst v4;
	s22 =	smov.u32 s23  }
0x132: {  	v0 =	vnsel vm0, $0x0, v0;
	v1 =	vnsel vm2, $0x0, v1;
	v4 =	vmax.f32 v7, v3;
	v14 =	vld [tilespmem:s22+$0x8020];
	[tilespmem:s22+$0x1E450] =	vst v6  }
0x133: {  	v4 =	vmax.f32 v9, v4;
	v6 =	vld [tilespmem:s22+$0xA020];
	[tilespmem:s22+$0x18450] =	vst v0;
	v0 =	vnsel vm3, $0x0, v13  }
0x134: {  	vm0 =	veq.f32 v10, v4;
	vm1 =	veq.f32 v12, v4;
	v9 =	vmax.f32 v5, v8;
	v13 =	vld [tilespmem:s22+$0xC020];
	[tilespmem:s22+$0x1A450] =	vst v1  }
0x135: {  	vm2 =	veq.f32 v3, v4;
	v1 =	vnsel vm0, $0x0, v10;
	vm0 =	veq.f32 v7, v4;
	v4 =	vld [tilespmem:s22+$0xE020];
	[tilespmem:s22+$0x1C450] =	vst v0  }
0x136: {  	v0 =	vnsel vm1, $0x0, v12;
	[tilespmem:s22+$0x18000] =	vst v1;
	v1 =	vnsel vm0, $0x0, v7;
	v7 =	vmax.f32 v11, v2;
	v10 =	vld [tilespmem:s22+$0x8030]  }
0x137: {  	[tilespmem:s22+$0x1A000] =	vst v0;
	v0 =	vnsel vm2, $0x0, v3;
	v3 =	vmax.f32 v9, v7;
	v7 =	vld [tilespmem:s22+$0xA030]  }
0x138: {  	[tilespmem:s22+$0x1C000] =	vst v1;
	vm0 =	veq.f32 v5, v3;
	vm1 =	veq.f32 v8, v3;
	v1 =	vmax.f32 v14, v6;
	v9 =	vld [tilespmem:s22+$0xC030]  }
0x139: {  	vm2 =	veq.f32 v2, v3;
	[tilespmem:s22+$0x1E000] =	vst v0;
	v0 =	vnsel vm0, $0x0, v5;
	vm0 =	veq.f32 v11, v3;
	v3 =	vld [tilespmem:s22+$0xE030]  }
0x13a: {  	[tilespmem:s22+$0x18010] =	vst v0;
	v0 =	vnsel vm1, $0x0, v8;
	v5 =	vnsel vm0, $0x0, v11;
	v8 =	vmax.f32 v13, v4;
	v11 =	vld [tilespmem:s22+$0x8040]  }
0x13b: {  	[tilespmem:s22+$0x1A010] =	vst v0;
	v0 =	vnsel vm2, $0x0, v2;
	v1 =	vmax.f32 v1, v8;
	v2 =	vld [tilespmem:s22+$0xA040]  }
0x13c: {  	[tilespmem:s22+$0x1C010] =	vst v5;
	vm0 =	veq.f32 v14, v1;
	vm1 =	veq.f32 v6, v1;
	v5 =	vmax.f32 v10, v7;
	v8 =	vld [tilespmem:s22+$0xC040]  }
0x13d: {  	vm2 =	veq.f32 v4, v1;
	[tilespmem:s22+$0x1E010] =	vst v0;
	v0 =	vnsel vm0, $0x0, v14;
	vm0 =	veq.f32 v13, v1;
	v1 =	vld [tilespmem:s22+$0xE040]  }
0x13e: {  	[tilespmem:s22+$0x18020] =	vst v0;
	v0 =	vnsel vm1, $0x0, v6;
	v6 =	vnsel vm0, $0x0, v13;
	v12 =	vmax.f32 v9, v3;
	v13 =	vld [tilespmem:s22+$0x8050]  }
0x13f: {  	[tilespmem:s22+$0x1A020] =	vst v0;
	v0 =	vnsel vm2, $0x0, v4;
	v4 =	vmax.f32 v5, v12;
	v5 =	vld [tilespmem:s22+$0xA050]  }
0x140: {  	[tilespmem:s22+$0x1C020] =	vst v6;
	vm0 =	veq.f32 v10, v4;
	vm1 =	veq.f32 v7, v4;
	v6 =	vmax.f32 v11, v2;
	v12 =	vld [tilespmem:s22+$0xC050]  }
0x141: {  	vm2 =	veq.f32 v3, v4;
	[tilespmem:s22+$0x1E020] =	vst v0;
	v0 =	vnsel vm0, $0x0, v10;
	vm0 =	veq.f32 v9, v4;
	v4 =	vld [tilespmem:s22+$0xE050]  }
0x142: {  	[tilespmem:s22+$0x18030] =	vst v0;
	v0 =	vnsel vm1, $0x0, v7;
	v7 =	vnsel vm0, $0x0, v9;
	v9 =	vmax.f32 v8, v1;
	v10 =	vld [tilespmem:s22+$0x8060]  }
0x143: {  	[tilespmem:s22+$0x1A030] =	vst v0;
	v0 =	vnsel vm2, $0x0, v3;
	v3 =	vmax.f32 v6, v9;
	v6 =	vld [tilespmem:s22+$0xA060]  }
0x144: {  	[tilespmem:s22+$0x1C030] =	vst v7;
	vm0 =	veq.f32 v11, v3;
	vm1 =	veq.f32 v2, v3;
	v7 =	vmax.f32 v13, v5;
	v9 =	vld [tilespmem:s22+$0xC060]  }
0x145: {  	vm2 =	veq.f32 v1, v3;
	[tilespmem:s22+$0x1E030] =	vst v0;
	v0 =	vnsel vm0, $0x0, v11;
	vm0 =	veq.f32 v8, v3;
	v3 =	vld [tilespmem:s22+$0xE060]  }
0x146: {  	[tilespmem:s22+$0x18040] =	vst v0;
	v0 =	vnsel vm1, $0x0, v2;
	v2 =	vnsel vm0, $0x0, v8;
	v8 =	vmax.f32 v12, v4;
	v11 =	vld [tilespmem:s22+$0x8070]  }
0x147: {  	[tilespmem:s22+$0x1A040] =	vst v0;
	v0 =	vnsel vm2, $0x0, v1;
	v1 =	vmax.f32 v7, v8;
	v7 =	vld [tilespmem:s22+$0xA070]  }
0x148: {  	[tilespmem:s22+$0x1C040] =	vst v2;
	vm0 =	veq.f32 v13, v1;
	vm1 =	veq.f32 v5, v1;
	v2 =	vmax.f32 v10, v6;
	v8 =	vld [tilespmem:s22+$0xC070]  }
0x149: {  	vm2 =	veq.f32 v4, v1;
	[tilespmem:s22+$0x1E040] =	vst v0;
	v0 =	vnsel vm0, $0x0, v13;
	vm0 =	veq.f32 v12, v1;
	v1 =	vld [tilespmem:s22+$0xE070]  }
0x14a: {  	[tilespmem:s22+$0x18050] =	vst v0;
	v0 =	vnsel vm1, $0x0, v5;
	v5 =	vnsel vm0, $0x0, v12;
	v12 =	vmax.f32 v9, v3;
	v13 =	vld [tilespmem:s22+$0x8400]  }
0x14b: {  	[tilespmem:s22+$0x1A050] =	vst v0;
	v0 =	vnsel vm2, $0x0, v4;
	v2 =	vmax.f32 v2, v12;
	v4 =	vld [tilespmem:s22+$0xA400]  }
0x14c: {  	[tilespmem:s22+$0x1C050] =	vst v5;
	vm0 =	veq.f32 v10, v2;
	vm1 =	veq.f32 v6, v2;
	v5 =	vmax.f32 v11, v7;
	v12 =	vld [tilespmem:s22+$0xC400]  }
0x14d: {  	vm2 =	veq.f32 v3, v2;
	[tilespmem:s22+$0x1E050] =	vst v0;
	v0 =	vnsel vm0, $0x0, v10;
	vm0 =	veq.f32 v9, v2;
	v2 =	vld [tilespmem:s22+$0xE400]  }
0x14e: {  	[tilespmem:s22+$0x18060] =	vst v0;
	v0 =	vnsel vm1, $0x0, v6;
	v6 =	vnsel vm0, $0x0, v9;
	v9 =	vmax.f32 v8, v1;
	v10 =	vld [tilespmem:s22+$0x8410]  }
0x14f: {  	[tilespmem:s22+$0x1A060] =	vst v0;
	v0 =	vnsel vm2, $0x0, v3;
	v3 =	vmax.f32 v5, v9;
	v5 =	vld [tilespmem:s22+$0xA410]  }
0x150: {  	[tilespmem:s22+$0x1C060] =	vst v6;
	vm0 =	veq.f32 v11, v3;
	vm1 =	veq.f32 v7, v3;
	v6 =	vmax.f32 v13, v4;
	v9 =	vld [tilespmem:s22+$0xC410]  }
0x151: {  	vm2 =	veq.f32 v1, v3;
	[tilespmem:s22+$0x1E060] =	vst v0;
	v0 =	vnsel vm0, $0x0, v11;
	vm0 =	veq.f32 v8, v3;
	v11 =	vld [tilespmem:s22+$0xE410]  }
0x152: {  	[tilespmem:s22+$0x18070] =	vst v0;
	v0 =	vnsel vm1, $0x0, v7;
	v3 =	vnsel vm0, $0x0, v8;
	v7 =	vmax.f32 v12, v2;
	v14 =	vld [tilespmem:s22+$0x8420]  }
0x153: {  	[tilespmem:s22+$0x1A070] =	vst v0;
	v0 =	vnsel vm2, $0x0, v1;
	v1 =	vmax.f32 v6, v7;
	v15 =	vld [tilespmem:s22+$0xA420]  }
0x154: {  	[tilespmem:s22+$0x1C070] =	vst v3;
	vm0 =	veq.f32 v13, v1;
	vm1 =	veq.f32 v4, v1;
	v6 =	vmax.f32 v10, v5;
	v16 =	vld [tilespmem:s22+$0xC420]  }
0x155: {  	vm2 =	veq.f32 v2, v1;
	[tilespmem:s22+$0x1E070] =	vst v0;
	v0 =	vnsel vm0, $0x0, v13;
	vm0 =	veq.f32 v12, v1;
	v13 =	vld [tilespmem:s22+$0xE420]  }
0x156: {  	[tilespmem:s22+$0x18400] =	vst v0;
	v0 =	vnsel vm1, $0x0, v4;
	v1 =	vnsel vm0, $0x0, v12;
	v4 =	vmax.f32 v9, v11;
	v3 =	vld [tilespmem:s22+$0x8430]  }
0x157: {  	[tilespmem:s22+$0x1A400] =	vst v0;
	v0 =	vnsel vm2, $0x0, v2;
	v4 =	vmax.f32 v6, v4;
	v2 =	vld [tilespmem:s22+$0xA430]  }
0x158: {  	[tilespmem:s22+$0x1C400] =	vst v1;
	vm0 =	veq.f32 v10, v4;
	vm1 =	veq.f32 v5, v4;
	v1 =	vmax.f32 v14, v15;
	v7 =	vld [tilespmem:s22+$0xC430]  }
0x159: {  	vm2 =	veq.f32 v11, v4;
	[tilespmem:s22+$0x1E400] =	vst v0;
	v0 =	vnsel vm0, $0x0, v10;
	vm0 =	veq.f32 v9, v4;
	v6 =	vld [tilespmem:s22+$0xE430]  }
0x15a: {  	[tilespmem:s22+$0x18410] =	vst v0;
	v0 =	vnsel vm1, $0x0, v5;
	v8 =	vnsel vm0, $0x0, v9;
	v5 =	vmax.f32 v16, v13;
	v4 =	vld [tilespmem:s22+$0x8440]  }
.Ltmp3:
0x15b: {  	s24 =	sadd.s32 $0x80, s24;
	[tilespmem:s22+$0x1A410] =	vst v0;
	v0 =	vnsel vm2, $0x0, v11;
	v1 =	vmax.f32 v1, v5;
	v5 =	vld [tilespmem:s22+$0xA440];
	(pc) =	sbr.rel @p0 .LBB2_5-.Ltmp3, $4  }
0x15c: {  	s26 =	sand.u32 $0x380, s24;
	s23 =	sand.u32 $0x1800, s25;
	[tilespmem:s22+$0x1C410] =	vst v8;
	vm0 =	veq.f32 v14, v1;
	vm1 =	veq.f32 v15, v1;
	v10 =	vmax.f32 v3, v2;
	v8 =	vld [tilespmem:s22+$0xC440]  }
0x15d: {  	s23 =	sor.u32 s26, s23;
	vm2 =	veq.f32 v13, v1;
	[tilespmem:s22+$0x1E410] =	vst v0;
	v11 =	vnsel vm0, $0x0, v14;
	vm0 =	veq.f32 v16, v1;
	v9 =	vld [tilespmem:s22+$0xE440]  }
0x15e: {  	v12 =	vnsel vm1, $0x0, v15;
	v0 =	vld [tilespmem:s23+$0x8450];
	[tilespmem:s22+$0x18420] =	vst v11;
	v11 =	vnsel vm0, $0x0, v16;
	v14 =	vmax.f32 v7, v6  }
0x15f: {  	s25 =	sadd.s32 $0x100, s25;
	v1 =	vld [tilespmem:s23+$0xA450];
	[tilespmem:s22+$0x1A420] =	vst v12;
	v12 =	vnsel vm2, $0x0, v13;
	v10 =	vmax.f32 v10, v14  }
0x160: {  	v13 =	vld [tilespmem:s23+$0xC450];
	[tilespmem:s22+$0x1C420] =	vst v11;
	vm0 =	veq.f32 v3, v10  }
0x161: {  	vm14 =	veq.f32 v2, v10;
	vm15 =	veq.f32 v7, v10;
	v11 =	vld [tilespmem:s23+$0xE450];
	[tilespmem:s22+$0x1E420] =	vst v12;
	v3 =	vnsel vm0, $0x0, v3  }
0x162: {  	v14 =	vmax.f32 v4, v5;
	v2 =	vnsel vm14, $0x0, v2;
	v12 =	vld [tilespmem:s23+$0x8000];
	[tilespmem:s22+$0x18430] =	vst v3;
	v23 =	vmax.f32 v8, v9  }
0x163: {  	vm4 =	veq.f32 v6, v10;
	v21 =	vnsel vm15, $0x0, v7;
	v3 =	vld [tilespmem:s23+$0xA000];
	[tilespmem:s22+$0x1A430] =	vst v2;
	v25 =	vmax.f32 v14, v23  }
0x164: {  	v24 =	vnsel vm4, $0x0, v6;
	v22 =	vld [tilespmem:s23+$0xC000];
	[tilespmem:s22+$0x1C430] =	vst v21;
	vm5 =	veq.f32 v4, v25  }
0x165: {  	vm6 =	veq.f32 v5, v25;
	vm7 =	veq.f32 v8, v25;
	v26 =	vld [tilespmem:s23+$0xE000];
	[tilespmem:s22+$0x1E430] =	vst v24;
	v27 =	vnsel vm5, $0x0, v4  }
0x166: {  	v33 =	vmax.f32 v0, v1;
	v29 =	vnsel vm6, $0x0, v5;
	v28 =	vld [tilespmem:s23+$0x8010];
	[tilespmem:s22+$0x18440] =	vst v27;
	v34 =	vmax.f32 v13, v11  }
0x167: {  	vm8 =	veq.f32 v9, v25;
	v31 =	vnsel vm7, $0x0, v8;
	v30 =	vld [tilespmem:s23+$0xA010];
	[tilespmem:s22+$0x1A440] =	vst v29;
	v35 =	vmax.f32 v33, v34  }
0x168: {  	v36 =	vnsel vm8, $0x0, v9;
	v32 =	vld [tilespmem:s23+$0xC010];
	[tilespmem:s22+$0x1C440] =	vst v31;
	vm9 =	veq.f32 v11, v35  }
0x169: {  	vm10 =	veq.f32 v0, v35;
	vm11 =	veq.f32 v1, v35;
	v37 =	vld [tilespmem:s23+$0xE010];
	[tilespmem:s22+$0x1E440] =	vst v36;
	v38 =	vnsel vm9, $0x0, v11  }
0x16a: {  	v41 =	vmax.f32 v12, v3;
	v0 =	vnsel vm10, $0x0, v0;
	v39 =	vld [tilespmem:s23+$0x8020];
	[tilespmem:s23+$0x1E450] =	vst v38;
	v42 =	vmax.f32 v22, v26  }
0x16b: {  	vm12 =	veq.f32 v13, v35;
	v1 =	vnsel vm11, $0x0, v1;
	v40 =	vld [tilespmem:s23+$0xA020];
	[tilespmem:s23+$0x18450] =	vst v0;
	v0 =	vmax.f32 v41, v42  }
0x16c: {  	v43 =	vnsel vm12, $0x0, v13;
	v15 =	vld [tilespmem:s23+$0xC020];
	[tilespmem:s23+$0x1A450] =	vst v1;
	vm13 =	veq.f32 v12, v0  }
0x16d: {  	v44 =	vld [tilespmem:s23+$0xE020];
	[tilespmem:s23+$0x1C450] =	vst v43;
	vm14 =	veq.f32 v3, v0;
	vm15 =	veq.f32 v22, v0;
	v12 =	vnsel vm13, $0x0, v12  }
0x16e: {  	v46 =	vld [tilespmem:s23+$0x8030];
	v49 =	vmax.f32 v28, v30;
	v45 =	vnsel vm14, $0x0, v3;
	[tilespmem:s23+$0x18000] =	vst v12;
	v50 =	vmax.f32 v32, v37  }
0x16f: {  	v48 =	vld [tilespmem:s23+$0xA030];
	vm4 =	veq.f32 v26, v0;
	v47 =	vnsel vm15, $0x0, v22;
	[tilespmem:s23+$0x1A000] =	vst v45;
	v0 =	vmax.f32 v49, v50  }
0x170: {  	v52 =	vld [tilespmem:s23+$0xC030];
	v51 =	vnsel vm4, $0x0, v26;
	[tilespmem:s23+$0x1C000] =	vst v47;
	vm5 =	veq.f32 v28, v0  }
0x171: {  	v54 =	vld [tilespmem:s23+$0xE030];
	[tilespmem:s23+$0x1E000] =	vst v51;
	v59 =	vmax.f32 v39, v40;
	vm6 =	veq.f32 v30, v0;
	v53 =	vnsel vm5, $0x0, v28  }
0x172: {  	v56 =	vld [tilespmem:s23+$0x8040];
	v60 =	vmax.f32 v15, v44;
	vm7 =	veq.f32 v32, v0;
	v55 =	vnsel vm6, $0x0, v30;
	[tilespmem:s23+$0x18010] =	vst v53  }
0x173: {  	v62 =	vld [tilespmem:s23+$0xC040];
	vm8 =	veq.f32 v37, v0;
	v0 =	vmax.f32 v59, v60;
	v57 =	vnsel vm7, $0x0, v32;
	[tilespmem:s23+$0x1A010] =	vst v55  }
0x174: {  	v17 =	vld [tilespmem:s23+$0xE040];
	v61 =	vnsel vm8, $0x0, v37;
	vm9 =	veq.f32 v39, v0;
	[tilespmem:s23+$0x1C010] =	vst v57  }
0x175: {  	v58 =	vld [tilespmem:s23+$0xA040];
	v22 =	vmax.f32 v46, v48;
	vm10 =	veq.f32 v40, v0;
	[tilespmem:s23+$0x1E010] =	vst v61;
	v16 =	vnsel vm9, $0x0, v39  }
0x176: {  	v19 =	vld [tilespmem:s23+$0x8050];
	v23 =	vmax.f32 v52, v54;
	vm11 =	veq.f32 v15, v0;
	v18 =	vnsel vm10, $0x0, v40;
	[tilespmem:s23+$0x18020] =	vst v16  }
0x177: {  	v21 =	vld [tilespmem:s23+$0xA050];
	vm12 =	veq.f32 v44, v0;
	v0 =	vmax.f32 v22, v23;
	v20 =	vnsel vm11, $0x0, v15;
	[tilespmem:s23+$0x1A020] =	vst v18  }
0x178: {  	v25 =	vld [tilespmem:s23+$0xC050];
	v24 =	vnsel vm12, $0x0, v44;
	vm13 =	veq.f32 v46, v0;
	[tilespmem:s23+$0x1C020] =	vst v20  }
0x179: {  	v27 =	vld [tilespmem:s23+$0xE050];
	v33 =	vmax.f32 v62, v17;
	vm14 =	veq.f32 v48, v0;
	[tilespmem:s23+$0x1E020] =	vst v24;
	v26 =	vnsel vm13, $0x0, v46  }
0x17a: {  	v29 =	vld [tilespmem:s23+$0x8060];
	v32 =	vmax.f32 v56, v58;
	vm15 =	veq.f32 v52, v0;
	v28 =	vnsel vm14, $0x0, v48;
	[tilespmem:s23+$0x18030] =	vst v26  }
0x17b: {  	v31 =	vld [tilespmem:s23+$0xA060];
	vm4 =	veq.f32 v54, v0;
	v0 =	vmax.f32 v32, v33;
	v30 =	vnsel vm15, $0x0, v52;
	[tilespmem:s23+$0x1A030] =	vst v28  }
0x17c: {  	v35 =	vld [tilespmem:s23+$0xC060];
	v34 =	vnsel vm4, $0x0, v54;
	vm5 =	veq.f32 v56, v0;
	[tilespmem:s23+$0x1C030] =	vst v30  }
0x17d: {  	v42 =	vmax.f32 v19, v21;
	v37 =	vld [tilespmem:s23+$0xE060];
	vm6 =	veq.f32 v58, v0;
	[tilespmem:s23+$0x1E030] =	vst v34;
	v36 =	vnsel vm5, $0x0, v56  }
0x17e: {  	v41 =	vld [tilespmem:s23+$0xA070];
	v43 =	vmax.f32 v25, v27;
	vm7 =	veq.f32 v62, v0;
	v38 =	vnsel vm6, $0x0, v58;
	[tilespmem:s23+$0x18040] =	vst v36  }
0x17f: {  	v45 =	vld [tilespmem:s23+$0xC070];
	vm8 =	veq.f32 v17, v0;
	v0 =	vmax.f32 v42, v43;
	v40 =	vnsel vm7, $0x0, v62;
	[tilespmem:s23+$0x1A040] =	vst v38  }
0x180: {  	v47 =	vld [tilespmem:s23+$0xE070];
	v44 =	vnsel vm8, $0x0, v17;
	vm9 =	veq.f32 v19, v0;
	[tilespmem:s23+$0x1C040] =	vst v40  }
0x181: {  	v39 =	vld [tilespmem:s23+$0x8070];
	v52 =	vmax.f32 v29, v31;
	vm10 =	veq.f32 v21, v0;
	[tilespmem:s23+$0x1E040] =	vst v44;
	v46 =	vnsel vm9, $0x0, v19  }
0x182: {  	v51 =	vld [tilespmem:s23+$0xA400];
	vm11 =	veq.f32 v25, v0;
	v48 =	vnsel vm10, $0x0, v21;
	[tilespmem:s23+$0x18050] =	vst v46;
	v53 =	vmax.f32 v35, v37  }
0x183: {  	v49 =	vld [tilespmem:s23+$0x8400];
	vm12 =	veq.f32 v27, v0;
	v50 =	vnsel vm11, $0x0, v25;
	[tilespmem:s23+$0x1A050] =	vst v48;
	v0 =	vmax.f32 v52, v53  }
0x184: {  	v55 =	vld [tilespmem:s23+$0xC400];
	v54 =	vnsel vm12, $0x0, v27;
	[tilespmem:s23+$0x1C050] =	vst v50;
	vm13 =	veq.f32 v29, v0  }
0x185: {  	v57 =	vld [tilespmem:s23+$0xE400];
	v15 =	vmax.f32 v45, v47;
	[tilespmem:s23+$0x1E050] =	vst v54;
	vm14 =	veq.f32 v31, v0;
	v56 =	vnsel vm13, $0x0, v29  }
0x186: {  	v59 =	vld [tilespmem:s23+$0x8410];
	v62 =	vmax.f32 v39, v41;
	vm15 =	veq.f32 v35, v0;
	v58 =	vnsel vm14, $0x0, v31;
	[tilespmem:s23+$0x18060] =	vst v56  }
0x187: {  	v61 =	vld [tilespmem:s23+$0xA410];
	vm4 =	veq.f32 v37, v0;
	v0 =	vmax.f32 v62, v15;
	v60 =	vnsel vm15, $0x0, v35;
	[tilespmem:s23+$0x1A060] =	vst v58  }
0x188: {  	v17 =	vld [tilespmem:s23+$0xC410];
	v16 =	vnsel vm4, $0x0, v37;
	vm5 =	veq.f32 v39, v0;
	[tilespmem:s23+$0x1C060] =	vst v60  }
0x189: {  	v24 =	vmax.f32 v49, v51;
	v19 =	vld [tilespmem:s23+$0xE410];
	vm6 =	veq.f32 v41, v0;
	[tilespmem:s23+$0x1E060] =	vst v16;
	v18 =	vnsel vm5, $0x0, v39  }
0x18a: {  	v23 =	vld [tilespmem:s23+$0xA420];
	v25 =	vmax.f32 v55, v57;
	vm7 =	veq.f32 v45, v0;
	v20 =	vnsel vm6, $0x0, v41;
	[tilespmem:s23+$0x18070] =	vst v18  }
0x18b: {  	v21 =	vld [tilespmem:s23+$0x8420];
	vm8 =	veq.f32 v47, v0;
	v0 =	vmax.f32 v24, v25;
	v22 =	vnsel vm7, $0x0, v45;
	[tilespmem:s23+$0x1A070] =	vst v20  }
0x18c: {  	v27 =	vld [tilespmem:s23+$0xC420];
	v26 =	vnsel vm8, $0x0, v47;
	vm9 =	veq.f32 v49, v0;
	[tilespmem:s23+$0x1C070] =	vst v22  }
0x18d: {  	v34 =	vmax.f32 v59, v61;
	v29 =	vld [tilespmem:s23+$0xE420];
	vm10 =	veq.f32 v51, v0;
	[tilespmem:s23+$0x1E070] =	vst v26;
	v28 =	vnsel vm9, $0x0, v49  }
0x18e: {  	v33 =	vld [tilespmem:s23+$0xA430];
	vm11 =	veq.f32 v55, v0;
	v35 =	vmax.f32 v17, v19;
	v30 =	vnsel vm10, $0x0, v51;
	[tilespmem:s23+$0x18400] =	vst v28  }
0x18f: {  	v31 =	vld [tilespmem:s23+$0x8430];
	vm12 =	veq.f32 v57, v0;
	v32 =	vnsel vm11, $0x0, v55;
	v0 =	vmax.f32 v34, v35;
	[tilespmem:s23+$0x1A400] =	vst v30  }
0x190: {  	v37 =	vld [tilespmem:s23+$0xC430];
	v36 =	vnsel vm12, $0x0, v57;
	[tilespmem:s23+$0x1C400] =	vst v32;
	vm13 =	veq.f32 v59, v0  }
0x191: {  	v39 =	vld [tilespmem:s23+$0xE430];
	v44 =	vmax.f32 v21, v23;
	[tilespmem:s23+$0x1E400] =	vst v36;
	vm14 =	veq.f32 v61, v0;
	v38 =	vnsel vm13, $0x0, v59  }
0x192: {  	v43 =	vld [tilespmem:s23+$0xA440];
	vm15 =	veq.f32 v17, v0;
	v40 =	vnsel vm14, $0x0, v61;
	[tilespmem:s23+$0x18410] =	vst v38;
	v45 =	vmax.f32 v27, v29  }
0x193: {  	v41 =	vld [tilespmem:s23+$0x8440];
	vm4 =	veq.f32 v19, v0;
	v42 =	vnsel vm15, $0x0, v17;
	[tilespmem:s23+$0x1A410] =	vst v40;
	v0 =	vmax.f32 v44, v45  }
0x194: {  	v47 =	vld [tilespmem:s23+$0xC440];
	v46 =	vnsel vm4, $0x0, v19;
	[tilespmem:s23+$0x1C410] =	vst v42;
	vm5 =	veq.f32 v21, v0  }
0x195: {  	v49 =	vld [tilespmem:s23+$0xE440];
	[tilespmem:s23+$0x1E410] =	vst v46;
	v48 =	vmax.f32 v31, v33;
	vm1 =	veq.f32 v23, v0;
	v9 =	vnsel vm5, $0x0, v21  }
0x196: {  	v51 =	vmax.f32 v37, v39;
	vm6 =	veq.f32 v27, v0;
	v50 =	vnsel vm1, $0x0, v23;
	[tilespmem:s23+$0x18420] =	vst v9  }
0x197: {  	vm7 =	veq.f32 v29, v0;
	v1 =	vmax.f32 v48, v51;
	v52 =	vnsel vm6, $0x0, v27;
	[tilespmem:s23+$0x1A420] =	vst v50  }
0x198: {  	s30 =	smulhi.u32 $0x92492493, s21;
	v53 =	vnsel vm7, $0x0, v29;
	vm8 =	veq.f32 v31, v1;
	[tilespmem:s23+$0x1C420] =	vst v52  }
0x199: {  	v54 =	vmax.f32 v41, v43;
	vm9 =	veq.f32 v33, v1;
	[tilespmem:s23+$0x1E420] =	vst v53;
	v2 =	vnsel vm8, $0x0, v31  }
0x19a: {  	s24 =	sshrl.u32 s30, $0x2;
	v56 =	vmax.f32 v47, v49;
	vm10 =	veq.f32 v37, v1;
	v55 =	vnsel vm9, $0x0, v33;
	[tilespmem:s23+$0x18430] =	vst v2  }
0x19b: {  	s24 =	smul.u32 $0x7, s24;
	s22 =	sand.u32 $0x7FFFC, s30;
	vm11 =	veq.f32 v39, v1;
	v0 =	vmax.f32 v54, v56;
	v57 =	vnsel vm10, $0x0, v37;
	[tilespmem:s23+$0x1A430] =	vst v55  }
0x19c: {  	s22 =	sadd.s32 s5, s22;
	v58 =	vnsel vm11, $0x0, v39;
	vm12 =	veq.f32 v41, v0;
	[tilespmem:s23+$0x1C430] =	vst v57  }
0x19d: {  	s31 =	ssub.s32 s21, s24;
	s22 =	smul.u32 $0xE000, s22;
	vm13 =	veq.f32 v43, v0;
	[tilespmem:s23+$0x1E430] =	vst v58;
	v59 =	vnsel vm12, $0x0, v41  }
.Ltmp4:
0x19e: {  	s21 =	sshll.u32 s31, $0xD;
	vm14 =	veq.f32 v47, v0;
	v60 =	vnsel vm13, $0x0, v43;
	[tilespmem:s23+$0x18440] =	vst v59;
	(pc) =	sbr.rel @p1 .LBB2_8-.Ltmp4, $4  }
0x19f: {  	s21 =	sadd.s32 s21, s22;
	vm15 =	veq.f32 v49, v0;
	v61 =	vnsel vm14, $0x0, v47;
	[tilespmem:s23+$0x1A440] =	vst v60  }
0x1a0: {  	s21 =	sshrl.u32 s21, $0x3;
	v62 =	vnsel vm15, $0x0, v49;
	[tilespmem:s23+$0x1C440] =	vst v61  }
0x1a1: {  	s21 =	sadd.s32 s4, s21;
	[tilespmem:s23+$0x1E440] =	vst v62  }
0x1a2: {  	[hbm4b:s21+s9] =	stream.strided.scatter [tilespmem:s15], [sflag:$0x4], $0x8000, s10, s9, $0x38;
	v63 =	vld [tilespmem:$0x0]  }
0x1a3: {  	s20 =	sadd.s32 $0x3, s20  }
0x1a4: {  	s21 =	smulhi.u32 $0x92492493, s20;
	_ =	sdelay $0x1  }
0x1a5: {  	s22 =	sshrl.u32 s21, $0x2  }
0x1a6: {  	s21 =	sand.u32 $0x7FFFC, s21;
	s22 =	smul.u32 $0x7, s22  }
0x1a7: {  	s21 =	sadd.s32 s5, s21  }
0x1a8: {  	s21 =	smul.u32 $0xE000, s21;
	s20 =	ssub.s32 s20, s22  }
.Ltmp5:
0x1a9: {  	s20 =	sshll.u32 s20, $0xD;
	(pc) =	sbr.rel .LBB2_2-.Ltmp5, $4  }
0x1aa: {  	s20 =	sadd.s32 s20, s21  }
0x1ab: {  	s20 =	sshrl.u32 s20, $0x3  }
0x1ac: {  	s19 =	sadd.s32 $0x1, s19;
	s20 =	sadd.s32 s3, s20  }
0x1ad: {  	[tilespmem:s11], [sflag:$0x2] =	stream.strided.gather [hbm4b:s20+s9], $0x8000, s10, s9, $0x38;
	v63 =	vld [tilespmem:$0x0]  }
.LBB2_9:
0x1ae: {  	_ =	sfence.sel $0x180000  }
0x1af: {  	[bflag:$0x0] =	sbarrier.arrive $0xFFFF  }
0x1b0: {  	p0 =	sne.s32 s1, $0x0;
	_ =	strace $0x90000047  }
0x1b1: {  	s0 =	sadd.s32 @!p0 $0x100000, s0;
	[bflag:$0x2] =	sbarrier.arrive $0xFFFF  }
0x1b2: {  	[sflag:s0] =	ssyncadd.tile.s32 @!p0 $0x1;
	_ =	shalt  }
.Lfunc_end2:
_tile_overlayer_lowered:
.L_overlay_start_2:
0x1b3: {  	(tag) =	ssettag $0x2  }
0x1b4: {  	s0 =	rddreg [dreg:$0x0];
	s2 =	stileid.u32  }
0x1b5: {  	s1 =	rddreg [dreg:$0x1];
	p0 =	sne.s32 s2, $0x0  }
0x1b6: {  	s3 =	rddreg [dreg:$0x2];
	[bflag:$0x3] =	sbarrier.arrive $0xFFFF;
	s2 =	simm.s32 @!p0 $0x1C05  }
0x1b7: {  	[timem:s3], [sflag:s2] =	dma.local @!p0 [hbm:s0], s1  }
0x1b8: {  	s0 =	simm.s32 @!p0 $0x5  }
0x1b9: {  	_ =	swait.ge @!p0 [sflag:s0], s1  }
0x1ba: {  	s1 =	ssub.s32 @!p0 $0x0, s1;
	[sflag:s0] =	ssyncset.done @!p0 $0x0  }
0x1bb: {  	[sflag:s0] =	ssyncadd.s32 @!p0 s1  }
0x1bc: {  	[bflag:$0x3] =	sbarrier.arrive $0xFFFF  }
0x1bd: {  	_ =	shalt  }

// kernel: sparse-core-data-format-call.cloned.1.call-start
scs
called_computation_lowered:
.L_overlay_start_0:
0x0: {  	s2 =	sld [smem:$0x3FD9]  }
0x1: {  	s3 =	sld [smem:$0x3FFE];
	_ =	sdelay $0x1  }
0x2: {  	s1 =	srdreg.scid  }
0x3: {  	s0 =	sand.u32 $0x1, s1  }
0x4: {  	s18 =	sshll.u32 s0, $0xA;
	s2 =	sadd.s32 s3, s2  }
0x5: {  	s2 =	sadd.s32 s2, s18  }
0x6: {  	[smem:$0x3FC7] =	sst s2  }
0x7: {  	_ = 	snop  }
0x8: {  	s2 =	sld [smem:$0x3FD0];
	(tm) =	ssettm $0x1  }
0x9: {  	s19 =	sld [smem:$0x3FFB];
	_ =	sdelay $0x3  }
0xa: {  	_ =	strace s19  }
0xb: {  	s3 =	sld [smem:$0x3FFC];
	_ =	sdelay $0x3  }
0xc: {  	_ =	strace s3  }
0xd: {  	s3 =	sld [smem:$0x3FFD];
	_ =	sdelay $0x3  }
0xe: {  	_ =	strace s3  }
0xf: {  	_ =	strace $0x8FFFFFFF  }
0x10: {  	s20 =	sld [smem:$0x3FDB];
	_ =	sdelay $0x1  }
0x11: {  	s4 =	simm.s32 $_scs_section_size  }
0x12: {  	s5 =	simm.s32 $_size__tile_overlayer_lowered;
	s6 =	simm.s32 $_tile_overlayer_lowered  }
0x13: {  	s23 =	simm.s32 $0x1BFF;
	s22 =	sshll.u32 s6, $0x1;
	s3 =	sadd.s32 s4, s20  }
0x14: {  	s7 =	simm.s32 $0x0;
	s21 =	sshll.u32 s5, $0x1;
	s5 =	sadd.s32 s22, s3  }
0x15: {  	[timem:s7], [sflag:s23] =	dma.local [hbm:s5], s21  }
0x16: {  	_ =	swait.ge [sflag:s23], s21  }
0x17: {  	s4 =	ssub.s32 $0x0, s21;
	[sflag:s23] =	ssyncset.done $0x0  }
0x18: {  	[sflag:s23] =	ssyncadd.s32 s4;
	_ =	sdelay $0x1  }
0x19: {  	s24 =	simm.s32 $0x1B8B  }
0x1a: {  	_ =	swait.ge [sflag:s24], $0x1  }
0x1b: {  	[sflag:s24] =	ssyncset.done $0x0  }
0x1c: {  	s26 =	simm.s32 $0x1B8E;
	s25 =	sld [smem:$0x3FFE];
	[sflag:s24] =	ssyncadd.s32 $0xFFFFFFFF  }
0x1d: {  	s27 =	simm.s32 $execute0_lowered;
	[smem:$0x3FD2] =	sst s26  }
0x1e: {  	s5 =	sshll.u32 s27, $0x1;
	_ =	strace $0x80000049;
	[dreg:$0x1] =	wrdreg $0xFFFFFFFF  }
0x1f: {  	s28 =	simm.s32 $_size_execute0_lowered;
	s3 =	sadd.s32 s3, s5;
	[dreg:$0x0] =	wrdreg $0x0  }
0x20: {  	s5 =	sshll.u32 s28, $0x1;
	[dreg:$0x2] =	wrdreg s3  }
0x21: {  	[dreg:$0x3] =	wrdreg s5  }
0x22: {  	[dreg:$0x4] =	wrdreg $0xC0  }
0x23: {  	_ =	task [dreg:s7], $0x5FFFF  }
0x24: {  	[dreg:$0x1] =	wrdreg $0xFFFFFFFF  }
0x25: {  	[dreg:$0x0] =	wrdreg $0x60  }
0x26: {  	[dreg:$0x2] =	wrdreg s25  }
0x27: {  	[dreg:$0x3] =	wrdreg s2  }
0x28: {  	[dreg:$0x4] =	wrdreg $0x9  }
0x29: {  	_ =	task.clear_ibuf [dreg:s7], $0x5FFFF;
	_ =	strace $0x90000049  }
0x2a: {  	s29 =	simm.s32 $0x9;
	_ =	strace $0x8000004B  }
0x2b: {  	_ =	swait.ge [sflag:s29], $0x1  }
0x2c: {  	[sflag:s29] =	ssyncadd.s32 $0xFFFFFFFF  }
0x2d: {  	_ =	strace $0x9000004B  }
0x2e: {  	_ =	sfence  }
0x2f: {  	s30 =	sld [smem:$0x0];
	_ =	sdelay $0x2  }
0x30: {  	s31 =	sshll.u32 s1, $0xD;
	s1 =	sshrl.u32 s1, $0x2  }
0x31: {  	s3 =	sand.u32 $0x4000, s31;
	s1 =	sadd.s32 s1, s30  }
0x32: {  	s0 =	sor.u32 s3, s0;
	s1 =	sshll.u32 s1, $0x11  }
0x33: {  	s0 =	sor.u32 s1, s0  }
0x34: {  	s0 =	sadd.s32 $0x8F2B, s0  }
0x35: {  	[sflag:s0] =	ssyncadd.remote.s32 $0x1  }
0x36: {  	_ =	sfence.sel $0xFFFF  }
0x37: {  	[dreg:$0x0] =	wrdreg $0xFFFFFFFF;
	(pc) =	sbr.abs _section_cstart, $3  }
0x38: {  	[dreg:$0x1] =	wrdreg $0xFFFFFFFF  }
0x39: {  	_ =	task.clear_ibuf [dreg:s7], $0x2FFFF;
	_ =	strace $0x9FFFFFFF  }
0x3a: {  	(tm) =	ssettm $0x7FFFFFFF  }
0x3b: {  	_ =	shalt  }
tec
execute0_lowered:
.L_overlay_start_1:
0x0: {  	(tag) =	ssettag $0x1  }
0x1: {  	s3 =	rddreg [dreg:$0x0]  }
0x2: {  	s2 =	rddreg [dreg:$0x1]  }
0x3: {  	s1 =	srdreg.scid;
	s0 =	rddreg [dreg:$0x2];
	_ =	strace $0x8000004A  }
0x4: {  	s7 =	simm.s32 $0x2;
	s17 =	simm.s32 $0x0;
	p0 =	por $0x0, $0x0  }
0x5: {  	s19 =	simm.s32 $0x0;
	s18 =	simm.s32 $0x0;
	s20 =	simm.s32 $0x0  }
0x6: {  	s8 =	simm.s32 $0x0;
	s9 =	simm.s32 $0x0;
	s11 =	simm.s32 $0x0  }
0x7: {  	s12 =	simm.s32 $0x0;
	s13 =	simm.s32 $0x0;
	s15 =	simm.s32 $0x0  }
.Ltmp0:
0x8: {  	s10 =	simm.s32 $0x0;
	s4 =	sshll.u32 s1, $0x4;
	(pc) =	sbr.rel .LBB1_1-.Ltmp0, $4  }
0x9: {  	s1 =	stileid.u32;
	s3 =	sadd.s32 $0xA80800, s3;
	s4 =	sand.u32 $0x10, s4  }
0xa: {  	s5 =	sand.u32 $0x3, s1;
	s6 =	sor.u32 s1, s4;
	s4 =	simm.s32 $0x1  }
0xb: {  	s16 =	smov.u32 s5;
	[sflag:s4] =	ssyncpa.u1 $0x0;
	s6 =	sshrl.u32 s6, $0x2  }
0xc: {  	[sflag:s7] =	ssyncpa.u1 $0x0;
	s7 =	simm.s32 $0xC00;
	s14 =	smov.u32 s6  }
.LBB1_5:
0xd: {  	p1 =	slt.u32 s10, $0x2;
	s21 =	smov.u32 s20  }
0xe: {  	s24 =	smov.u32 s16;
	s10 =	sadd.s32 $0x1, s10;
	p2 =	sgt.s32 @!p1 s20, $0x3  }
0xf: {  	p0 =	por !p0, !p0;
	s22 =	sshra.s32 @!p1 s20, $0x1F;
	p2 =	por !p2, p1  }
0x10: {  	s23 =	sshra.s32 @!p1 s19, $0x1F;
	s20 =	sand.u32 @!p1 s22, s20;
	s21 =	simm.s32 @p2 $0x3  }
0x11: {  	s22 =	smov.u32 s19;
	p2 =	sgt.s32 @!p1 s19, $0xDF;
	s20 =	ssub.s32 @!p1 s21, s20  }
0x12: {  	s19 =	sand.u32 @!p1 s23, s19;
	p2 =	por !p2, p1;
	s21 =	sadd.s32 @!p1 $0xFFFFFFFD, s20  }
0x13: {  	s22 =	simm.s32 @p2 $0xDF;
	s20 =	ssub.s32 @!p1 $0x4, s20;
	p3 =	sgt.s32 @!p1 s21, $0x0  }
0x14: {  	s19 =	ssub.s32 @!p1 s22, s19;
	s22 =	sshra.s32 @!p1 s18, $0x1F;
	p2 =	por !p3, p1  }
0x15: {  	s21 =	sadd.s32 @!p1 $0xFFFFFF21, s19;
	s19 =	ssub.s32 @!p1 $0xE0, s19;
	s20 =	simm.s32 @!p2 $0x0  }
0x16: {  	p2 =	sgt.s32 @!p1 s18, $0x100;
	p3 =	sgt.s32 @!p1 s21, $0x0;
	s21 =	smov.u32 s18  }
0x17: {  	s18 =	sand.u32 @!p1 s22, s18;
	s22 =	sshra.s32 @!p1 s17, $0x1F;
	p2 =	por !p2, p1  }
0x18: {  	p3 =	por !p3, p1;
	s21 =	simm.s32 @p2 $0x100;
	p2 =	sgt.s32 @!p1 s17, $0x60  }
0x19: {  	s19 =	simm.s32 @!p3 $0x0;
	s18 =	ssub.s32 @!p1 s21, s18;
	p2 =	por !p2, p1  }
0x1a: {  	s21 =	smov.u32 s17;
	s17 =	sand.u32 @!p1 s22, s17;
	s22 =	sadd.s32 @!p1 $0xFFFFFF00, s18  }
0x1b: {  	s21 =	simm.s32 @p2 $0x60;
	s18 =	ssub.s32 @!p1 $0x180, s18;
	p2 =	sgt.s32 @!p1 s22, $0x7F  }
0x1c: {  	s17 =	ssub.s32 @!p1 s21, s17;
	s22 =	smov.u32 s14;
	p2 =	por !p2, p1  }
0x1d: {  	s21 =	sadd.s32 @!p1 $0xFFFFFFA0, s17;
	s17 =	ssub.s32 @!p1 $0xE0, s17;
	s18 =	simm.s32 @!p2 $0x0  }
0x1e: {  	p2 =	sgt.s32 @!p1 s21, $0x7F;
	s21 =	sadd.s32 $0x80, s13;
	s18 =	smul.u32 @!p1 s20, s18  }
0x1f: {  	p3 =	sgt.s32 s21, $0xDF;
	s20 =	sadd.s32 $0x8, s14;
	p2 =	por !p2, p1  }
0x20: {  	s23 =	smov.u32 s15;
	s22 =	smov.u32 @p3 s20;
	s17 =	simm.s32 @!p2 $0x0  }
0x21: {  	s18 =	smul.u32 @!p1 s19, s18;
	p2 =	sgt.s32 s22, $0xDF;
	s19 =	sadd.s32 $0x80, s15  }
0x22: {  	s25 =	simm.s32 @!p1 $0x2;
	s21 =	simm.s32 @p3 $0x0;
	s23 =	smov.u32 @p2 s19  }
0x23: {  	s17 =	smul.u32 @!p1 s17, s18;
	p3 =	sgt.s32 s23, $0x17F;
	s18 =	sadd.s32 $0x4, s16  }
0x24: {  	s20 =	smov.u32 s12;
	s12 =	smov.u32 s16;
	s24 =	smov.u32 @p3 s18  }
0x25: {  	s22 =	smov.u32 @p2 s6;
	s19 =	smov.u32 s9;
	p2 =	sgt.s32 s24, $0x3  }
0x26: {  	s9 =	smov.u32 s14;
	s24 =	smov.u32 @p2 s5;
	p2 =	sne.s32 s10, $0xAA  }
.Ltmp1:
0x27: {  	s14 =	smov.u32 s22;
	s23 =	simm.s32 @p3 $0x0;
	(pc) =	sbr.rel @!p2 .LBB1_6-.Ltmp1, $4  }
0x28: {  	s18 =	smov.u32 s11;
	s11 =	smov.u32 s15;
	s17 =	sand.u32 @!p1 $0x3FFFFFFF, s17  }
0x29: {  	s15 =	smov.u32 s23;
	_ =	swait.ge @!p1 [sflag:s25], s17;
	s26 =	ssub.s32 @!p1 $0x0, s17  }
0x2a: {  	s17 =	smov.u32 s8;
	s8 =	smov.u32 s13;
	[sflag:s25] =	ssyncset.done @!p1 $0x0  }
0x2b: {  	s13 =	smov.u32 s21;
	s16 =	smov.u32 s24;
	[sflag:s25] =	ssyncadd.s32 @!p1 s26  }
.LBB1_1:
0x2c: {  	p1 =	sgt.u32 s10, $0xA7  }
0x2d: {  	s21 =	sshll.u32 @!p1 s14, $0x8;
	s22 =	sshll.u32 @!p1 s13, $0x3  }
0x2e: {  	s23 =	sshll.u32 @!p1 s14, $0x7;
	s21 =	sand.u32 @!p1 $0xFFFFF800, s21;
	s22 =	sand.u32 @!p1 $0xFFFFFC00, s22  }
0x2f: {  	s21 =	sadd.s32 @!p1 s21, s22;
	s22 =	sand.u32 @!p1 $0x300, s23  }
0x30: {  	s21 =	sor.u32 @!p1 s22, s21  }
0x31: {  	s21 =	sshrl.u32 @!p1 s21, $0x8  }
0x32: {  	s22 =	smulhi.u32 @!p1 $0x124924A, s21  }
0x33: {  	s24 =	sxor.u32 @!p1 $0xFFFFFFFF, s10;
	s26 =	smul.u32 @!p1 $0x2A0000, s16  }
0x34: {  	s25 =	sand.u32 @!p1 $0x78, s13;
	s23 =	sand.u32 @!p1 $0x80, s23;
	s22 =	smul.u32 @!p1 $0xE0, s22  }
0x35: {  	s24 =	sshll.u32 @!p1 s24, $0xE;
	s23 =	sor.u32 @!p1 s25, s23;
	s25 =	smul.u32 @!p1 $0x1C00, s15  }
0x36: {  	s21 =	ssub.s32 @!p1 s21, s22;
	s22 =	sand.u32 @!p1 $0x4000, s24;
	s24 =	sadd.s32 @!p1 s3, s26  }
0x37: {  	s23 =	sshrl.u32 @!p1 s23, $0x3;
	s24 =	sadd.s32 @!p1 s25, s24;
	s25 =	sand.u32 @!p1 $0x7, s13  }
0x38: {  	s21 =	sshll.u32 @!p1 s21, $0x5;
	s23 =	sadd.s32 @!p1 s23, s24;
	s24 =	sshll.u32 @!p1 s25, $0x12  }
0x39: {  	s21 =	sadd.s32 @!p1 s21, s23;
	s23 =	sor.u32 @!p1 $0x80, s24;
	s24 =	simm.s32 @!p1 $0xE000  }
0x3a: {  	[tilespmem:s22], [sflag:$0x1] =	stream.strided.gather @!p1 [hbm4b:s21+s23], $0x4000, s24, s23, $0x38;
	[tilespmem:$0x10100] =	vst v63  }
0x3b: {  	p1 =	seq.s32 s10, $0x0  }
0x3c: {  	p2 =	seq.s32 @!p1 s10, $0xA9  }
0x3d: {  	p1 =	por p1, p2  }
.Ltmp2:
0x3e: {  	_ = 	snop;
	(pc) =	sbr.rel @p1 .LBB1_5-.Ltmp2, $1  }
0x3f: {  	_ =	sdelay $0x3  }
0x40: {  	s21 =	simm.s32 $0x1  }
0x41: {  	_ =	swait.ge [sflag:s4], $0x4000;
	s21 =	simm.s32 @!p0 $0x0  }
0x42: {  	[sflag:s4] =	ssyncset.done $0x0;
	s22 =	sshll.u32 s21, $0xE  }
0x43: {  	[sflag:s4] =	ssyncadd.s32 $0xFFFFC000;
	s22 =	sor.u32 $0x40, s22  }
0x44: {  	s21 =	smul.u32 $0x10200, s21;
	v0 =	vld [tilespmem:s22+$0x30]  }
0x45: {  	v1 =	vld [tilespmem:s22+$0xFFFFFFD0]  }
0x46: {  	s21 =	sshrl.u32 s21, $0x2;
	v5 =	vld [tilespmem:s22+$0xFFFFFFE0]  }
0x47: {  	v6 =	vld [tilespmem:s22+$0xFFFFFFF0];
	s23 =	sor.u32 $0x8000, s21  }
0x48: {  	s31 =	sand.u32 $0x1, s10;
	v4 =	vld [tilespmem:s22+$0x0];
	s24 =	sadd.s32 $0x0, s23  }
0x49: {  	v3 =	vld [tilespmem:s22+$0x10];
	s21 =	smul.u32 $0x10200, s31;
	[tilespmem:s24+$0x3870 ss:$0x81] =	vst.msk $0xffff, v0  }
0x4a: {  	v2 =	vld [tilespmem:s22+$0x20];
	[tilespmem:s24+$0x810 ss:$0x81] =	vst.msk $0xffff, v1  }
0x4b: {  	s21 =	sshrl.u32 s21, $0x2;
	v1 =	vld [tilespmem:s22+$0xFFFFFFC0];
	[tilespmem:s24+$0x1020 ss:$0x81] =	vst.msk $0xffff, v5;
	s22 =	sadd.s32 $0x80, s22  }
0x4c: {  	s25 =	simm.s32 $0x4;
	s26 =	simm.s32 $0x8;
	s21 =	sor.u32 $0x8000, s21;
	[tilespmem:s24+$0x1830 ss:$0x81] =	vst.msk $0xffff, v6;
	v0 =	vld [tilespmem:s22+$0x30]  }
.LBB1_3:
0x4d: {  	p1 =	sne.s32 s26, $0x1FC;
	v5 =	vld [tilespmem:s22+$0xFFFFFFD0];
	[tilespmem:s24+$0x2040 ss:$0x81] =	vst.msk $0xffff, v4  }
0x4e: {  	v6 =	vld [tilespmem:s22+$0xFFFFFFE0];
	[tilespmem:s24+$0x2850 ss:$0x81] =	vst.msk $0xffff, v3  }
0x4f: {  	s27 =	sshra.s32 s25, $0x2;
	s25 =	smov.u32 s26;
	v7 =	vld [tilespmem:s22+$0xFFFFFFF0];
	[tilespmem:s24+$0x3060 ss:$0x81] =	vst.msk $0xffff, v2  }
.Ltmp3:
0x50: {  	v4 =	vld [tilespmem:s22+$0x0];
	[tilespmem:s24+$0x0 ss:$0x81] =	vst.msk $0xffff, v1;
	s24 =	sadd.s32 s27, s23;
	(pc) =	sbr.rel @p1 .LBB1_3-.Ltmp3, $4  }
0x51: {  	v3 =	vld [tilespmem:s22+$0x10];
	[tilespmem:s24+$0x3870 ss:$0x81] =	vst.msk $0xffff, v0  }
0x52: {  	[tilespmem:s24+$0x810 ss:$0x81] =	vst.msk $0xffff, v5;
	v2 =	vld [tilespmem:s22+$0x20]  }
0x53: {  	v1 =	vld [tilespmem:s22+$0xFFFFFFC0];
	[tilespmem:s24+$0x1020 ss:$0x81] =	vst.msk $0xffff, v6;
	s22 =	sadd.s32 $0x80, s22  }
0x54: {  	s26 =	sadd.s32 $0x4, s26;
	v0 =	vld [tilespmem:s22+$0x30];
	[tilespmem:s24+$0x1830 ss:$0x81] =	vst.msk $0xffff, v7  }
0x55: {  	s26 =	sshrl.u32 s8, $0x3;
	s27 =	sshll.u32 s11, $0x3  }
0x56: {  	p1 =	sgt.s32 s12, $0x3;
	s28 =	smov.u32 s12;
	s29 =	sshra.s32 s12, $0x1F  }
0x57: {  	s30 =	sshll.u32 s8, $0x7;
	s25 =	sshra.s32 s25, $0x2;
	s26 =	smul.u32 $0xC00, s26  }
0x58: {  	s27 =	sand.u32 $0xFFFFFC00, s27;
	s28 =	simm.s32 @!p1 $0x3;
	s29 =	sand.u32 s29, s12  }
0x59: {  	s30 =	sand.u32 $0x380, s30;
	p1 =	sgt.s32 s9, $0xDF;
	s23 =	sadd.s32 s25, s23  }
0x5a: {  	s28 =	ssub.s32 s28, s29;
	s29 =	smov.u32 s9;
	s26 =	sadd.s32 s27, s26  }
0x5b: {  	s31 =	sadd.s32 $0xFFFFFFFD, s28;
	s29 =	simm.s32 @!p1 $0xDF;
	p1 =	sgt.s32 s11, $0x100  }
0x5c: {  	s26 =	sor.u32 s30, s26;
	p2 =	sgt.s32 s31, $0x0;
	s30 =	sshra.s32 s9, $0x1F  }
0x5d: {  	s31 =	sshra.s32 s11, $0x1F;
	s27 =	sand.u32 s30, s9;
	s30 =	smov.u32 s11  }
0x5e: {  	s27 =	ssub.s32 s29, s27;
	s30 =	simm.s32 @!p1 $0x100;
	s29 =	sand.u32 s31, s11  }
0x5f: {  	s28 =	ssub.s32 $0x4, s28;
	s31 =	sand.u32 $0x7F, s11;
	s29 =	ssub.s32 s30, s29  }
0x60: {  	s30 =	sadd.s32 $0xFFFFFF21, s27;
	s31 =	sor.u32 s31, s26;
	s26 =	smulhi.u32 $0xAAAAAAAB, s26  }
0x61: {  	p3 =	sgt.s32 s30, $0x0;
	s30 =	sadd.s32 $0xFFFFFF00, s29;
	s29 =	ssub.s32 $0x180, s29  }
0x62: {  	p1 =	sgt.s32 s30, $0x7F;
	s30 =	smulhi.u32 $0xAAAAAAAB, s31;
	s26 =	sshrl.u32 s26, $0x8  }
0x63: {  	[tilespmem:s24+$0x2040 ss:$0x81] =	vst.msk $0xffff, v4;
	s28 =	simm.s32 @p2 $0x0;
	s25 =	smulhi.u32 $0x124924A, s26;
	s29 =	simm.s32 @p1 $0x0  }
0x64: {  	v5 =	vld [tilespmem:s22+$0xFFFFFFD0];
	[tilespmem:s24+$0x2850 ss:$0x81] =	vst.msk $0xffff, v3;
	s30 =	sshrl.u32 s30, $0x8;
	s28 =	smul.u32 s28, s29  }
0x65: {  	v58 =	vld [tilespmem:s22+$0xFFFFFFE0];
	[tilespmem:s24+$0x3060 ss:$0x81] =	vst.msk $0xffff, v2;
	s27 =	ssub.s32 $0xE0, s27;
	s30 =	smul.u32 $0x180, s30  }
0x66: {  	v59 =	vld [tilespmem:s22+$0xFFFFFFF0];
	[tilespmem:s24+$0x0 ss:$0x81] =	vst.msk $0xffff, v1;
	s24 =	smov.u32 s8;
	s27 =	simm.s32 @p3 $0x0;
	s25 =	smul.u32 $0xE0, s25  }
0x67: {  	v60 =	vld [tilespmem:s22+$0x0];
	p1 =	sgt.s32 s8, $0x60;
	s29 =	sshra.s32 s8, $0x1F;
	s27 =	smul.u32 s27, s28  }
0x68: {  	v61 =	vld [tilespmem:s22+$0x10];
	[tilespmem:s23+$0x3870 ss:$0x81] =	vst.msk $0xffff, v0;
	s24 =	simm.s32 @!p1 $0x60;
	s29 =	sand.u32 s29, s8;
	s28 =	smul.u32 $0x24C000, s12  }
0x69: {  	v62 =	vld [tilespmem:s22+$0x20];
	[tilespmem:s23+$0x810 ss:$0x81] =	vst.msk $0xffff, v5;
	s24 =	ssub.s32 s24, s29;
	s29 =	smul.u32 $0x2A00, s9  }
0x6a: {  	v63 =	vld [tilespmem:s22+$0xFFFFFFC0];
	[tilespmem:s23+$0x1020 ss:$0x81] =	vst.msk $0xffff, v58;
	s30 =	ssub.s32 s31, s30;
	s31 =	ssub.s32 s26, s25;
	s26 =	sadd.s32 $0xFFFFFFA0, s24  }
0x6b: {  	[tilespmem:s23+$0x1830 ss:$0x81] =	vst.msk $0xffff, v59;
	s24 =	ssub.s32 $0xE0, s24;
	p1 =	sgt.s32 s26, $0x7F;
	s22 =	smul.u32 $0x30, s31  }
.Ltmp4:
0x6c: {  	[tilespmem:s23+$0x2040 ss:$0x81] =	vst.msk $0xffff, v60;
	s26 =	sadd.s32 s2, s28;
	s24 =	simm.s32 @p1 $0x0;
	(pc) =	sbr.rel .LBB1_5-.Ltmp4, $4  }
0x6d: {  	[tilespmem:s23+$0x2850 ss:$0x81] =	vst.msk $0xffff, v61;
	s31 =	sand.u32 $0x7, s30;
	s25 =	sadd.s32 s29, s26;
	s24 =	smul.u32 s24, s27  }
0x6e: {  	[tilespmem:s23+$0x3060 ss:$0x81] =	vst.msk $0xffff, v62;
	s28 =	sshrl.u32 s30, $0x3;
	s29 =	sshll.u32 s31, $0x12;
	s22 =	sadd.s32 s22, s25  }
0x6f: {  	[tilespmem:s23+$0x0 ss:$0x81] =	vst.msk $0xffff, v63;
	s31 =	sor.u32 $0x400, s29;
	s22 =	sadd.s32 s28, s22;
	s30 =	sand.u32 $0x3FFFFFFF, s24  }
0x70: {  	[hbm4b:s22+s31] =	stream.strided.scatter [tilespmem:s21], [sflag:$0x2], s30, s7, s31, $0x20;
	[tilespmem:$0x10100] =	vst v63  }
.LBB1_6:
0x71: {  	_ =	sfence.sel $0x180000  }
0x72: {  	s2 =	simm.s32 $0x1;
	[bflag:$0x0] =	sbarrier.arrive $0xFFFF  }
0x73: {  	s31 =	simm.s32 $0x2;
	[sflag:s2] =	ssyncpa.u1 $0x1  }
0x74: {  	[sflag:s31] =	ssyncpa.u1 $0x1  }
0x75: {  	p0 =	sne.s32 s1, $0x0;
	_ =	strace $0x9000004A  }
0x76: {  	s0 =	sadd.s32 @!p0 $0x100000, s0;
	[bflag:$0x2] =	sbarrier.arrive $0xFFFF  }
0x77: {  	[sflag:s0] =	ssyncadd.tile.s32 @!p0 $0x1;
	_ =	shalt  }
.Lfunc_end1:
_tile_overlayer_lowered:
.L_overlay_start_2:
0x78: {  	(tag) =	ssettag $0x2  }
0x79: {  	s0 =	rddreg [dreg:$0x0];
	s2 =	stileid.u32  }
0x7a: {  	s1 =	rddreg [dreg:$0x1];
	p0 =	sne.s32 s2, $0x0  }
0x7b: {  	s3 =	rddreg [dreg:$0x2];
	[bflag:$0x3] =	sbarrier.arrive $0xFFFF;
	s2 =	simm.s32 @!p0 $0x1C01  }
0x7c: {  	[timem:s3], [sflag:s2] =	dma.local @!p0 [hbm:s0], s1  }
0x7d: {  	s0 =	simm.s32 @!p0 $0x1  }
0x7e: {  	_ =	swait.ge @!p0 [sflag:s0], s1  }
0x7f: {  	s1 =	ssub.s32 @!p0 $0x0, s1;
	[sflag:s0] =	ssyncset.done @!p0 $0x0  }
0x80: {  	[sflag:s0] =	ssyncadd.s32 @!p0 s1  }
0x81: {  	[bflag:$0x3] =	sbarrier.arrive $0xFFFF  }
0x82: {  	_ =	shalt  }

</sc_bundles>
